<compile_context>
chip_gen: v7x
topology: tpu7x:2x2x1
jax: 0.10.2.dev20260603
libtpu: 0.0.44.dev20260713+nightly
codegen_flags: <defaults>
</compile_context>

<pallas_src>
import functools

import jax
import jax.numpy as jnp
from jax import lax
from jax.experimental import pallas as pl
from jax.experimental.pallas import tpu as pltpu
from jax.experimental.pallas import tpu_sc as plsc

VOCAB = 1000000
EMB = 64
NC = 2
NS = 16
NW = NC * NS
NPAIR = VOCAB // 2
NFULL = VOCAB // 128
TAIL_V0 = NFULL * 128
TAIL_W = 4

_MESH = plsc.VectorSubcoreMesh(
    core_axis_name="c", subcore_axis_name="s",
    num_cores=NC, num_subcores=NS,
)
_PARAMS = pltpu.CompilerParams(
    use_tc_tiling_on_sc=True, needs_layout_passes=False
)


def _wid():
    return lax.axis_index("s") * NC + lax.axis_index("c")


_TCV = 3584
_TCG = TAIL_V0 // _TCV


def _relayout_body(x_ref, o_ref):
    y = x_ref[...].T
    o_ref[...] = jnp.concatenate([y, y], axis=1)


_phase_a = pl.pallas_call(
    _relayout_body,
    out_shape=jax.ShapeDtypeStruct((VOCAB, 128), jnp.float32),
    grid=(_TCG,),
    in_specs=[pl.BlockSpec((EMB, _TCV), lambda g: (0, g))],
    out_specs=pl.BlockSpec((_TCV, 128), lambda g: (g, 0)),
)


def _tail_body(tab_ref, tail_ref, o_ref):
    o_ref[...] = tail_ref[...]


_tail_fix = pl.pallas_call(
    _tail_body,
    out_shape=jax.ShapeDtypeStruct((VOCAB, 128), jnp.float32),
    grid=(1,),
    in_specs=[
        pl.BlockSpec((8, 128), lambda g: (0, 0)),
        pl.BlockSpec((64, 128), lambda g: (0, 0)),
    ],
    out_specs=pl.BlockSpec((64, 128), lambda g: (TAIL_V0 // 64, 0)),
    input_output_aliases={0: 0},
)


@functools.partial(
    pl.kernel,
    out_type=jax.ShapeDtypeStruct((200, EMB, 4096), jnp.float32),
    mesh=_MESH,
    scratch_types=[
        pltpu.VMEM((2, 128), jnp.int32),
        pltpu.VMEM((2, 128, 128), jnp.float32),
        pltpu.VMEM((2, EMB, 128), jnp.float32),
        pltpu.SemaphoreType.DMA((2,)),
        pltpu.SemaphoreType.DMA((2,)),
        pltpu.SemaphoreType.DMA((2,)),
    ],
    compiler_params=_PARAMS,
)
def _phase_b(tok_t, tabp, outp, idxb, rowb, outt, isem, gsem, wsem):
    w = _wid()
    iota = lax.iota(jnp.int32, 16)
    nunits = 200

    def unit_tb(i):
        u = w * nunits + i
        return u // 32, lax.rem(u, 32)

    def start_idx(i):
        t, bb = unit_tb(i)
        pltpu.async_copy(
            tok_t.at[t, pl.ds(bb * 128, 128)], idxb.at[i % 2], isem.at[i % 2]
        )

    start_idx(0)

    def step(i, _):
        buf = lax.rem(i, 2)
        pbuf = lax.rem(i + 1, 2)

        pltpu.make_async_copy(
            tok_t.at[0, pl.ds(0, 128)], idxb.at[buf], isem.at[buf]
        ).wait()
        pltpu.async_copy(tabp.at[idxb.at[buf]], rowb.at[buf], gsem.at[buf])

        @pl.when(i == 0)
        def _():
            start_idx(1)

        @pl.when(i >= 1)
        def _():
            t, bb = unit_tb(i - 1)
            pltpu.make_async_copy(
                tabp.at[pl.ds(0, 128)], rowb.at[pbuf], gsem.at[pbuf]
            ).wait()

            @pl.when(i + 1 < nunits)
            def _():
                start_idx(i + 1)

            @pl.when(i >= 3)
            def _():
                pltpu.make_async_copy(
                    outt.at[pbuf], outp.at[0, :, pl.ds(0, 128)], wsem.at[pbuf]
                ).wait()

            @plsc.parallel_loop(0, EMB, 1, unroll=16)
            def _erow(e):
                cols = jnp.full((16,), e, jnp.int32)
                for k in range(8):
                    rows = iota + (16 * k)
                    outt[pbuf, e, pl.ds(16 * k, 16)] = plsc.load_gather(
                        rowb.at[pbuf], [rows, cols]
                    )
            pltpu.async_copy(
                outt.at[pbuf], outp.at[t, :, pl.ds(bb * 128, 128)],
                wsem.at[pbuf],
            )
        return ()

    lax.fori_loop(0, nunits, step, (), unroll=False)

    last = lax.rem(nunits - 1, 2)
    t, bb = unit_tb(nunits - 1)
    pltpu.make_async_copy(
        tabp.at[pl.ds(0, 128)], rowb.at[last], gsem.at[last]
    ).wait()
    pltpu.make_async_copy(
        outt.at[last], outp.at[0, :, pl.ds(0, 128)], wsem.at[last]
    ).wait()

    @plsc.parallel_loop(0, EMB, 1, unroll=16)
    def _erow(e):
        cols = jnp.full((16,), e, jnp.int32)
        for k in range(8):
            rows = iota + (16 * k)
            outt[last, e, pl.ds(16 * k, 16)] = plsc.load_gather(
                rowb.at[last], [rows, cols]
            )
    pltpu.sync_copy(outt.at[last], outp.at[t, :, pl.ds(bb * 128, 128)])
    pltpu.make_async_copy(
        outt.at[1 - last], outp.at[0, :, pl.ds(0, 128)], wsem.at[1 - last]
    ).wait()


def kernel(token_ids, embeddings):
    tok_t = token_ids.T
    emb_t = embeddings.T
    tabp = _phase_a(emb_t)
    tail3 = embeddings[TAIL_V0:]
    tabp = _tail_fix(tabp, jnp.pad(tail3, ((0, 0), (0, 64))))
    out_phys = _phase_b(tok_t, tabp)
    return jnp.transpose(out_phys, (2, 0, 1))

# --- scband reference (transcript-rebuilt; emitter-appended) ---
"""Pipeline reference for scband-embedding-32495722561714 (READ-ONLY COPY).

The authoritative reference and input builder live on the scoring server;
editing this copy changes nothing except your own understanding.
"""

import jax, jax.numpy as jnp
import numpy as np

VOCAB = 1000000
EMB_DIM = 64
BATCH = 4096
HIST = 200

def setup_inputs(seed: int = 0) -> dict:
    key = jax.random.key(seed)
    k1, k2 = jax.random.split(key)
    token_ids = jax.random.randint(k1, (BATCH, HIST), 0, VOCAB, dtype=jnp.int64 if jax.config.jax_enable_x64 else jnp.int32)
    # Learned parameter: embedding table, trunc-normal init approximated by clipped normal
    embeddings = jnp.clip(jax.random.normal(k2, (VOCAB, EMB_DIM), dtype=jnp.float32), -3.0, 3.0)
    return {"token_ids": token_ids, "embeddings": embeddings}

def reference(token_ids, embeddings):
    # Faithful translation: per-batch row gather from the embedding table.
    # The torch loop `embed_mat[b] = self.embeddings[batch]` is exactly a
    # row-gather over axis 0, vectorized here as jnp.take.
    embed_mat = jnp.take(embeddings, token_ids, axis=0)  # [B, L, emb_dim]
    return embed_mat

if __name__ == "__main__":
    import jax
    _d = setup_inputs()
    print(jax.jit(kernel)(*tuple(_d.values())))

</pallas_src>

<mosaic_0001>
#map = affine_map<(d0, d1) -> (0, 0)>
#map1 = affine_map<(d0, d1) -> (0, 0, 0)>
module attributes {stable_mosaic.version = 14 : i64} {
  func.func @_phase_b(%arg0: i32, %arg1: i32, %arg2: memref<200x4096xi32, #tpu.memory_space<hbm>>, %arg3: memref<1000000x128xf32, #tpu.memory_space<hbm>>, %arg4: memref<200x64x4096xf32, #tpu.memory_space<hbm>>, %arg5: memref<2x128xi32, #tpu.memory_space<vmem>>, %arg6: memref<2x128x128xf32, #tpu.memory_space<vmem>>, %arg7: memref<2x64x128xf32, #tpu.memory_space<vmem>>, %arg8: memref<2x!tpu.dma_semaphore, #tpu.memory_space<semaphore_mem>>, %arg9: memref<2x!tpu.dma_semaphore, #tpu.memory_space<semaphore_mem>>, %arg10: memref<2x!tpu.dma_semaphore, #tpu.memory_space<semaphore_mem>>) attributes {dimension_semantics = [#tpu.dimension_semantics<core_parallel>, #tpu.dimension_semantics<subcore_parallel>], iteration_bounds = array<i64: 2, 16>, scalar_prefetch = 0 : i64, scratch_operands = 6 : i64, tpu.core_type = #tpu.core_type<sc_vector_subcore>, window_params = [{transform_indices = #map}, {transform_indices = #map}, {transform_indices = #map1}]} {
    %mul3A = arith.constant 2 : i32
    %mul3A_0 = arith.muli %arg1, %mul3A : i32
    %add3A = arith.addi %mul3A_0, %arg0 : i32
    %iota3A = tpu.iota {dimensions = array<i32: 0>} : vector<16xi32>
    %mul3A_1 = arith.constant 200 : i32
    %mul3A_2 = arith.muli %add3A, %mul3A_1 : i32
    %add3A_3 = arith.constant 0 : i32
    %add3A_4 = arith.addi %mul3A_2, %add3A_3 : i32
    %jit3A = arith.constant 32 : i32
    %div3A = arith.divsi %add3A_4, %jit3A : i32
    %sign3A = arith.constant 0 : i32
    %sign3A_5 = arith.cmpi sgt, %add3A_4, %sign3A : i32
    %sign3A_6 = arith.extui %sign3A_5 : i1 to i32
    %sign3A_7 = arith.constant 0 : i32
    %sign3A_8 = arith.cmpi slt, %add3A_4, %sign3A_7 : i32
    %sign3A_9 = arith.extui %sign3A_8 : i1 to i32
    %sign3A_10 = arith.subi %sign3A_6, %sign3A_9 : i32
    %sign3A_11 = arith.constant 0 : i32
    %sign3A_12 = arith.cmpi sgt, %jit3A, %sign3A_11 : i32
    %sign3A_13 = arith.extui %sign3A_12 : i1 to i32
    %sign3A_14 = arith.constant 0 : i32
    %sign3A_15 = arith.cmpi slt, %jit3A, %sign3A_14 : i32
    %sign3A_16 = arith.extui %sign3A_15 : i1 to i32
    %sign3A_17 = arith.subi %sign3A_13, %sign3A_16 : i32
    %ne3A = arith.cmpi ne, %sign3A_10, %sign3A_17 : i32
    %rem3A = arith.remsi %add3A_4, %jit3A : i32
    %ne3A_18 = arith.constant 0 : i32
    %ne3A_19 = arith.cmpi ne, %rem3A, %ne3A_18 : i32
    %and3A = arith.andi %ne3A, %ne3A_19 : i1
    %sub3A = arith.constant 1 : i32
    %sub3A_20 = arith.subi %div3A, %sub3A : i32
    %select_n3A = arith.select %and3A, %sub3A_20, %div3A : i32
    %rem3A_21 = arith.constant 32 : i32
    %rem3A_22 = arith.remsi %add3A_4, %rem3A_21 : i32
    %mul3A_23 = arith.constant 128 : i32
    %mul3A_24 = arith.muli %rem3A_22, %mul3A_23 : i32
    %dma_start3A = arith.constant 0 : i32
    %dma_start3A_25 = arith.constant 0 : i32
    %dma_start3A_26 = arith.constant 0 : i32
    %dma_start3A_27 = tpu.memref_slice %arg5[%dma_start3A, %dma_start3A_26] : memref<2x128xi32, #tpu.memory_space<vmem>> -> memref<1x128xi32, #tpu.memory_space<vmem>>
    %dma_start3A_28 = tpu.memref_squeeze %dma_start3A_27 : memref<1x128xi32, #tpu.memory_space<vmem>> -> memref<128xi32, #tpu.memory_space<vmem>>
    %dma_start3A_29 = tpu.memref_slice %arg2[%select_n3A, %mul3A_24] : memref<200x4096xi32, #tpu.memory_space<hbm>> -> memref<1x128xi32, #tpu.memory_space<hbm>>
    %dma_start3A_30 = tpu.memref_squeeze %dma_start3A_29 : memref<1x128xi32, #tpu.memory_space<hbm>> -> memref<128xi32, #tpu.memory_space<hbm>>
    %dma_start3A_31 = tpu.memref_slice %arg8[%dma_start3A_25] : memref<2x!tpu.dma_semaphore, #tpu.memory_space<semaphore_mem>> -> memref<1x!tpu.dma_semaphore, #tpu.memory_space<semaphore_mem>>
    %dma_start3A_32 = tpu.memref_squeeze %dma_start3A_31 : memref<1x!tpu.dma_semaphore, #tpu.memory_space<semaphore_mem>> -> memref<!tpu.dma_semaphore, #tpu.memory_space<semaphore_mem>>
    %dma_start3A_33 = arith.constant 0 : i32
    %dma_start3A_34 = tpu.memref_slice %arg5[%dma_start3A, %dma_start3A_33] : memref<2x128xi32, #tpu.memory_space<vmem>> -> memref<1x128xi32, #tpu.memory_space<vmem>>
    %dma_start3A_35 = tpu.memref_squeeze %dma_start3A_34 : memref<1x128xi32, #tpu.memory_space<vmem>> -> memref<128xi32, #tpu.memory_space<vmem>>
    %dma_start3A_36 = tpu.memref_slice %arg2[%select_n3A, %mul3A_24] : memref<200x4096xi32, #tpu.memory_space<hbm>> -> memref<1x128xi32, #tpu.memory_space<hbm>>
    %dma_start3A_37 = tpu.memref_squeeze %dma_start3A_36 : memref<1x128xi32, #tpu.memory_space<hbm>> -> memref<128xi32, #tpu.memory_space<hbm>>
    tpu.enqueue_dma source(%dma_start3A_37 : memref<128xi32, #tpu.memory_space<hbm>>) target(%dma_start3A_35 : memref<128xi32, #tpu.memory_space<vmem>>) target_semaphore(%dma_start3A_32 : memref<!tpu.dma_semaphore, #tpu.memory_space<semaphore_mem>>)
    %scan3A = arith.constant 0 : i32
    %scan3A_38 = arith.constant 200 : i32
    %scan3A_39 = arith.addi %scan3A, %scan3A_38 : i32
    %scan3A_40 = arith.constant 1 : i32
    scf.for %scan3A_136 = %scan3A to %scan3A_39 step %scan3A_40  : i32 {
      %rem3A_137 = arith.constant 2 : i32
      %rem3A_138 = arith.remsi %scan3A_136, %rem3A_137 : i32
      %add3A_139 = arith.constant 1 : i32
      %add3A_140 = arith.addi %scan3A_136, %add3A_139 : i32
      %rem3A_141 = arith.constant 2 : i32
      %rem3A_142 = arith.remsi %add3A_140, %rem3A_141 : i32
      %dma_wait3A_143 = arith.constant 0 : i32
      %dma_wait3A_144 = arith.constant 0 : i32
      %dma_wait3A_145 = tpu.memref_slice %arg5[%rem3A_138, %dma_wait3A_144] : memref<2x128xi32, #tpu.memory_space<vmem>> -> memref<1x128xi32, #tpu.memory_space<vmem>>
      %dma_wait3A_146 = tpu.memref_squeeze %dma_wait3A_145 : memref<1x128xi32, #tpu.memory_space<vmem>> -> memref<128xi32, #tpu.memory_space<vmem>>
      %dma_wait3A_147 = arith.constant 0 : i32
      %dma_wait3A_148 = tpu.memref_slice %arg2[%dma_wait3A_143, %dma_wait3A_147] : memref<200x4096xi32, #tpu.memory_space<hbm>> -> memref<1x128xi32, #tpu.memory_space<hbm>>
      %dma_wait3A_149 = tpu.memref_squeeze %dma_wait3A_148 : memref<1x128xi32, #tpu.memory_space<hbm>> -> memref<128xi32, #tpu.memory_space<hbm>>
      %dma_wait3A_150 = tpu.memref_slice %arg8[%rem3A_138] : memref<2x!tpu.dma_semaphore, #tpu.memory_space<semaphore_mem>> -> memref<1x!tpu.dma_semaphore, #tpu.memory_space<semaphore_mem>>
      %dma_wait3A_151 = tpu.memref_squeeze %dma_wait3A_150 : memref<1x!tpu.dma_semaphore, #tpu.memory_space<semaphore_mem>> -> memref<!tpu.dma_semaphore, #tpu.memory_space<semaphore_mem>>
      %dma_wait3A_152 = arith.constant 0 : i32
      %dma_wait3A_153 = tpu.memref_slice %arg5[%rem3A_138, %dma_wait3A_152] : memref<2x128xi32, #tpu.memory_space<vmem>> -> memref<1x128xi32, #tpu.memory_space<vmem>>
      %dma_wait3A_154 = tpu.memref_squeeze %dma_wait3A_153 : memref<1x128xi32, #tpu.memory_space<vmem>> -> memref<128xi32, #tpu.memory_space<vmem>>
      %dma_wait3A_155 = arith.constant 0 : i32
      %dma_wait3A_156 = tpu.memref_slice %arg2[%dma_wait3A_143, %dma_wait3A_155] : memref<200x4096xi32, #tpu.memory_space<hbm>> -> memref<1x128xi32, #tpu.memory_space<hbm>>
      %dma_wait3A_157 = tpu.memref_squeeze %dma_wait3A_156 : memref<1x128xi32, #tpu.memory_space<hbm>> -> memref<128xi32, #tpu.memory_space<hbm>>
      tpu.wait_dma2 semaphore(%dma_wait3A_151 : memref<!tpu.dma_semaphore, #tpu.memory_space<semaphore_mem>>) src(%dma_wait3A_157 : memref<128xi32, #tpu.memory_space<hbm>>) dst(%dma_wait3A_154 : memref<128xi32, #tpu.memory_space<vmem>>)
      %dma_start3A_158 = arith.constant 0 : i32
      %dma_start3A_159 = arith.constant 0 : i32
      %dma_start3A_160 = tpu.memref_slice %arg6[%rem3A_138, %dma_start3A_158, %dma_start3A_159] : memref<2x128x128xf32, #tpu.memory_space<vmem>> -> memref<1x128x128xf32, #tpu.memory_space<vmem>>
      %dma_start3A_161 = tpu.memref_squeeze %dma_start3A_160 : memref<1x128x128xf32, #tpu.memory_space<vmem>> -> memref<128x128xf32, #tpu.memory_space<vmem>>
      %dma_start3A_162 = arith.constant 0 : i32
      %dma_start3A_163 = tpu.memref_slice %arg5[%rem3A_138, %dma_start3A_162] : memref<2x128xi32, #tpu.memory_space<vmem>> -> memref<1x128xi32, #tpu.memory_space<vmem>>
      %dma_start3A_164 = tpu.memref_squeeze %dma_start3A_163 : memref<1x128xi32, #tpu.memory_space<vmem>> -> memref<128xi32, #tpu.memory_space<vmem>>
      %dma_start3A_165 = arith.constant 0 : i32
      %dma_start3A_166 = arith.constant 0 : i32
      %dma_start3A_167 = tpu.memref_slice %arg3[%dma_start3A_165, %dma_start3A_166] : memref<1000000x128xf32, #tpu.memory_space<hbm>> -> memref<1000000x128xf32, #tpu.memory_space<hbm>>
      %dma_start3A_168 = tpu.memref_slice %arg9[%rem3A_138] : memref<2x!tpu.dma_semaphore, #tpu.memory_space<semaphore_mem>> -> memref<1x!tpu.dma_semaphore, #tpu.memory_space<semaphore_mem>>
      %dma_start3A_169 = tpu.memref_squeeze %dma_start3A_168 : memref<1x!tpu.dma_semaphore, #tpu.memory_space<semaphore_mem>> -> memref<!tpu.dma_semaphore, #tpu.memory_space<semaphore_mem>>
      tpu.enqueue_indirect_dma source(%dma_start3A_167 : memref<1000000x128xf32, #tpu.memory_space<hbm>>) target(%dma_start3A_161 : memref<128x128xf32, #tpu.memory_space<vmem>>) offsets(%dma_start3A_164 : memref<128xi32, #tpu.memory_space<vmem>>) semaphore(%dma_start3A_169 : memref<!tpu.dma_semaphore, #tpu.memory_space<semaphore_mem>>)
      %eq3A = arith.constant 0 : i32
      %eq3A_170 = arith.cmpi eq, %scan3A_136, %eq3A : i32
      %convert_element_type3A = arith.extui %eq3A_170 : i1 to i32
      %cond3A = arith.constant 0 : i32
      %cond3A_171 = arith.cmpi ne, %convert_element_type3A, %cond3A : i32
      scf.if %cond3A_171 {
        %mul3A_176 = arith.constant 200 : i32
        %mul3A_177 = arith.muli %add3A, %mul3A_176 : i32
        %add3A_178 = arith.constant 1 : i32
        %add3A_179 = arith.addi %mul3A_177, %add3A_178 : i32
        %jit3A_180 = arith.constant 32 : i32
        %div3A_181 = arith.divsi %add3A_179, %jit3A_180 : i32
        %sign3A_182 = arith.constant 0 : i32
        %sign3A_183 = arith.cmpi sgt, %add3A_179, %sign3A_182 : i32
        %sign3A_184 = arith.extui %sign3A_183 : i1 to i32
        %sign3A_185 = arith.constant 0 : i32
        %sign3A_186 = arith.cmpi slt, %add3A_179, %sign3A_185 : i32
        %sign3A_187 = arith.extui %sign3A_186 : i1 to i32
        %sign3A_188 = arith.subi %sign3A_184, %sign3A_187 : i32
        %sign3A_189 = arith.constant 0 : i32
        %sign3A_190 = arith.cmpi sgt, %jit3A_180, %sign3A_189 : i32
        %sign3A_191 = arith.extui %sign3A_190 : i1 to i32
        %sign3A_192 = arith.constant 0 : i32
        %sign3A_193 = arith.cmpi slt, %jit3A_180, %sign3A_192 : i32
        %sign3A_194 = arith.extui %sign3A_193 : i1 to i32
        %sign3A_195 = arith.subi %sign3A_191, %sign3A_194 : i32
        %ne3A_196 = arith.cmpi ne, %sign3A_188, %sign3A_195 : i32
        %rem3A_197 = arith.remsi %add3A_179, %jit3A_180 : i32
        %ne3A_198 = arith.constant 0 : i32
        %ne3A_199 = arith.cmpi ne, %rem3A_197, %ne3A_198 : i32
        %and3A_200 = arith.andi %ne3A_196, %ne3A_199 : i1
        %sub3A_201 = arith.constant 1 : i32
        %sub3A_202 = arith.subi %div3A_181, %sub3A_201 : i32
        %select_n3A_203 = arith.select %and3A_200, %sub3A_202, %div3A_181 : i32
        %rem3A_204 = arith.constant 32 : i32
        %rem3A_205 = arith.remsi %add3A_179, %rem3A_204 : i32
        %mul3A_206 = arith.constant 128 : i32
        %mul3A_207 = arith.muli %rem3A_205, %mul3A_206 : i32
        %dma_start3A_208 = arith.constant 1 : i32
        %dma_start3A_209 = arith.constant 1 : i32
        %dma_start3A_210 = arith.constant 0 : i32
        %dma_start3A_211 = tpu.memref_slice %arg5[%dma_start3A_208, %dma_start3A_210] : memref<2x128xi32, #tpu.memory_space<vmem>> -> memref<1x128xi32, #tpu.memory_space<vmem>>
        %dma_start3A_212 = tpu.memref_squeeze %dma_start3A_211 : memref<1x128xi32, #tpu.memory_space<vmem>> -> memref<128xi32, #tpu.memory_space<vmem>>
        %dma_start3A_213 = tpu.memref_slice %arg2[%select_n3A_203, %mul3A_207] : memref<200x4096xi32, #tpu.memory_space<hbm>> -> memref<1x128xi32, #tpu.memory_space<hbm>>
        %dma_start3A_214 = tpu.memref_squeeze %dma_start3A_213 : memref<1x128xi32, #tpu.memory_space<hbm>> -> memref<128xi32, #tpu.memory_space<hbm>>
        %dma_start3A_215 = tpu.memref_slice %arg8[%dma_start3A_209] : memref<2x!tpu.dma_semaphore, #tpu.memory_space<semaphore_mem>> -> memref<1x!tpu.dma_semaphore, #tpu.memory_space<semaphore_mem>>
        %dma_start3A_216 = tpu.memref_squeeze %dma_start3A_215 : memref<1x!tpu.dma_semaphore, #tpu.memory_space<semaphore_mem>> -> memref<!tpu.dma_semaphore, #tpu.memory_space<semaphore_mem>>
        %dma_start3A_217 = arith.constant 0 : i32
        %dma_start3A_218 = tpu.memref_slice %arg5[%dma_start3A_208, %dma_start3A_217] : memref<2x128xi32, #tpu.memory_space<vmem>> -> memref<1x128xi32, #tpu.memory_space<vmem>>
        %dma_start3A_219 = tpu.memref_squeeze %dma_start3A_218 : memref<1x128xi32, #tpu.memory_space<vmem>> -> memref<128xi32, #tpu.memory_space<vmem>>
        %dma_start3A_220 = tpu.memref_slice %arg2[%select_n3A_203, %mul3A_207] : memref<200x4096xi32, #tpu.memory_space<hbm>> -> memref<1x128xi32, #tpu.memory_space<hbm>>
        %dma_start3A_221 = tpu.memref_squeeze %dma_start3A_220 : memref<1x128xi32, #tpu.memory_space<hbm>> -> memref<128xi32, #tpu.memory_space<hbm>>
        tpu.enqueue_dma source(%dma_start3A_221 : memref<128xi32, #tpu.memory_space<hbm>>) target(%dma_start3A_219 : memref<128xi32, #tpu.memory_space<vmem>>) target_semaphore(%dma_start3A_216 : memref<!tpu.dma_semaphore, #tpu.memory_space<semaphore_mem>>)
      } else {
      }
      %ge3A = arith.constant 1 : i32
      %ge3A_172 = arith.cmpi sge, %scan3A_136, %ge3A : i32
      %convert_element_type3A_173 = arith.extui %ge3A_172 : i1 to i32
      %cond3A_174 = arith.constant 0 : i32
      %cond3A_175 = arith.cmpi ne, %convert_element_type3A_173, %cond3A_174 : i32
      scf.if %cond3A_175 {
        %sub3A_176 = arith.constant 1 : i32
        %sub3A_177 = arith.subi %scan3A_136, %sub3A_176 : i32
        %mul3A_178 = arith.constant 200 : i32
        %mul3A_179 = arith.muli %add3A, %mul3A_178 : i32
        %add3A_180 = arith.addi %mul3A_179, %sub3A_177 : i32
        %jit3A_181 = arith.constant 32 : i32
        %div3A_182 = arith.divsi %add3A_180, %jit3A_181 : i32
        %sign3A_183 = arith.constant 0 : i32
        %sign3A_184 = arith.cmpi sgt, %add3A_180, %sign3A_183 : i32
        %sign3A_185 = arith.extui %sign3A_184 : i1 to i32
        %sign3A_186 = arith.constant 0 : i32
        %sign3A_187 = arith.cmpi slt, %add3A_180, %sign3A_186 : i32
        %sign3A_188 = arith.extui %sign3A_187 : i1 to i32
        %sign3A_189 = arith.subi %sign3A_185, %sign3A_188 : i32
        %sign3A_190 = arith.constant 0 : i32
        %sign3A_191 = arith.cmpi sgt, %jit3A_181, %sign3A_190 : i32
        %sign3A_192 = arith.extui %sign3A_191 : i1 to i32
        %sign3A_193 = arith.constant 0 : i32
        %sign3A_194 = arith.cmpi slt, %jit3A_181, %sign3A_193 : i32
        %sign3A_195 = arith.extui %sign3A_194 : i1 to i32
        %sign3A_196 = arith.subi %sign3A_192, %sign3A_195 : i32
        %ne3A_197 = arith.cmpi ne, %sign3A_189, %sign3A_196 : i32
        %rem3A_198 = arith.remsi %add3A_180, %jit3A_181 : i32
        %ne3A_199 = arith.constant 0 : i32
        %ne3A_200 = arith.cmpi ne, %rem3A_198, %ne3A_199 : i32
        %and3A_201 = arith.andi %ne3A_197, %ne3A_200 : i1
        %sub3A_202 = arith.constant 1 : i32
        %sub3A_203 = arith.subi %div3A_182, %sub3A_202 : i32
        %select_n3A_204 = arith.select %and3A_201, %sub3A_203, %div3A_182 : i32
        %rem3A_205 = arith.constant 32 : i32
        %rem3A_206 = arith.remsi %add3A_180, %rem3A_205 : i32
        %dma_wait3A_207 = arith.constant 0 : i32
        %dma_wait3A_208 = arith.constant 0 : i32
        %dma_wait3A_209 = tpu.memref_slice %arg6[%rem3A_142, %dma_wait3A_207, %dma_wait3A_208] : memref<2x128x128xf32, #tpu.memory_space<vmem>> -> memref<1x128x128xf32, #tpu.memory_space<vmem>>
        %dma_wait3A_210 = tpu.memref_squeeze %dma_wait3A_209 : memref<1x128x128xf32, #tpu.memory_space<vmem>> -> memref<128x128xf32, #tpu.memory_space<vmem>>
        %dma_wait3A_211 = arith.constant 0 : i32
        %dma_wait3A_212 = arith.constant 0 : i32
        %dma_wait3A_213 = tpu.memref_slice %arg3[%dma_wait3A_211, %dma_wait3A_212] : memref<1000000x128xf32, #tpu.memory_space<hbm>> -> memref<128x128xf32, #tpu.memory_space<hbm>>
        %dma_wait3A_214 = tpu.memref_slice %arg9[%rem3A_142] : memref<2x!tpu.dma_semaphore, #tpu.memory_space<semaphore_mem>> -> memref<1x!tpu.dma_semaphore, #tpu.memory_space<semaphore_mem>>
        %dma_wait3A_215 = tpu.memref_squeeze %dma_wait3A_214 : memref<1x!tpu.dma_semaphore, #tpu.memory_space<semaphore_mem>> -> memref<!tpu.dma_semaphore, #tpu.memory_space<semaphore_mem>>
        %dma_wait3A_216 = arith.constant 0 : i32
        %dma_wait3A_217 = arith.constant 0 : i32
        %dma_wait3A_218 = tpu.memref_slice %arg6[%rem3A_142, %dma_wait3A_216, %dma_wait3A_217] : memref<2x128x128xf32, #tpu.memory_space<vmem>> -> memref<1x128x128xf32, #tpu.memory_space<vmem>>
        %dma_wait3A_219 = tpu.memref_squeeze %dma_wait3A_218 : memref<1x128x128xf32, #tpu.memory_space<vmem>> -> memref<128x128xf32, #tpu.memory_space<vmem>>
        %dma_wait3A_220 = arith.constant 0 : i32
        %dma_wait3A_221 = arith.constant 0 : i32
        %dma_wait3A_222 = tpu.memref_slice %arg3[%dma_wait3A_220, %dma_wait3A_221] : memref<1000000x128xf32, #tpu.memory_space<hbm>> -> memref<128x128xf32, #tpu.memory_space<hbm>>
        tpu.wait_dma2 semaphore(%dma_wait3A_215 : memref<!tpu.dma_semaphore, #tpu.memory_space<semaphore_mem>>) src(%dma_wait3A_222 : memref<128x128xf32, #tpu.memory_space<hbm>>) dst(%dma_wait3A_219 : memref<128x128xf32, #tpu.memory_space<vmem>>)
        %add3A_223 = arith.constant 1 : i32
        %add3A_224 = arith.addi %scan3A_136, %add3A_223 : i32
        %lt3A = arith.constant 200 : i32
        %lt3A_225 = arith.cmpi slt, %add3A_224, %lt3A : i32
        %convert_element_type3A_226 = arith.extui %lt3A_225 : i1 to i32
        %cond3A_227 = arith.constant 0 : i32
        %cond3A_228 = arith.cmpi ne, %convert_element_type3A_226, %cond3A_227 : i32
        scf.if %cond3A_228 {
          %add3A_255 = arith.constant 1 : i32
          %add3A_256 = arith.addi %scan3A_136, %add3A_255 : i32
          %mul3A_257 = arith.constant 200 : i32
          %mul3A_258 = arith.muli %add3A, %mul3A_257 : i32
          %add3A_259 = arith.addi %mul3A_258, %add3A_256 : i32
          %jit3A_260 = arith.constant 32 : i32
          %div3A_261 = arith.divsi %add3A_259, %jit3A_260 : i32
          %sign3A_262 = arith.constant 0 : i32
          %sign3A_263 = arith.cmpi sgt, %add3A_259, %sign3A_262 : i32
          %sign3A_264 = arith.extui %sign3A_263 : i1 to i32
          %sign3A_265 = arith.constant 0 : i32
          %sign3A_266 = arith.cmpi slt, %add3A_259, %sign3A_265 : i32
          %sign3A_267 = arith.extui %sign3A_266 : i1 to i32
          %sign3A_268 = arith.subi %sign3A_264, %sign3A_267 : i32
          %sign3A_269 = arith.constant 0 : i32
          %sign3A_270 = arith.cmpi sgt, %jit3A_260, %sign3A_269 : i32
          %sign3A_271 = arith.extui %sign3A_270 : i1 to i32
          %sign3A_272 = arith.constant 0 : i32
          %sign3A_273 = arith.cmpi slt, %jit3A_260, %sign3A_272 : i32
          %sign3A_274 = arith.extui %sign3A_273 : i1 to i32
          %sign3A_275 = arith.subi %sign3A_271, %sign3A_274 : i32
          %ne3A_276 = arith.cmpi ne, %sign3A_268, %sign3A_275 : i32
          %rem3A_277 = arith.remsi %add3A_259, %jit3A_260 : i32
          %ne3A_278 = arith.constant 0 : i32
          %ne3A_279 = arith.cmpi ne, %rem3A_277, %ne3A_278 : i32
          %and3A_280 = arith.andi %ne3A_276, %ne3A_279 : i1
          %sub3A_281 = arith.constant 1 : i32
          %sub3A_282 = arith.subi %div3A_261, %sub3A_281 : i32
          %select_n3A_283 = arith.select %and3A_280, %sub3A_282, %div3A_261 : i32
          %rem3A_284 = arith.constant 32 : i32
          %rem3A_285 = arith.remsi %add3A_259, %rem3A_284 : i32
          %mul3A_286 = arith.constant 128 : i32
          %mul3A_287 = arith.muli %rem3A_285, %mul3A_286 : i32
          %jit3A_288 = arith.constant 2 : i32
          %eq3A_289 = arith.constant 0 : i32
          %eq3A_290 = arith.cmpi eq, %jit3A_288, %eq3A_289 : i32
          %jit3A_291 = arith.constant 1 : i32
          %select_n3A_292 = arith.select %eq3A_290, %jit3A_291, %jit3A_288 : i32
          %rem3A_293 = arith.remsi %add3A_256, %select_n3A_292 : i32
          %ne3A_294 = arith.constant 0 : i32
          %ne3A_295 = arith.cmpi ne, %rem3A_293, %ne3A_294 : i32
          %lt3A_296 = arith.constant 0 : i32
          %lt3A_297 = arith.cmpi slt, %rem3A_293, %lt3A_296 : i32
          %lt3A_298 = arith.constant 0 : i32
          %lt3A_299 = arith.cmpi slt, %select_n3A_292, %lt3A_298 : i32
          %ne3A_300 = arith.xori %lt3A_297, %lt3A_299 : i1
          %and3A_301 = arith.andi %ne3A_300, %ne3A_295 : i1
          %add3A_302 = arith.addi %rem3A_293, %select_n3A_292 : i32
          %select_n3A_303 = arith.select %and3A_301, %add3A_302, %rem3A_293 : i32
          %jit3A_304 = arith.constant 2 : i32
          %eq3A_305 = arith.constant 0 : i32
          %eq3A_306 = arith.cmpi eq, %jit3A_304, %eq3A_305 : i32
          %jit3A_307 = arith.constant 1 : i32
          %select_n3A_308 = arith.select %eq3A_306, %jit3A_307, %jit3A_304 : i32
          %rem3A_309 = arith.remsi %add3A_256, %select_n3A_308 : i32
          %ne3A_310 = arith.constant 0 : i32
          %ne3A_311 = arith.cmpi ne, %rem3A_309, %ne3A_310 : i32
          %lt3A_312 = arith.constant 0 : i32
          %lt3A_313 = arith.cmpi slt, %rem3A_309, %lt3A_312 : i32
          %lt3A_314 = arith.constant 0 : i32
          %lt3A_315 = arith.cmpi slt, %select_n3A_308, %lt3A_314 : i32
          %ne3A_316 = arith.xori %lt3A_313, %lt3A_315 : i1
          %and3A_317 = arith.andi %ne3A_316, %ne3A_311 : i1
          %add3A_318 = arith.addi %rem3A_309, %select_n3A_308 : i32
          %select_n3A_319 = arith.select %and3A_317, %add3A_318, %rem3A_309 : i32
          %dma_start3A_320 = arith.constant 0 : i32
          %dma_start3A_321 = tpu.memref_slice %arg5[%select_n3A_303, %dma_start3A_320] : memref<2x128xi32, #tpu.memory_space<vmem>> -> memref<1x128xi32, #tpu.memory_space<vmem>>
          %dma_start3A_322 = tpu.memref_squeeze %dma_start3A_321 : memref<1x128xi32, #tpu.memory_space<vmem>> -> memref<128xi32, #tpu.memory_space<vmem>>
          %dma_start3A_323 = tpu.memref_slice %arg2[%select_n3A_283, %mul3A_287] : memref<200x4096xi32, #tpu.memory_space<hbm>> -> memref<1x128xi32, #tpu.memory_space<hbm>>
          %dma_start3A_324 = tpu.memref_squeeze %dma_start3A_323 : memref<1x128xi32, #tpu.memory_space<hbm>> -> memref<128xi32, #tpu.memory_space<hbm>>
          %dma_start3A_325 = tpu.memref_slice %arg8[%select_n3A_319] : memref<2x!tpu.dma_semaphore, #tpu.memory_space<semaphore_mem>> -> memref<1x!tpu.dma_semaphore, #tpu.memory_space<semaphore_mem>>
          %dma_start3A_326 = tpu.memref_squeeze %dma_start3A_325 : memref<1x!tpu.dma_semaphore, #tpu.memory_space<semaphore_mem>> -> memref<!tpu.dma_semaphore, #tpu.memory_space<semaphore_mem>>
          %dma_start3A_327 = arith.constant 0 : i32
          %dma_start3A_328 = tpu.memref_slice %arg5[%select_n3A_303, %dma_start3A_327] : memref<2x128xi32, #tpu.memory_space<vmem>> -> memref<1x128xi32, #tpu.memory_space<vmem>>
          %dma_start3A_329 = tpu.memref_squeeze %dma_start3A_328 : memref<1x128xi32, #tpu.memory_space<vmem>> -> memref<128xi32, #tpu.memory_space<vmem>>
          %dma_start3A_330 = tpu.memref_slice %arg2[%select_n3A_283, %mul3A_287] : memref<200x4096xi32, #tpu.memory_space<hbm>> -> memref<1x128xi32, #tpu.memory_space<hbm>>
          %dma_start3A_331 = tpu.memref_squeeze %dma_start3A_330 : memref<1x128xi32, #tpu.memory_space<hbm>> -> memref<128xi32, #tpu.memory_space<hbm>>
          tpu.enqueue_dma source(%dma_start3A_331 : memref<128xi32, #tpu.memory_space<hbm>>) target(%dma_start3A_329 : memref<128xi32, #tpu.memory_space<vmem>>) target_semaphore(%dma_start3A_326 : memref<!tpu.dma_semaphore, #tpu.memory_space<semaphore_mem>>)
        } else {
        }
        %ge3A_229 = arith.constant 3 : i32
        %ge3A_230 = arith.cmpi sge, %scan3A_136, %ge3A_229 : i32
        %convert_element_type3A_231 = arith.extui %ge3A_230 : i1 to i32
        %cond3A_232 = arith.constant 0 : i32
        %cond3A_233 = arith.cmpi ne, %convert_element_type3A_231, %cond3A_232 : i32
        scf.if %cond3A_233 {
          %dma_wait3A_255 = arith.constant 0 : i32
          %dma_wait3A_256 = arith.constant 0 : i32
          %dma_wait3A_257 = arith.constant 0 : i32
          %dma_wait3A_258 = tpu.memref_slice %arg7[%rem3A_142, %dma_wait3A_256, %dma_wait3A_257] : memref<2x64x128xf32, #tpu.memory_space<vmem>> -> memref<1x64x128xf32, #tpu.memory_space<vmem>>
          %dma_wait3A_259 = tpu.memref_squeeze %dma_wait3A_258 : memref<1x64x128xf32, #tpu.memory_space<vmem>> -> memref<64x128xf32, #tpu.memory_space<vmem>>
          %dma_wait3A_260 = arith.constant 0 : i32
          %dma_wait3A_261 = arith.constant 0 : i32
          %dma_wait3A_262 = tpu.memref_slice %arg4[%dma_wait3A_255, %dma_wait3A_260, %dma_wait3A_261] : memref<200x64x4096xf32, #tpu.memory_space<hbm>> -> memref<1x64x128xf32, #tpu.memory_space<hbm>>
          %dma_wait3A_263 = tpu.memref_squeeze %dma_wait3A_262 : memref<1x64x128xf32, #tpu.memory_space<hbm>> -> memref<64x128xf32, #tpu.memory_space<hbm>>
          %dma_wait3A_264 = tpu.memref_slice %arg10[%rem3A_142] : memref<2x!tpu.dma_semaphore, #tpu.memory_space<semaphore_mem>> -> memref<1x!tpu.dma_semaphore, #tpu.memory_space<semaphore_mem>>
          %dma_wait3A_265 = tpu.memref_squeeze %dma_wait3A_264 : memref<1x!tpu.dma_semaphore, #tpu.memory_space<semaphore_mem>> -> memref<!tpu.dma_semaphore, #tpu.memory_space<semaphore_mem>>
          %dma_wait3A_266 = arith.constant 0 : i32
          %dma_wait3A_267 = arith.constant 0 : i32
          %dma_wait3A_268 = tpu.memref_slice %arg4[%dma_wait3A_255, %dma_wait3A_266, %dma_wait3A_267] : memref<200x64x4096xf32, #tpu.memory_space<hbm>> -> memref<1x64x128xf32, #tpu.memory_space<hbm>>
          %dma_wait3A_269 = tpu.memref_squeeze %dma_wait3A_268 : memref<1x64x128xf32, #tpu.memory_space<hbm>> -> memref<64x128xf32, #tpu.memory_space<hbm>>
          %dma_wait3A_270 = arith.constant 0 : i32
          %dma_wait3A_271 = arith.constant 0 : i32
          %dma_wait3A_272 = tpu.memref_slice %arg7[%rem3A_142, %dma_wait3A_270, %dma_wait3A_271] : memref<2x64x128xf32, #tpu.memory_space<vmem>> -> memref<1x64x128xf32, #tpu.memory_space<vmem>>
          %dma_wait3A_273 = tpu.memref_squeeze %dma_wait3A_272 : memref<1x64x128xf32, #tpu.memory_space<vmem>> -> memref<64x128xf32, #tpu.memory_space<vmem>>
          tpu.wait_dma2 semaphore(%dma_wait3A_265 : memref<!tpu.dma_semaphore, #tpu.memory_space<semaphore_mem>>) src(%dma_wait3A_273 : memref<64x128xf32, #tpu.memory_space<vmem>>) dst(%dma_wait3A_269 : memref<64x128xf32, #tpu.memory_space<hbm>>)
        } else {
        }
        %parallel_loop3A_234 = arith.constant 0 : i32
        %parallel_loop3A_235 = arith.constant 64 : i32
        %parallel_loop3A_236 = arith.constant 1 : i32
        scf.for %parallel_loop3A_255 = %parallel_loop3A_234 to %parallel_loop3A_235 step %parallel_loop3A_236  : i32 {
          %parallel_loop3A_256 = vector.broadcast %parallel_loop3A_255 : i32 to vector<16xi32>
          %parallel_loop3A_257 = arith.constant 0 : i32
          %parallel_loop3A_258 = vector.broadcast %parallel_loop3A_257 : i32 to vector<16xi32>
          %parallel_loop3A_259 = arith.addi %iota3A, %parallel_loop3A_258 : vector<16xi32>
          %parallel_loop3A_260 = arith.constant 0 : i32
          %parallel_loop3A_261 = arith.constant 0 : i32
          %parallel_loop3A_262 = tpu.memref_slice %arg6[%rem3A_142, %parallel_loop3A_260, %parallel_loop3A_261] : memref<2x128x128xf32, #tpu.memory_space<vmem>> -> memref<1x128x128xf32, #tpu.memory_space<vmem>>
          %parallel_loop3A_263 = tpu.memref_squeeze %parallel_loop3A_262 : memref<1x128x128xf32, #tpu.memory_space<vmem>> -> memref<128x128xf32, #tpu.memory_space<vmem>>
          %parallel_loop3A_264 = tpu.vector_load_idx %parallel_loop3A_263[%parallel_loop3A_259, %parallel_loop3A_256] : memref<128x128xf32, #tpu.memory_space<vmem>>[vector<16xi32>, vector<16xi32>], vector<16xf32>,
          %parallel_loop3A_265 = arith.index_cast %rem3A_142 : i32 to index
          %parallel_loop3A_266 = arith.index_cast %parallel_loop3A_255 : i32 to index
          %parallel_loop3A_267 = arith.constant 0 : index
          %parallel_loop3A_268 = tpu.vector_load %arg7[%parallel_loop3A_265, %parallel_loop3A_266, %parallel_loop3A_267] {strides = array<i32>} : memref<2x64x128xf32, #tpu.memory_space<vmem>>, vector<16xf32>,
          tpu.vector_store %arg7[%parallel_loop3A_265, %parallel_loop3A_266, %parallel_loop3A_267], %parallel_loop3A_264 {strides = array<i32>} : memref<2x64x128xf32, #tpu.memory_space<vmem>>, vector<16xf32>,
          %parallel_loop3A_269 = arith.constant 16 : i32
          %parallel_loop3A_270 = vector.broadcast %parallel_loop3A_269 : i32 to vector<16xi32>
          %parallel_loop3A_271 = arith.addi %iota3A, %parallel_loop3A_270 : vector<16xi32>
          %parallel_loop3A_272 = arith.constant 0 : i32
          %parallel_loop3A_273 = arith.constant 0 : i32
          %parallel_loop3A_274 = tpu.memref_slice %arg6[%rem3A_142, %parallel_loop3A_272, %parallel_loop3A_273] : memref<2x128x128xf32, #tpu.memory_space<vmem>> -> memref<1x128x128xf32, #tpu.memory_space<vmem>>
          %parallel_loop3A_275 = tpu.memref_squeeze %parallel_loop3A_274 : memref<1x128x128xf32, #tpu.memory_space<vmem>> -> memref<128x128xf32, #tpu.memory_space<vmem>>
          %parallel_loop3A_276 = tpu.vector_load_idx %parallel_loop3A_275[%parallel_loop3A_271, %parallel_loop3A_256] : memref<128x128xf32, #tpu.memory_space<vmem>>[vector<16xi32>, vector<16xi32>], vector<16xf32>,
          %parallel_loop3A_277 = arith.index_cast %rem3A_142 : i32 to index
          %parallel_loop3A_278 = arith.index_cast %parallel_loop3A_255 : i32 to index
          %parallel_loop3A_279 = arith.constant 16 : index
          %parallel_loop3A_280 = tpu.vector_load %arg7[%parallel_loop3A_277, %parallel_loop3A_278, %parallel_loop3A_279] {strides = array<i32>} : memref<2x64x128xf32, #tpu.memory_space<vmem>>, vector<16xf32>,
          tpu.vector_store %arg7[%parallel_loop3A_277, %parallel_loop3A_278, %parallel_loop3A_279], %parallel_loop3A_276 {strides = array<i32>} : memref<2x64x128xf32, #tpu.memory_space<vmem>>, vector<16xf32>,
          %parallel_loop3A_281 = arith.constant 32 : i32
          %parallel_loop3A_282 = vector.broadcast %parallel_loop3A_281 : i32 to vector<16xi32>
          %parallel_loop3A_283 = arith.addi %iota3A, %parallel_loop3A_282 : vector<16xi32>
          %parallel_loop3A_284 = arith.constant 0 : i32
          %parallel_loop3A_285 = arith.constant 0 : i32
          %parallel_loop3A_286 = tpu.memref_slice %arg6[%rem3A_142, %parallel_loop3A_284, %parallel_loop3A_285] : memref<2x128x128xf32, #tpu.memory_space<vmem>> -> memref<1x128x128xf32, #tpu.memory_space<vmem>>
          %parallel_loop3A_287 = tpu.memref_squeeze %parallel_loop3A_286 : memref<1x128x128xf32, #tpu.memory_space<vmem>> -> memref<128x128xf32, #tpu.memory_space<vmem>>
          %parallel_loop3A_288 = tpu.vector_load_idx %parallel_loop3A_287[%parallel_loop3A_283, %parallel_loop3A_256] : memref<128x128xf32, #tpu.memory_space<vmem>>[vector<16xi32>, vector<16xi32>], vector<16xf32>,
          %parallel_loop3A_289 = arith.index_cast %rem3A_142 : i32 to index
          %parallel_loop3A_290 = arith.index_cast %parallel_loop3A_255 : i32 to index
          %parallel_loop3A_291 = arith.constant 32 : index
          %parallel_loop3A_292 = tpu.vector_load %arg7[%parallel_loop3A_289, %parallel_loop3A_290, %parallel_loop3A_291] {strides = array<i32>} : memref<2x64x128xf32, #tpu.memory_space<vmem>>, vector<16xf32>,
          tpu.vector_store %arg7[%parallel_loop3A_289, %parallel_loop3A_290, %parallel_loop3A_291], %parallel_loop3A_288 {strides = array<i32>} : memref<2x64x128xf32, #tpu.memory_space<vmem>>, vector<16xf32>,
          %parallel_loop3A_293 = arith.constant 48 : i32
          %parallel_loop3A_294 = vector.broadcast %parallel_loop3A_293 : i32 to vector<16xi32>
          %parallel_loop3A_295 = arith.addi %iota3A, %parallel_loop3A_294 : vector<16xi32>
          %parallel_loop3A_296 = arith.constant 0 : i32
          %parallel_loop3A_297 = arith.constant 0 : i32
          %parallel_loop3A_298 = tpu.memref_slice %arg6[%rem3A_142, %parallel_loop3A_296, %parallel_loop3A_297] : memref<2x128x128xf32, #tpu.memory_space<vmem>> -> memref<1x128x128xf32, #tpu.memory_space<vmem>>
          %parallel_loop3A_299 = tpu.memref_squeeze %parallel_loop3A_298 : memref<1x128x128xf32, #tpu.memory_space<vmem>> -> memref<128x128xf32, #tpu.memory_space<vmem>>
          %parallel_loop3A_300 = tpu.vector_load_idx %parallel_loop3A_299[%parallel_loop3A_295, %parallel_loop3A_256] : memref<128x128xf32, #tpu.memory_space<vmem>>[vector<16xi32>, vector<16xi32>], vector<16xf32>,
          %parallel_loop3A_301 = arith.index_cast %rem3A_142 : i32 to index
          %parallel_loop3A_302 = arith.index_cast %parallel_loop3A_255 : i32 to index
          %parallel_loop3A_303 = arith.constant 48 : index
          %parallel_loop3A_304 = tpu.vector_load %arg7[%parallel_loop3A_301, %parallel_loop3A_302, %parallel_loop3A_303] {strides = array<i32>} : memref<2x64x128xf32, #tpu.memory_space<vmem>>, vector<16xf32>,
          tpu.vector_store %arg7[%parallel_loop3A_301, %parallel_loop3A_302, %parallel_loop3A_303], %parallel_loop3A_300 {strides = array<i32>} : memref<2x64x128xf32, #tpu.memory_space<vmem>>, vector<16xf32>,
          %parallel_loop3A_305 = arith.constant 64 : i32
          %parallel_loop3A_306 = vector.broadcast %parallel_loop3A_305 : i32 to vector<16xi32>
          %parallel_loop3A_307 = arith.addi %iota3A, %parallel_loop3A_306 : vector<16xi32>
          %parallel_loop3A_308 = arith.constant 0 : i32
          %parallel_loop3A_309 = arith.constant 0 : i32
          %parallel_loop3A_310 = tpu.memref_slice %arg6[%rem3A_142, %parallel_loop3A_308, %parallel_loop3A_309] : memref<2x128x128xf32, #tpu.memory_space<vmem>> -> memref<1x128x128xf32, #tpu.memory_space<vmem>>
          %parallel_loop3A_311 = tpu.memref_squeeze %parallel_loop3A_310 : memref<1x128x128xf32, #tpu.memory_space<vmem>> -> memref<128x128xf32, #tpu.memory_space<vmem>>
          %parallel_loop3A_312 = tpu.vector_load_idx %parallel_loop3A_311[%parallel_loop3A_307, %parallel_loop3A_256] : memref<128x128xf32, #tpu.memory_space<vmem>>[vector<16xi32>, vector<16xi32>], vector<16xf32>,
          %parallel_loop3A_313 = arith.index_cast %rem3A_142 : i32 to index
          %parallel_loop3A_314 = arith.index_cast %parallel_loop3A_255 : i32 to index
          %parallel_loop3A_315 = arith.constant 64 : index
          %parallel_loop3A_316 = tpu.vector_load %arg7[%parallel_loop3A_313, %parallel_loop3A_314, %parallel_loop3A_315] {strides = array<i32>} : memref<2x64x128xf32, #tpu.memory_space<vmem>>, vector<16xf32>,
          tpu.vector_store %arg7[%parallel_loop3A_313, %parallel_loop3A_314, %parallel_loop3A_315], %parallel_loop3A_312 {strides = array<i32>} : memref<2x64x128xf32, #tpu.memory_space<vmem>>, vector<16xf32>,
          %parallel_loop3A_317 = arith.constant 80 : i32
          %parallel_loop3A_318 = vector.broadcast %parallel_loop3A_317 : i32 to vector<16xi32>
          %parallel_loop3A_319 = arith.addi %iota3A, %parallel_loop3A_318 : vector<16xi32>
          %parallel_loop3A_320 = arith.constant 0 : i32
          %parallel_loop3A_321 = arith.constant 0 : i32
          %parallel_loop3A_322 = tpu.memref_slice %arg6[%rem3A_142, %parallel_loop3A_320, %parallel_loop3A_321] : memref<2x128x128xf32, #tpu.memory_space<vmem>> -> memref<1x128x128xf32, #tpu.memory_space<vmem>>
          %parallel_loop3A_323 = tpu.memref_squeeze %parallel_loop3A_322 : memref<1x128x128xf32, #tpu.memory_space<vmem>> -> memref<128x128xf32, #tpu.memory_space<vmem>>
          %parallel_loop3A_324 = tpu.vector_load_idx %parallel_loop3A_323[%parallel_loop3A_319, %parallel_loop3A_256] : memref<128x128xf32, #tpu.memory_space<vmem>>[vector<16xi32>, vector<16xi32>], vector<16xf32>,
          %parallel_loop3A_325 = arith.index_cast %rem3A_142 : i32 to index
          %parallel_loop3A_326 = arith.index_cast %parallel_loop3A_255 : i32 to index
          %parallel_loop3A_327 = arith.constant 80 : index
          %parallel_loop3A_328 = tpu.vector_load %arg7[%parallel_loop3A_325, %parallel_loop3A_326, %parallel_loop3A_327] {strides = array<i32>} : memref<2x64x128xf32, #tpu.memory_space<vmem>>, vector<16xf32>,
          tpu.vector_store %arg7[%parallel_loop3A_325, %parallel_loop3A_326, %parallel_loop3A_327], %parallel_loop3A_324 {strides = array<i32>} : memref<2x64x128xf32, #tpu.memory_space<vmem>>, vector<16xf32>,
          %parallel_loop3A_329 = arith.constant 96 : i32
          %parallel_loop3A_330 = vector.broadcast %parallel_loop3A_329 : i32 to vector<16xi32>
          %parallel_loop3A_331 = arith.addi %iota3A, %parallel_loop3A_330 : vector<16xi32>
          %parallel_loop3A_332 = arith.constant 0 : i32
          %parallel_loop3A_333 = arith.constant 0 : i32
          %parallel_loop3A_334 = tpu.memref_slice %arg6[%rem3A_142, %parallel_loop3A_332, %parallel_loop3A_333] : memref<2x128x128xf32, #tpu.memory_space<vmem>> -> memref<1x128x128xf32, #tpu.memory_space<vmem>>
          %parallel_loop3A_335 = tpu.memref_squeeze %parallel_loop3A_334 : memref<1x128x128xf32, #tpu.memory_space<vmem>> -> memref<128x128xf32, #tpu.memory_space<vmem>>
          %parallel_loop3A_336 = tpu.vector_load_idx %parallel_loop3A_335[%parallel_loop3A_331, %parallel_loop3A_256] : memref<128x128xf32, #tpu.memory_space<vmem>>[vector<16xi32>, vector<16xi32>], vector<16xf32>,
          %parallel_loop3A_337 = arith.index_cast %rem3A_142 : i32 to index
          %parallel_loop3A_338 = arith.index_cast %parallel_loop3A_255 : i32 to index
          %parallel_loop3A_339 = arith.constant 96 : index
          %parallel_loop3A_340 = tpu.vector_load %arg7[%parallel_loop3A_337, %parallel_loop3A_338, %parallel_loop3A_339] {strides = array<i32>} : memref<2x64x128xf32, #tpu.memory_space<vmem>>, vector<16xf32>,
          tpu.vector_store %arg7[%parallel_loop3A_337, %parallel_loop3A_338, %parallel_loop3A_339], %parallel_loop3A_336 {strides = array<i32>} : memref<2x64x128xf32, #tpu.memory_space<vmem>>, vector<16xf32>,
          %parallel_loop3A_341 = arith.constant 112 : i32
          %parallel_loop3A_342 = vector.broadcast %parallel_loop3A_341 : i32 to vector<16xi32>
          %parallel_loop3A_343 = arith.addi %iota3A, %parallel_loop3A_342 : vector<16xi32>
          %parallel_loop3A_344 = arith.constant 0 : i32
          %parallel_loop3A_345 = arith.constant 0 : i32
          %parallel_loop3A_346 = tpu.memref_slice %arg6[%rem3A_142, %parallel_loop3A_344, %parallel_loop3A_345] : memref<2x128x128xf32, #tpu.memory_space<vmem>> -> memref<1x128x128xf32, #tpu.memory_space<vmem>>
          %parallel_loop3A_347 = tpu.memref_squeeze %parallel_loop3A_346 : memref<1x128x128xf32, #tpu.memory_space<vmem>> -> memref<128x128xf32, #tpu.memory_space<vmem>>
          %parallel_loop3A_348 = tpu.vector_load_idx %parallel_loop3A_347[%parallel_loop3A_343, %parallel_loop3A_256] : memref<128x128xf32, #tpu.memory_space<vmem>>[vector<16xi32>, vector<16xi32>], vector<16xf32>,
          %parallel_loop3A_349 = arith.index_cast %rem3A_142 : i32 to index
          %parallel_loop3A_350 = arith.index_cast %parallel_loop3A_255 : i32 to index
          %parallel_loop3A_351 = arith.constant 112 : index
          %parallel_loop3A_352 = tpu.vector_load %arg7[%parallel_loop3A_349, %parallel_loop3A_350, %parallel_loop3A_351] {strides = array<i32>} : memref<2x64x128xf32, #tpu.memory_space<vmem>>, vector<16xf32>,
          tpu.vector_store %arg7[%parallel_loop3A_349, %parallel_loop3A_350, %parallel_loop3A_351], %parallel_loop3A_348 {strides = array<i32>} : memref<2x64x128xf32, #tpu.memory_space<vmem>>, vector<16xf32>,
        } {sc.loop_unroll_factor = 16 : i64, sc.parallel_access}
        %mul3A_237 = arith.constant 128 : i32
        %mul3A_238 = arith.muli %rem3A_206, %mul3A_237 : i32
        %dma_start3A_239 = arith.constant 0 : i32
        %dma_start3A_240 = arith.constant 0 : i32
        %dma_start3A_241 = tpu.memref_slice %arg7[%rem3A_142, %dma_start3A_239, %dma_start3A_240] : memref<2x64x128xf32, #tpu.memory_space<vmem>> -> memref<1x64x128xf32, #tpu.memory_space<vmem>>
        %dma_start3A_242 = tpu.memref_squeeze %dma_start3A_241 : memref<1x64x128xf32, #tpu.memory_space<vmem>> -> memref<64x128xf32, #tpu.memory_space<vmem>>
        %dma_start3A_243 = arith.constant 0 : i32
        %dma_start3A_244 = tpu.memref_slice %arg4[%select_n3A_204, %dma_start3A_243, %mul3A_238] : memref<200x64x4096xf32, #tpu.memory_space<hbm>> -> memref<1x64x128xf32, #tpu.memory_space<hbm>>
        %dma_start3A_245 = tpu.memref_squeeze %dma_start3A_244 : memref<1x64x128xf32, #tpu.memory_space<hbm>> -> memref<64x128xf32, #tpu.memory_space<hbm>>
        %dma_start3A_246 = tpu.memref_slice %arg10[%rem3A_142] : memref<2x!tpu.dma_semaphore, #tpu.memory_space<semaphore_mem>> -> memref<1x!tpu.dma_semaphore, #tpu.memory_space<semaphore_mem>>
        %dma_start3A_247 = tpu.memref_squeeze %dma_start3A_246 : memref<1x!tpu.dma_semaphore, #tpu.memory_space<semaphore_mem>> -> memref<!tpu.dma_semaphore, #tpu.memory_space<semaphore_mem>>
        %dma_start3A_248 = arith.constant 0 : i32
        %dma_start3A_249 = tpu.memref_slice %arg4[%select_n3A_204, %dma_start3A_248, %mul3A_238] : memref<200x64x4096xf32, #tpu.memory_space<hbm>> -> memref<1x64x128xf32, #tpu.memory_space<hbm>>
        %dma_start3A_250 = tpu.memref_squeeze %dma_start3A_249 : memref<1x64x128xf32, #tpu.memory_space<hbm>> -> memref<64x128xf32, #tpu.memory_space<hbm>>
        %dma_start3A_251 = arith.constant 0 : i32
        %dma_start3A_252 = arith.constant 0 : i32
        %dma_start3A_253 = tpu.memref_slice %arg7[%rem3A_142, %dma_start3A_251, %dma_start3A_252] : memref<2x64x128xf32, #tpu.memory_space<vmem>> -> memref<1x64x128xf32, #tpu.memory_space<vmem>>
        %dma_start3A_254 = tpu.memref_squeeze %dma_start3A_253 : memref<1x64x128xf32, #tpu.memory_space<vmem>> -> memref<64x128xf32, #tpu.memory_space<vmem>>
        tpu.enqueue_dma source(%dma_start3A_254 : memref<64x128xf32, #tpu.memory_space<vmem>>) target(%dma_start3A_250 : memref<64x128xf32, #tpu.memory_space<hbm>>) target_semaphore(%dma_start3A_247 : memref<!tpu.dma_semaphore, #tpu.memory_space<semaphore_mem>>)
      } else {
      }
    }
    %scan3A_41 = arith.constant 200 : i32
    %rem3A_42 = arith.constant 199 : i32
    %rem3A_43 = arith.constant 2 : i32
    %rem3A_44 = arith.remsi %rem3A_42, %rem3A_43 : i32
    %mul3A_45 = arith.constant 200 : i32
    %mul3A_46 = arith.muli %add3A, %mul3A_45 : i32
    %add3A_47 = arith.constant 199 : i32
    %add3A_48 = arith.addi %mul3A_46, %add3A_47 : i32
    %jit3A_49 = arith.constant 32 : i32
    %div3A_50 = arith.divsi %add3A_48, %jit3A_49 : i32
    %sign3A_51 = arith.constant 0 : i32
    %sign3A_52 = arith.cmpi sgt, %add3A_48, %sign3A_51 : i32
    %sign3A_53 = arith.extui %sign3A_52 : i1 to i32
    %sign3A_54 = arith.constant 0 : i32
    %sign3A_55 = arith.cmpi slt, %add3A_48, %sign3A_54 : i32
    %sign3A_56 = arith.extui %sign3A_55 : i1 to i32
    %sign3A_57 = arith.subi %sign3A_53, %sign3A_56 : i32
    %sign3A_58 = arith.constant 0 : i32
    %sign3A_59 = arith.cmpi sgt, %jit3A_49, %sign3A_58 : i32
    %sign3A_60 = arith.extui %sign3A_59 : i1 to i32
    %sign3A_61 = arith.constant 0 : i32
    %sign3A_62 = arith.cmpi slt, %jit3A_49, %sign3A_61 : i32
    %sign3A_63 = arith.extui %sign3A_62 : i1 to i32
    %sign3A_64 = arith.subi %sign3A_60, %sign3A_63 : i32
    %ne3A_65 = arith.cmpi ne, %sign3A_57, %sign3A_64 : i32
    %rem3A_66 = arith.remsi %add3A_48, %jit3A_49 : i32
    %ne3A_67 = arith.constant 0 : i32
    %ne3A_68 = arith.cmpi ne, %rem3A_66, %ne3A_67 : i32
    %and3A_69 = arith.andi %ne3A_65, %ne3A_68 : i1
    %sub3A_70 = arith.constant 1 : i32
    %sub3A_71 = arith.subi %div3A_50, %sub3A_70 : i32
    %select_n3A_72 = arith.select %and3A_69, %sub3A_71, %div3A_50 : i32
    %rem3A_73 = arith.constant 32 : i32
    %rem3A_74 = arith.remsi %add3A_48, %rem3A_73 : i32
    %dma_wait3A = arith.constant 0 : i32
    %dma_wait3A_75 = arith.constant 0 : i32
    %dma_wait3A_76 = tpu.memref_slice %arg6[%rem3A_44, %dma_wait3A, %dma_wait3A_75] : memref<2x128x128xf32, #tpu.memory_space<vmem>> -> memref<1x128x128xf32, #tpu.memory_space<vmem>>
    %dma_wait3A_77 = tpu.memref_squeeze %dma_wait3A_76 : memref<1x128x128xf32, #tpu.memory_space<vmem>> -> memref<128x128xf32, #tpu.memory_space<vmem>>
    %dma_wait3A_78 = arith.constant 0 : i32
    %dma_wait3A_79 = arith.constant 0 : i32
    %dma_wait3A_80 = tpu.memref_slice %arg3[%dma_wait3A_78, %dma_wait3A_79] : memref<1000000x128xf32, #tpu.memory_space<hbm>> -> memref<128x128xf32, #tpu.memory_space<hbm>>
    %dma_wait3A_81 = tpu.memref_slice %arg9[%rem3A_44] : memref<2x!tpu.dma_semaphore, #tpu.memory_space<semaphore_mem>> -> memref<1x!tpu.dma_semaphore, #tpu.memory_space<semaphore_mem>>
    %dma_wait3A_82 = tpu.memref_squeeze %dma_wait3A_81 : memref<1x!tpu.dma_semaphore, #tpu.memory_space<semaphore_mem>> -> memref<!tpu.dma_semaphore, #tpu.memory_space<semaphore_mem>>
    %dma_wait3A_83 = arith.constant 0 : i32
    %dma_wait3A_84 = arith.constant 0 : i32
    %dma_wait3A_85 = tpu.memref_slice %arg6[%rem3A_44, %dma_wait3A_83, %dma_wait3A_84] : memref<2x128x128xf32, #tpu.memory_space<vmem>> -> memref<1x128x128xf32, #tpu.memory_space<vmem>>
    %dma_wait3A_86 = tpu.memref_squeeze %dma_wait3A_85 : memref<1x128x128xf32, #tpu.memory_space<vmem>> -> memref<128x128xf32, #tpu.memory_space<vmem>>
    %dma_wait3A_87 = arith.constant 0 : i32
    %dma_wait3A_88 = arith.constant 0 : i32
    %dma_wait3A_89 = tpu.memref_slice %arg3[%dma_wait3A_87, %dma_wait3A_88] : memref<1000000x128xf32, #tpu.memory_space<hbm>> -> memref<128x128xf32, #tpu.memory_space<hbm>>
    tpu.wait_dma2 semaphore(%dma_wait3A_82 : memref<!tpu.dma_semaphore, #tpu.memory_space<semaphore_mem>>) src(%dma_wait3A_89 : memref<128x128xf32, #tpu.memory_space<hbm>>) dst(%dma_wait3A_86 : memref<128x128xf32, #tpu.memory_space<vmem>>)
    %dma_wait3A_90 = arith.constant 0 : i32
    %dma_wait3A_91 = arith.constant 0 : i32
    %dma_wait3A_92 = arith.constant 0 : i32
    %dma_wait3A_93 = tpu.memref_slice %arg7[%rem3A_44, %dma_wait3A_91, %dma_wait3A_92] : memref<2x64x128xf32, #tpu.memory_space<vmem>> -> memref<1x64x128xf32, #tpu.memory_space<vmem>>
    %dma_wait3A_94 = tpu.memref_squeeze %dma_wait3A_93 : memref<1x64x128xf32, #tpu.memory_space<vmem>> -> memref<64x128xf32, #tpu.memory_space<vmem>>
    %dma_wait3A_95 = arith.constant 0 : i32
    %dma_wait3A_96 = arith.constant 0 : i32
    %dma_wait3A_97 = tpu.memref_slice %arg4[%dma_wait3A_90, %dma_wait3A_95, %dma_wait3A_96] : memref<200x64x4096xf32, #tpu.memory_space<hbm>> -> memref<1x64x128xf32, #tpu.memory_space<hbm>>
    %dma_wait3A_98 = tpu.memref_squeeze %dma_wait3A_97 : memref<1x64x128xf32, #tpu.memory_space<hbm>> -> memref<64x128xf32, #tpu.memory_space<hbm>>
    %dma_wait3A_99 = tpu.memref_slice %arg10[%rem3A_44] : memref<2x!tpu.dma_semaphore, #tpu.memory_space<semaphore_mem>> -> memref<1x!tpu.dma_semaphore, #tpu.memory_space<semaphore_mem>>
    %dma_wait3A_100 = tpu.memref_squeeze %dma_wait3A_99 : memref<1x!tpu.dma_semaphore, #tpu.memory_space<semaphore_mem>> -> memref<!tpu.dma_semaphore, #tpu.memory_space<semaphore_mem>>
    %dma_wait3A_101 = arith.constant 0 : i32
    %dma_wait3A_102 = arith.constant 0 : i32
    %dma_wait3A_103 = tpu.memref_slice %arg4[%dma_wait3A_90, %dma_wait3A_101, %dma_wait3A_102] : memref<200x64x4096xf32, #tpu.memory_space<hbm>> -> memref<1x64x128xf32, #tpu.memory_space<hbm>>
    %dma_wait3A_104 = tpu.memref_squeeze %dma_wait3A_103 : memref<1x64x128xf32, #tpu.memory_space<hbm>> -> memref<64x128xf32, #tpu.memory_space<hbm>>
    %dma_wait3A_105 = arith.constant 0 : i32
    %dma_wait3A_106 = arith.constant 0 : i32
    %dma_wait3A_107 = tpu.memref_slice %arg7[%rem3A_44, %dma_wait3A_105, %dma_wait3A_106] : memref<2x64x128xf32, #tpu.memory_space<vmem>> -> memref<1x64x128xf32, #tpu.memory_space<vmem>>
    %dma_wait3A_108 = tpu.memref_squeeze %dma_wait3A_107 : memref<1x64x128xf32, #tpu.memory_space<vmem>> -> memref<64x128xf32, #tpu.memory_space<vmem>>
    tpu.wait_dma2 semaphore(%dma_wait3A_100 : memref<!tpu.dma_semaphore, #tpu.memory_space<semaphore_mem>>) src(%dma_wait3A_108 : memref<64x128xf32, #tpu.memory_space<vmem>>) dst(%dma_wait3A_104 : memref<64x128xf32, #tpu.memory_space<hbm>>)
    %parallel_loop3A = arith.constant 0 : i32
    %parallel_loop3A_109 = arith.constant 64 : i32
    %parallel_loop3A_110 = arith.constant 1 : i32
    scf.for %parallel_loop3A_136 = %parallel_loop3A to %parallel_loop3A_109 step %parallel_loop3A_110  : i32 {
      %parallel_loop3A_137 = vector.broadcast %parallel_loop3A_136 : i32 to vector<16xi32>
      %parallel_loop3A_138 = arith.constant 0 : i32
      %parallel_loop3A_139 = vector.broadcast %parallel_loop3A_138 : i32 to vector<16xi32>
      %parallel_loop3A_140 = arith.addi %iota3A, %parallel_loop3A_139 : vector<16xi32>
      %parallel_loop3A_141 = arith.constant 0 : i32
      %parallel_loop3A_142 = arith.constant 0 : i32
      %parallel_loop3A_143 = tpu.memref_slice %arg6[%rem3A_44, %parallel_loop3A_141, %parallel_loop3A_142] : memref<2x128x128xf32, #tpu.memory_space<vmem>> -> memref<1x128x128xf32, #tpu.memory_space<vmem>>
      %parallel_loop3A_144 = tpu.memref_squeeze %parallel_loop3A_143 : memref<1x128x128xf32, #tpu.memory_space<vmem>> -> memref<128x128xf32, #tpu.memory_space<vmem>>
      %parallel_loop3A_145 = tpu.vector_load_idx %parallel_loop3A_144[%parallel_loop3A_140, %parallel_loop3A_137] : memref<128x128xf32, #tpu.memory_space<vmem>>[vector<16xi32>, vector<16xi32>], vector<16xf32>,
      %parallel_loop3A_146 = arith.index_cast %rem3A_44 : i32 to index
      %parallel_loop3A_147 = arith.index_cast %parallel_loop3A_136 : i32 to index
      %parallel_loop3A_148 = arith.constant 0 : index
      %parallel_loop3A_149 = tpu.vector_load %arg7[%parallel_loop3A_146, %parallel_loop3A_147, %parallel_loop3A_148] {strides = array<i32>} : memref<2x64x128xf32, #tpu.memory_space<vmem>>, vector<16xf32>,
      tpu.vector_store %arg7[%parallel_loop3A_146, %parallel_loop3A_147, %parallel_loop3A_148], %parallel_loop3A_145 {strides = array<i32>} : memref<2x64x128xf32, #tpu.memory_space<vmem>>, vector<16xf32>,
      %parallel_loop3A_150 = arith.constant 16 : i32
      %parallel_loop3A_151 = vector.broadcast %parallel_loop3A_150 : i32 to vector<16xi32>
      %parallel_loop3A_152 = arith.addi %iota3A, %parallel_loop3A_151 : vector<16xi32>
      %parallel_loop3A_153 = arith.constant 0 : i32
      %parallel_loop3A_154 = arith.constant 0 : i32
      %parallel_loop3A_155 = tpu.memref_slice %arg6[%rem3A_44, %parallel_loop3A_153, %parallel_loop3A_154] : memref<2x128x128xf32, #tpu.memory_space<vmem>> -> memref<1x128x128xf32, #tpu.memory_space<vmem>>
      %parallel_loop3A_156 = tpu.memref_squeeze %parallel_loop3A_155 : memref<1x128x128xf32, #tpu.memory_space<vmem>> -> memref<128x128xf32, #tpu.memory_space<vmem>>
      %parallel_loop3A_157 = tpu.vector_load_idx %parallel_loop3A_156[%parallel_loop3A_152, %parallel_loop3A_137] : memref<128x128xf32, #tpu.memory_space<vmem>>[vector<16xi32>, vector<16xi32>], vector<16xf32>,
      %parallel_loop3A_158 = arith.index_cast %rem3A_44 : i32 to index
      %parallel_loop3A_159 = arith.index_cast %parallel_loop3A_136 : i32 to index
      %parallel_loop3A_160 = arith.constant 16 : index
      %parallel_loop3A_161 = tpu.vector_load %arg7[%parallel_loop3A_158, %parallel_loop3A_159, %parallel_loop3A_160] {strides = array<i32>} : memref<2x64x128xf32, #tpu.memory_space<vmem>>, vector<16xf32>,
      tpu.vector_store %arg7[%parallel_loop3A_158, %parallel_loop3A_159, %parallel_loop3A_160], %parallel_loop3A_157 {strides = array<i32>} : memref<2x64x128xf32, #tpu.memory_space<vmem>>, vector<16xf32>,
      %parallel_loop3A_162 = arith.constant 32 : i32
      %parallel_loop3A_163 = vector.broadcast %parallel_loop3A_162 : i32 to vector<16xi32>
      %parallel_loop3A_164 = arith.addi %iota3A, %parallel_loop3A_163 : vector<16xi32>
      %parallel_loop3A_165 = arith.constant 0 : i32
      %parallel_loop3A_166 = arith.constant 0 : i32
      %parallel_loop3A_167 = tpu.memref_slice %arg6[%rem3A_44, %parallel_loop3A_165, %parallel_loop3A_166] : memref<2x128x128xf32, #tpu.memory_space<vmem>> -> memref<1x128x128xf32, #tpu.memory_space<vmem>>
      %parallel_loop3A_168 = tpu.memref_squeeze %parallel_loop3A_167 : memref<1x128x128xf32, #tpu.memory_space<vmem>> -> memref<128x128xf32, #tpu.memory_space<vmem>>
      %parallel_loop3A_169 = tpu.vector_load_idx %parallel_loop3A_168[%parallel_loop3A_164, %parallel_loop3A_137] : memref<128x128xf32, #tpu.memory_space<vmem>>[vector<16xi32>, vector<16xi32>], vector<16xf32>,
      %parallel_loop3A_170 = arith.index_cast %rem3A_44 : i32 to index
      %parallel_loop3A_171 = arith.index_cast %parallel_loop3A_136 : i32 to index
      %parallel_loop3A_172 = arith.constant 32 : index
      %parallel_loop3A_173 = tpu.vector_load %arg7[%parallel_loop3A_170, %parallel_loop3A_171, %parallel_loop3A_172] {strides = array<i32>} : memref<2x64x128xf32, #tpu.memory_space<vmem>>, vector<16xf32>,
      tpu.vector_store %arg7[%parallel_loop3A_170, %parallel_loop3A_171, %parallel_loop3A_172], %parallel_loop3A_169 {strides = array<i32>} : memref<2x64x128xf32, #tpu.memory_space<vmem>>, vector<16xf32>,
      %parallel_loop3A_174 = arith.constant 48 : i32
      %parallel_loop3A_175 = vector.broadcast %parallel_loop3A_174 : i32 to vector<16xi32>
      %parallel_loop3A_176 = arith.addi %iota3A, %parallel_loop3A_175 : vector<16xi32>
      %parallel_loop3A_177 = arith.constant 0 : i32
      %parallel_loop3A_178 = arith.constant 0 : i32
      %parallel_loop3A_179 = tpu.memref_slice %arg6[%rem3A_44, %parallel_loop3A_177, %parallel_loop3A_178] : memref<2x128x128xf32, #tpu.memory_space<vmem>> -> memref<1x128x128xf32, #tpu.memory_space<vmem>>
      %parallel_loop3A_180 = tpu.memref_squeeze %parallel_loop3A_179 : memref<1x128x128xf32, #tpu.memory_space<vmem>> -> memref<128x128xf32, #tpu.memory_space<vmem>>
      %parallel_loop3A_181 = tpu.vector_load_idx %parallel_loop3A_180[%parallel_loop3A_176, %parallel_loop3A_137] : memref<128x128xf32, #tpu.memory_space<vmem>>[vector<16xi32>, vector<16xi32>], vector<16xf32>,
      %parallel_loop3A_182 = arith.index_cast %rem3A_44 : i32 to index
      %parallel_loop3A_183 = arith.index_cast %parallel_loop3A_136 : i32 to index
      %parallel_loop3A_184 = arith.constant 48 : index
      %parallel_loop3A_185 = tpu.vector_load %arg7[%parallel_loop3A_182, %parallel_loop3A_183, %parallel_loop3A_184] {strides = array<i32>} : memref<2x64x128xf32, #tpu.memory_space<vmem>>, vector<16xf32>,
      tpu.vector_store %arg7[%parallel_loop3A_182, %parallel_loop3A_183, %parallel_loop3A_184], %parallel_loop3A_181 {strides = array<i32>} : memref<2x64x128xf32, #tpu.memory_space<vmem>>, vector<16xf32>,
      %parallel_loop3A_186 = arith.constant 64 : i32
      %parallel_loop3A_187 = vector.broadcast %parallel_loop3A_186 : i32 to vector<16xi32>
      %parallel_loop3A_188 = arith.addi %iota3A, %parallel_loop3A_187 : vector<16xi32>
      %parallel_loop3A_189 = arith.constant 0 : i32
      %parallel_loop3A_190 = arith.constant 0 : i32
      %parallel_loop3A_191 = tpu.memref_slice %arg6[%rem3A_44, %parallel_loop3A_189, %parallel_loop3A_190] : memref<2x128x128xf32, #tpu.memory_space<vmem>> -> memref<1x128x128xf32, #tpu.memory_space<vmem>>
      %parallel_loop3A_192 = tpu.memref_squeeze %parallel_loop3A_191 : memref<1x128x128xf32, #tpu.memory_space<vmem>> -> memref<128x128xf32, #tpu.memory_space<vmem>>
      %parallel_loop3A_193 = tpu.vector_load_idx %parallel_loop3A_192[%parallel_loop3A_188, %parallel_loop3A_137] : memref<128x128xf32, #tpu.memory_space<vmem>>[vector<16xi32>, vector<16xi32>], vector<16xf32>,
      %parallel_loop3A_194 = arith.index_cast %rem3A_44 : i32 to index
      %parallel_loop3A_195 = arith.index_cast %parallel_loop3A_136 : i32 to index
      %parallel_loop3A_196 = arith.constant 64 : index
      %parallel_loop3A_197 = tpu.vector_load %arg7[%parallel_loop3A_194, %parallel_loop3A_195, %parallel_loop3A_196] {strides = array<i32>} : memref<2x64x128xf32, #tpu.memory_space<vmem>>, vector<16xf32>,
      tpu.vector_store %arg7[%parallel_loop3A_194, %parallel_loop3A_195, %parallel_loop3A_196], %parallel_loop3A_193 {strides = array<i32>} : memref<2x64x128xf32, #tpu.memory_space<vmem>>, vector<16xf32>,
      %parallel_loop3A_198 = arith.constant 80 : i32
      %parallel_loop3A_199 = vector.broadcast %parallel_loop3A_198 : i32 to vector<16xi32>
      %parallel_loop3A_200 = arith.addi %iota3A, %parallel_loop3A_199 : vector<16xi32>
      %parallel_loop3A_201 = arith.constant 0 : i32
      %parallel_loop3A_202 = arith.constant 0 : i32
      %parallel_loop3A_203 = tpu.memref_slice %arg6[%rem3A_44, %parallel_loop3A_201, %parallel_loop3A_202] : memref<2x128x128xf32, #tpu.memory_space<vmem>> -> memref<1x128x128xf32, #tpu.memory_space<vmem>>
      %parallel_loop3A_204 = tpu.memref_squeeze %parallel_loop3A_203 : memref<1x128x128xf32, #tpu.memory_space<vmem>> -> memref<128x128xf32, #tpu.memory_space<vmem>>
      %parallel_loop3A_205 = tpu.vector_load_idx %parallel_loop3A_204[%parallel_loop3A_200, %parallel_loop3A_137] : memref<128x128xf32, #tpu.memory_space<vmem>>[vector<16xi32>, vector<16xi32>], vector<16xf32>,
      %parallel_loop3A_206 = arith.index_cast %rem3A_44 : i32 to index
      %parallel_loop3A_207 = arith.index_cast %parallel_loop3A_136 : i32 to index
      %parallel_loop3A_208 = arith.constant 80 : index
      %parallel_loop3A_209 = tpu.vector_load %arg7[%parallel_loop3A_206, %parallel_loop3A_207, %parallel_loop3A_208] {strides = array<i32>} : memref<2x64x128xf32, #tpu.memory_space<vmem>>, vector<16xf32>,
      tpu.vector_store %arg7[%parallel_loop3A_206, %parallel_loop3A_207, %parallel_loop3A_208], %parallel_loop3A_205 {strides = array<i32>} : memref<2x64x128xf32, #tpu.memory_space<vmem>>, vector<16xf32>,
      %parallel_loop3A_210 = arith.constant 96 : i32
      %parallel_loop3A_211 = vector.broadcast %parallel_loop3A_210 : i32 to vector<16xi32>
      %parallel_loop3A_212 = arith.addi %iota3A, %parallel_loop3A_211 : vector<16xi32>
      %parallel_loop3A_213 = arith.constant 0 : i32
      %parallel_loop3A_214 = arith.constant 0 : i32
      %parallel_loop3A_215 = tpu.memref_slice %arg6[%rem3A_44, %parallel_loop3A_213, %parallel_loop3A_214] : memref<2x128x128xf32, #tpu.memory_space<vmem>> -> memref<1x128x128xf32, #tpu.memory_space<vmem>>
      %parallel_loop3A_216 = tpu.memref_squeeze %parallel_loop3A_215 : memref<1x128x128xf32, #tpu.memory_space<vmem>> -> memref<128x128xf32, #tpu.memory_space<vmem>>
      %parallel_loop3A_217 = tpu.vector_load_idx %parallel_loop3A_216[%parallel_loop3A_212, %parallel_loop3A_137] : memref<128x128xf32, #tpu.memory_space<vmem>>[vector<16xi32>, vector<16xi32>], vector<16xf32>,
      %parallel_loop3A_218 = arith.index_cast %rem3A_44 : i32 to index
      %parallel_loop3A_219 = arith.index_cast %parallel_loop3A_136 : i32 to index
      %parallel_loop3A_220 = arith.constant 96 : index
      %parallel_loop3A_221 = tpu.vector_load %arg7[%parallel_loop3A_218, %parallel_loop3A_219, %parallel_loop3A_220] {strides = array<i32>} : memref<2x64x128xf32, #tpu.memory_space<vmem>>, vector<16xf32>,
      tpu.vector_store %arg7[%parallel_loop3A_218, %parallel_loop3A_219, %parallel_loop3A_220], %parallel_loop3A_217 {strides = array<i32>} : memref<2x64x128xf32, #tpu.memory_space<vmem>>, vector<16xf32>,
      %parallel_loop3A_222 = arith.constant 112 : i32
      %parallel_loop3A_223 = vector.broadcast %parallel_loop3A_222 : i32 to vector<16xi32>
      %parallel_loop3A_224 = arith.addi %iota3A, %parallel_loop3A_223 : vector<16xi32>
      %parallel_loop3A_225 = arith.constant 0 : i32
      %parallel_loop3A_226 = arith.constant 0 : i32
      %parallel_loop3A_227 = tpu.memref_slice %arg6[%rem3A_44, %parallel_loop3A_225, %parallel_loop3A_226] : memref<2x128x128xf32, #tpu.memory_space<vmem>> -> memref<1x128x128xf32, #tpu.memory_space<vmem>>
      %parallel_loop3A_228 = tpu.memref_squeeze %parallel_loop3A_227 : memref<1x128x128xf32, #tpu.memory_space<vmem>> -> memref<128x128xf32, #tpu.memory_space<vmem>>
      %parallel_loop3A_229 = tpu.vector_load_idx %parallel_loop3A_228[%parallel_loop3A_224, %parallel_loop3A_137] : memref<128x128xf32, #tpu.memory_space<vmem>>[vector<16xi32>, vector<16xi32>], vector<16xf32>,
      %parallel_loop3A_230 = arith.index_cast %rem3A_44 : i32 to index
      %parallel_loop3A_231 = arith.index_cast %parallel_loop3A_136 : i32 to index
      %parallel_loop3A_232 = arith.constant 112 : index
      %parallel_loop3A_233 = tpu.vector_load %arg7[%parallel_loop3A_230, %parallel_loop3A_231, %parallel_loop3A_232] {strides = array<i32>} : memref<2x64x128xf32, #tpu.memory_space<vmem>>, vector<16xf32>,
      tpu.vector_store %arg7[%parallel_loop3A_230, %parallel_loop3A_231, %parallel_loop3A_232], %parallel_loop3A_229 {strides = array<i32>} : memref<2x64x128xf32, #tpu.memory_space<vmem>>, vector<16xf32>,
    } {sc.loop_unroll_factor = 16 : i64, sc.parallel_access}
    %mul3A_111 = arith.constant 128 : i32
    %mul3A_112 = arith.muli %rem3A_74, %mul3A_111 : i32
    "tpu.region"() ({
      %run_scoped3A = tpu.sem_alloc : memref<!tpu.dma_semaphore, #tpu.memory_space<semaphore_mem>>
      %dma_start3A_136 = arith.constant 0 : i32
      %dma_start3A_137 = arith.constant 0 : i32
      %dma_start3A_138 = tpu.memref_slice %arg7[%rem3A_44, %dma_start3A_136, %dma_start3A_137] : memref<2x64x128xf32, #tpu.memory_space<vmem>> -> memref<1x64x128xf32, #tpu.memory_space<vmem>>
      %dma_start3A_139 = tpu.memref_squeeze %dma_start3A_138 : memref<1x64x128xf32, #tpu.memory_space<vmem>> -> memref<64x128xf32, #tpu.memory_space<vmem>>
      %dma_start3A_140 = arith.constant 0 : i32
      %dma_start3A_141 = tpu.memref_slice %arg4[%select_n3A_72, %dma_start3A_140, %mul3A_112] : memref<200x64x4096xf32, #tpu.memory_space<hbm>> -> memref<1x64x128xf32, #tpu.memory_space<hbm>>
      %dma_start3A_142 = tpu.memref_squeeze %dma_start3A_141 : memref<1x64x128xf32, #tpu.memory_space<hbm>> -> memref<64x128xf32, #tpu.memory_space<hbm>>
      %dma_start3A_143 = arith.constant 0 : i32
      %dma_start3A_144 = tpu.memref_slice %arg4[%select_n3A_72, %dma_start3A_143, %mul3A_112] : memref<200x64x4096xf32, #tpu.memory_space<hbm>> -> memref<1x64x128xf32, #tpu.memory_space<hbm>>
      %dma_start3A_145 = tpu.memref_squeeze %dma_start3A_144 : memref<1x64x128xf32, #tpu.memory_space<hbm>> -> memref<64x128xf32, #tpu.memory_space<hbm>>
      %dma_start3A_146 = arith.constant 0 : i32
      %dma_start3A_147 = arith.constant 0 : i32
      %dma_start3A_148 = tpu.memref_slice %arg7[%rem3A_44, %dma_start3A_146, %dma_start3A_147] : memref<2x64x128xf32, #tpu.memory_space<vmem>> -> memref<1x64x128xf32, #tpu.memory_space<vmem>>
      %dma_start3A_149 = tpu.memref_squeeze %dma_start3A_148 : memref<1x64x128xf32, #tpu.memory_space<vmem>> -> memref<64x128xf32, #tpu.memory_space<vmem>>
      tpu.enqueue_dma source(%dma_start3A_149 : memref<64x128xf32, #tpu.memory_space<vmem>>) target(%dma_start3A_145 : memref<64x128xf32, #tpu.memory_space<hbm>>) target_semaphore(%run_scoped3A : memref<!tpu.dma_semaphore, #tpu.memory_space<semaphore_mem>>)
      %dma_wait3A_150 = arith.constant 0 : i32
      %dma_wait3A_151 = arith.constant 0 : i32
      %dma_wait3A_152 = tpu.memref_slice %arg7[%rem3A_44, %dma_wait3A_150, %dma_wait3A_151] : memref<2x64x128xf32, #tpu.memory_space<vmem>> -> memref<1x64x128xf32, #tpu.memory_space<vmem>>
      %dma_wait3A_153 = tpu.memref_squeeze %dma_wait3A_152 : memref<1x64x128xf32, #tpu.memory_space<vmem>> -> memref<64x128xf32, #tpu.memory_space<vmem>>
      %dma_wait3A_154 = arith.constant 0 : i32
      %dma_wait3A_155 = tpu.memref_slice %arg4[%select_n3A_72, %dma_wait3A_154, %mul3A_112] : memref<200x64x4096xf32, #tpu.memory_space<hbm>> -> memref<1x64x128xf32, #tpu.memory_space<hbm>>
      %dma_wait3A_156 = tpu.memref_squeeze %dma_wait3A_155 : memref<1x64x128xf32, #tpu.memory_space<hbm>> -> memref<64x128xf32, #tpu.memory_space<hbm>>
      %dma_wait3A_157 = arith.constant 0 : i32
      %dma_wait3A_158 = tpu.memref_slice %arg4[%select_n3A_72, %dma_wait3A_157, %mul3A_112] : memref<200x64x4096xf32, #tpu.memory_space<hbm>> -> memref<1x64x128xf32, #tpu.memory_space<hbm>>
      %dma_wait3A_159 = tpu.memref_squeeze %dma_wait3A_158 : memref<1x64x128xf32, #tpu.memory_space<hbm>> -> memref<64x128xf32, #tpu.memory_space<hbm>>
      %dma_wait3A_160 = arith.constant 0 : i32
      %dma_wait3A_161 = arith.constant 0 : i32
      %dma_wait3A_162 = tpu.memref_slice %arg7[%rem3A_44, %dma_wait3A_160, %dma_wait3A_161] : memref<2x64x128xf32, #tpu.memory_space<vmem>> -> memref<1x64x128xf32, #tpu.memory_space<vmem>>
      %dma_wait3A_163 = tpu.memref_squeeze %dma_wait3A_162 : memref<1x64x128xf32, #tpu.memory_space<vmem>> -> memref<64x128xf32, #tpu.memory_space<vmem>>
      tpu.wait_dma2 semaphore(%run_scoped3A : memref<!tpu.dma_semaphore, #tpu.memory_space<semaphore_mem>>) src(%dma_wait3A_163 : memref<64x128xf32, #tpu.memory_space<vmem>>) dst(%dma_wait3A_159 : memref<64x128xf32, #tpu.memory_space<hbm>>)
      tpu.yield
    }) : () -> ()
    %sub3A_113 = arith.constant 1 : i32
    %sub3A_114 = arith.subi %sub3A_113, %rem3A_44 : i32
    %sub3A_115 = arith.constant 1 : i32
    %sub3A_116 = arith.subi %sub3A_115, %rem3A_44 : i32
    %dma_wait3A_117 = arith.constant 0 : i32
    %dma_wait3A_118 = arith.constant 0 : i32
    %dma_wait3A_119 = arith.constant 0 : i32
    %dma_wait3A_120 = tpu.memref_slice %arg7[%sub3A_114, %dma_wait3A_118, %dma_wait3A_119] : memref<2x64x128xf32, #tpu.memory_space<vmem>> -> memref<1x64x128xf32, #tpu.memory_space<vmem>>
    %dma_wait3A_121 = tpu.memref_squeeze %dma_wait3A_120 : memref<1x64x128xf32, #tpu.memory_space<vmem>> -> memref<64x128xf32, #tpu.memory_space<vmem>>
    %dma_wait3A_122 = arith.constant 0 : i32
    %dma_wait3A_123 = arith.constant 0 : i32
    %dma_wait3A_124 = tpu.memref_slice %arg4[%dma_wait3A_117, %dma_wait3A_122, %dma_wait3A_123] : memref<200x64x4096xf32, #tpu.memory_space<hbm>> -> memref<1x64x128xf32, #tpu.memory_space<hbm>>
    %dma_wait3A_125 = tpu.memref_squeeze %dma_wait3A_124 : memref<1x64x128xf32, #tpu.memory_space<hbm>> -> memref<64x128xf32, #tpu.memory_space<hbm>>
    %dma_wait3A_126 = tpu.memref_slice %arg10[%sub3A_116] : memref<2x!tpu.dma_semaphore, #tpu.memory_space<semaphore_mem>> -> memref<1x!tpu.dma_semaphore, #tpu.memory_space<semaphore_mem>>
    %dma_wait3A_127 = tpu.memref_squeeze %dma_wait3A_126 : memref<1x!tpu.dma_semaphore, #tpu.memory_space<semaphore_mem>> -> memref<!tpu.dma_semaphore, #tpu.memory_space<semaphore_mem>>
    %dma_wait3A_128 = arith.constant 0 : i32
    %dma_wait3A_129 = arith.constant 0 : i32
    %dma_wait3A_130 = tpu.memref_slice %arg4[%dma_wait3A_117, %dma_wait3A_128, %dma_wait3A_129] : memref<200x64x4096xf32, #tpu.memory_space<hbm>> -> memref<1x64x128xf32, #tpu.memory_space<hbm>>
    %dma_wait3A_131 = tpu.memref_squeeze %dma_wait3A_130 : memref<1x64x128xf32, #tpu.memory_space<hbm>> -> memref<64x128xf32, #tpu.memory_space<hbm>>
    %dma_wait3A_132 = arith.constant 0 : i32
    %dma_wait3A_133 = arith.constant 0 : i32
    %dma_wait3A_134 = tpu.memref_slice %arg7[%sub3A_114, %dma_wait3A_132, %dma_wait3A_133] : memref<2x64x128xf32, #tpu.memory_space<vmem>> -> memref<1x64x128xf32, #tpu.memory_space<vmem>>
    %dma_wait3A_135 = tpu.memref_squeeze %dma_wait3A_134 : memref<1x64x128xf32, #tpu.memory_space<vmem>> -> memref<64x128xf32, #tpu.memory_space<vmem>>
    tpu.wait_dma2 semaphore(%dma_wait3A_127 : memref<!tpu.dma_semaphore, #tpu.memory_space<semaphore_mem>>) src(%dma_wait3A_135 : memref<64x128xf32, #tpu.memory_space<vmem>>) dst(%dma_wait3A_131 : memref<64x128xf32, #tpu.memory_space<hbm>>)
    return
  }
}

module attributes {stable_mosaic.version = 14 : i64} {
  func.func @_tail_body(%arg0: i32, %arg1: memref<8x128xf32, #tpu.memory_space<vmem>>, %arg2: memref<64x128xf32, #tpu.memory_space<vmem>>, %arg3: memref<64x128xf32, #tpu.memory_space<vmem>>) attributes {dimension_semantics = [#tpu.dimension_semantics<arbitrary>], iteration_bounds = array<i64: 1>, scalar_prefetch = 0 : i64, scratch_operands = 0 : i64, tpu.core_type = #tpu.core_type<tc>, window_params = [{transform_indices = @transform_0, window_bounds = array<i64: 8, 128>}, {pipeline_mode = #tpu.pipeline_mode<synchronous>, transform_indices = @transform_1, window_bounds = array<i64: 64, 128>}, {transform_indices = @transform_2, window_bounds = array<i64: 64, 128>}]} {
    %get3A = arith.constant 0 : index
    %get3A_0 = arith.constant 0 : index
    %get3A_1 = vector.load %arg2[%get3A, %get3A_0] : memref<64x128xf32, #tpu.memory_space<vmem>>, vector<64x128xf32>
    %swap3A = arith.constant 0 : index
    %swap3A_2 = arith.constant 0 : index
    %swap3A_3 = vector.load %arg3[%swap3A, %swap3A_2] : memref<64x128xf32, #tpu.memory_space<vmem>>, vector<64x128xf32>
    tpu.vector_store %arg3[%swap3A, %swap3A_2], %get3A_1 {strides = array<i32>} : memref<64x128xf32, #tpu.memory_space<vmem>>, vector<64x128xf32>,
    return
  }
  func.func @transform_0(%arg0: i32) -> (i32, i32) {
    %c0_i32 = arith.constant 0 : i32
    %c0_i32_0 = arith.constant 0 : i32
    %c0_i32_1 = arith.constant 0 : i32
    return %c0_i32, %c0_i32_0 : i32, i32
  }
  func.func @transform_1(%arg0: i32) -> (i32, i32) {
    %c0_i32 = arith.constant 0 : i32
    %c0_i32_0 = arith.constant 0 : i32
    %c0_i32_1 = arith.constant 0 : i32
    return %c0_i32, %c0_i32_0 : i32, i32
  }
  func.func @transform_2(%arg0: i32) -> (i32, i32) {
    %c15624_i32 = arith.constant 15624 : i32
    %c0_i32 = arith.constant 0 : i32
    %c0_i32_0 = arith.constant 0 : i32
    return %c15624_i32, %c0_i32 : i32, i32
  }
}

module attributes {stable_mosaic.version = 14 : i64} {
  func.func @_relayout_body(%arg0: i32, %arg1: memref<64x3584xf32, #tpu.memory_space<vmem>>, %arg2: memref<3584x128xf32, #tpu.memory_space<vmem>>) attributes {dimension_semantics = [#tpu.dimension_semantics<arbitrary>], iteration_bounds = array<i64: 279>, scalar_prefetch = 0 : i64, scratch_operands = 0 : i64, tpu.core_type = #tpu.core_type<tc>, window_params = [{transform_indices = @transform_0, window_bounds = array<i64: 64, 3584>}, {transform_indices = @transform_1, window_bounds = array<i64: 3584, 128>}]} {
    %get3A = arith.constant 0 : index
    %get3A_0 = arith.constant 0 : index
    %get3A_1 = vector.load %arg1[%get3A, %get3A_0] : memref<64x3584xf32, #tpu.memory_space<vmem>>, vector<64x3584xf32>
    %transpose3A = tpu.transpose %get3A_1, [1, 0] : vector<64x3584xf32> -> vector<3584x64xf32>
    %concatenate3A = tpu.concatenate %transpose3A, %transpose3A in 1 : vector<3584x64xf32>, vector<3584x64xf32> -> vector<3584x128xf32>
    %swap3A = arith.constant 0 : index
    %swap3A_2 = arith.constant 0 : index
    %swap3A_3 = vector.load %arg2[%swap3A, %swap3A_2] : memref<3584x128xf32, #tpu.memory_space<vmem>>, vector<3584x128xf32>
    tpu.vector_store %arg2[%swap3A, %swap3A_2], %concatenate3A {strides = array<i32>} : memref<3584x128xf32, #tpu.memory_space<vmem>>, vector<3584x128xf32>,
    return
  }
  func.func @transform_0(%arg0: i32) -> (i32, i32) {
    %c0_i32 = arith.constant 0 : i32
    %c0_i32_0 = arith.constant 0 : i32
    return %c0_i32, %arg0 : i32, i32
  }
  func.func @transform_1(%arg0: i32) -> (i32, i32) {
    %c0_i32 = arith.constant 0 : i32
    %c0_i32_0 = arith.constant 0 : i32
    return %arg0, %c0_i32 : i32, i32
  }
}

</mosaic_0001>

<sc_bundles>
// kernel: kernel.5.cloned.1.call-start
scs
__scs_entry_jumppad:
0x0: {  	(pc) =	sbr.rel $0x88, $3  }
0x1: {  	(tag) =	ssettag $0x0;
	lr =	simm.s32 $0x1  }
0x2: {  	[smem:$0x3F9F] =	sst lr;
	_ =	strace $0xD0000000  }
0x3: {  	_ = 	snop  }
0x4: {  	_ = 	snop  }
0x5: {  	_ = 	snop  }
0x6: {  	_ = 	snop  }
0x7: {  	_ = 	snop  }
__scs_overlays_trampoline_lowered:
0x8: {  	[smem:$0x3FAE] =	sst s0  }
0x9: {  	[smem:$0x3FAF] =	sst s1  }
0xa: {  	[smem:$0x3FB0] =	sst s2  }
0xb: {  	[smem:$0x3FB1] =	sst s3  }
0xc: {  	[smem:$0x3FB2] =	sst s4  }
0xd: {  	[smem:$0x3FB3] =	sst s5  }
0xe: {  	[smem:$0x3FB4] =	sst s6  }
0xf: {  	[smem:$0x3FB5] =	sst s7  }
0x10: {  	[smem:$0x3FB6] =	sst s8  }
0x11: {  	[smem:$0x3FB7] =	sst s9;
	s0 =	simm.s32 @!p0 $0x0  }
0x12: {  	s1 =	sld [smem:$0x3F9D];
	s0 =	simm.s32 @p0 $0x1  }
0x13: {  	[smem:$0x3FB8] =	sst s0;
	s0 =	simm.s32 @!p1 $0x0  }
0x14: {  	s2 =	sld [smem:$0x3F9C];
	s0 =	simm.s32 @p1 $0x1  }
0x15: {  	[smem:$0x3FB9] =	sst s0;
	s0 =	simm.s32 @!p2 $0x0  }
0x16: {  	s3 =	sld [smem:$0x3FDB];
	s0 =	simm.s32 @p2 $0x1  }
0x17: {  	s4 =	simm.s32 $0x1BF5;
	[smem:$0x3FBB] =	sst s0  }
0x18: {  	s0 =	sld [smem:$0x3F9E];
	_ =	swait.ge [sflag:s4], $0x0  }
0x19: {  	s7 =	sld [smem:$0x3F9F]  }
0x1a: {  	s8 =	sadd.s32 $0xFFFFE003, lr  }
0x1b: {  	s9 =	sadd.s32 $0xFFFFFEF7, lr;
	s5 =	simm.s32 $0xFFFFFFFF;
	p2 =	slt.u32 s8, $0xFFFFF086  }
0x1c: {  	p1 =	slt.u32 s9, $0xF7A;
	s5 =	simm.s32 @!p2 $0x0  }
0x1d: {  	s5 =	simm.s32 @p1 $0x1;
	p0 =	seq.s32 s7, s2  }
0x1e: {  	s7 =	smul.u32 @!p0 $0xF7A, s2;
	p2 =	seq.s32 @!p0 s5, $0x0  }
0x1f: {  	s9 =	smul.u32 $0xF7A, s1;
	s8 =	simm.s32 @!p0 $0x1BF5;
	p2 =	por !p2, p0  }
0x20: {  	[sflag:s8] =	ssyncset.s32 @!p0 $0xFFFFF086;
	s6 =	sadd.s32 @!p0 s3, s7;
	s7 =	simm.s32 @!p0 $0x108  }
0x21: {  	s3 =	sadd.s32 s3, s9;
	s6 =	sadd.s32 @!p0 $0x88, s6;
	s7 =	simm.s32 @p2 $0x1082  }
0x22: {  	[simem:s7], [sflag:s8] =	dma.local @!p0 [hbm:s6], $0xF7A  }
0x23: {  	s9 =	sor.u32 $0xD0000000, s2;
	s6 =	simm.s32 $0x108;
	_ =	swait.ge @!p0 [sflag:s8], $0x0  }
0x24: {  	s3 =	sadd.s32 $0x88, s3;
	s6 =	simm.s32 @!p1 $0x1082;
	[sflag:s4] =	ssyncset.s32 $0xFFFFF086  }
0x25: {  	[simem:s6], [sflag:s4] =	dma.local [hbm:s3], $0xF7A  }
0x26: {  	[smem:$0x3F9F] =	sst s1;
	(tag) =	ssettag s2;
	_ =	strace s9  }
0x27: {  	s1 =	sld [smem:$0x3FAF]  }
0x28: {  	s2 =	sld [smem:$0x3FB0]  }
0x29: {  	s4 =	sld [smem:$0x3FB2]  }
0x2a: {  	p0 =	seq.s32 s5, $0x0;
	s5 =	sld [smem:$0x3FB3]  }
0x2b: {  	s6 =	sld [smem:$0x3FB4]  }
0x2c: {  	s7 =	sld [smem:$0x3FB5]  }
0x2d: {  	s3 =	simm.s32 $0x108;
	s8 =	sld [smem:$0x3FB6]  }
0x2e: {  	s3 =	simm.s32 @!p0 $0x1082;
	s9 =	sld [smem:$0x3FB7]  }
0x2f: {  	lr =	sadd.s32 s0, s3;
	s0 =	sld [smem:$0x3FAE]  }
0x30: {  	s3 =	sld [smem:$0x3FB1]  }
0x31: {  	[smem:$0x3FBA] =	sst s10  }
0x32: {  	s10 =	sld [smem:$0x3FB8];
	_ =	sdelay $0x3  }
0x33: {  	p0 =	seq.s32 s10, $0x1;
	s10 =	sld [smem:$0x3FBA];
	_ =	sdelay $0x3  }
0x34: {  	[smem:$0x3FBA] =	sst s10  }
0x35: {  	s10 =	sld [smem:$0x3FB9];
	_ =	sdelay $0x3  }
0x36: {  	p1 =	seq.s32 s10, $0x1;
	s10 =	sld [smem:$0x3FBA];
	_ =	sdelay $0x3  }
0x37: {  	[smem:$0x3FBA] =	sst s10  }
0x38: {  	s10 =	sld [smem:$0x3FBB]  }
0x39: {  	_ = 	snop;
	(pc) =	sbr.ind lr, $3  }
0x3a: {  	_ = 	snop  }
0x3b: {  	_ = 	snop  }
0x3c: {  	p2 =	seq.s32 s10, $0x1;
	s10 =	sld [smem:$0x3FBA]  }
0x3d: {  	_ =	shalt  }
0x3e: {  	_ =	shalt  }
0x3f: {  	_ =	shalt  }
0x40: {  	_ =	shalt  }
0x41: {  	_ =	shalt  }
0x42: {  	_ =	shalt  }
0x43: {  	_ =	shalt  }
0x44: {  	_ =	shalt  }
0x45: {  	_ =	shalt  }
0x46: {  	_ =	shalt  }
0x47: {  	_ =	shalt  }
0x48: {  	_ =	shalt  }
0x49: {  	_ =	shalt  }
0x4a: {  	_ =	shalt  }
0x4b: {  	_ =	shalt  }
0x4c: {  	_ =	shalt  }
0x4d: {  	_ =	shalt  }
0x4e: {  	_ =	shalt  }
0x4f: {  	_ =	shalt  }
0x50: {  	_ =	shalt  }
0x51: {  	_ =	shalt  }
0x52: {  	_ =	shalt  }
0x53: {  	_ =	shalt  }
0x54: {  	_ =	shalt  }
0x55: {  	_ =	shalt  }
0x56: {  	_ =	shalt  }
0x57: {  	_ =	shalt  }
0x58: {  	_ =	shalt  }
0x59: {  	_ =	shalt  }
0x5a: {  	_ =	shalt  }
0x5b: {  	_ =	shalt  }
0x5c: {  	_ =	shalt  }
0x5d: {  	_ =	shalt  }
0x5e: {  	_ =	shalt  }
0x5f: {  	_ =	shalt  }
0x60: {  	_ =	shalt  }
0x61: {  	_ =	shalt  }
0x62: {  	_ =	shalt  }
0x63: {  	_ =	shalt  }
0x64: {  	_ =	shalt  }
0x65: {  	_ =	shalt  }
0x66: {  	_ =	shalt  }
0x67: {  	_ =	shalt  }
0x68: {  	_ =	shalt  }
0x69: {  	_ =	shalt  }
0x6a: {  	_ =	shalt  }
0x6b: {  	_ =	shalt  }
0x6c: {  	_ =	shalt  }
0x6d: {  	_ =	shalt  }
0x6e: {  	_ =	shalt  }
0x6f: {  	_ =	shalt  }
0x70: {  	_ =	shalt  }
0x71: {  	_ =	shalt  }
0x72: {  	_ =	shalt  }
0x73: {  	_ =	shalt  }
0x74: {  	_ =	shalt  }
0x75: {  	_ =	shalt  }
0x76: {  	_ =	shalt  }
0x77: {  	_ =	shalt  }
0x78: {  	_ =	shalt  }
0x79: {  	_ =	shalt  }
0x7a: {  	_ =	shalt  }
0x7b: {  	_ =	shalt  }
0x7c: {  	_ =	shalt  }
0x7d: {  	_ =	shalt  }
0x7e: {  	_ =	shalt  }
0x7f: {  	_ =	shalt  }
0x80: {  	_ =	shalt  }
0x81: {  	_ =	shalt  }
0x82: {  	_ =	shalt  }
0x83: {  	_ =	shalt  }
0x84: {  	_ =	shalt  }
0x85: {  	_ =	shalt  }
0x86: {  	_ =	shalt  }
0x87: {  	_ =	shalt  }
.Lfunc_end0:
.L_simem_size_0:
called_computation_lowered:
.L_overlay_start_0:
0x88: {  	s2 =	sld [smem:$0x3FD9]  }
0x89: {  	s3 =	sld [smem:$0x3FFE];
	_ =	sdelay $0x1  }
0x8a: {  	s1 =	srdreg.scid  }
0x8b: {  	s0 =	sand.u32 $0x1, s1  }
0x8c: {  	s17 =	sshll.u32 s0, $0xA;
	s2 =	sadd.s32 s3, s2  }
0x8d: {  	s2 =	sadd.s32 s2, s17  }
0x8e: {  	[smem:$0x3FC6] =	sst s2  }
0x8f: {  	_ = 	snop  }
0x90: {  	s2 =	sld [smem:$0x3FC9]  }
0x91: {  	s18 =	sld [smem:$0x3FD0];
	(tm) =	ssettm $0x1  }
0x92: {  	s4 =	sld [smem:$0x3FFB];
	_ =	sdelay $0x3  }
0x93: {  	_ =	strace s4  }
0x94: {  	s4 =	sld [smem:$0x3FFC];
	_ =	sdelay $0x3  }
0x95: {  	_ =	strace s4  }
0x96: {  	s4 =	sld [smem:$0x3FFD];
	_ =	sdelay $0x3  }
0x97: {  	_ =	strace s4  }
0x98: {  	_ =	strace $0x8FFFFFFF  }
0x99: {  	s19 =	sld [smem:$0x3FDB];
	_ =	sdelay $0x1  }
0x9a: {  	s5 =	simm.s32 $_scs_section_size  }
0x9b: {  	s6 =	simm.s32 $_size__tile_overlayer_lowered;
	s7 =	simm.s32 $_tile_overlayer_lowered  }
0x9c: {  	s22 =	simm.s32 $0x1BFF;
	s21 =	sshll.u32 s7, $0x1;
	s4 =	sadd.s32 s5, s19  }
0x9d: {  	s8 =	simm.s32 $0x0;
	s20 =	sshll.u32 s6, $0x1;
	s6 =	sadd.s32 s21, s4  }
0x9e: {  	[timem:s8], [sflag:s22] =	dma.local [hbm:s6], s20  }
0x9f: {  	_ =	swait.ge [sflag:s22], s20  }
0xa0: {  	s5 =	ssub.s32 $0x0, s20;
	[sflag:s22] =	ssyncset.done $0x0  }
0xa1: {  	[sflag:s22] =	ssyncadd.s32 s5;
	_ =	sdelay $0x1  }
0xa2: {  	s23 =	simm.s32 $0x1B8B  }
0xa3: {  	_ =	swait.ge [sflag:s23], $0x1  }
0xa4: {  	[sflag:s23] =	ssyncset.done $0x0  }
0xa5: {  	s25 =	simm.s32 $0x1B8E;
	s24 =	sld [smem:$0x3FFE];
	[sflag:s23] =	ssyncadd.s32 $0xFFFFFFFF  }
0xa6: {  	s26 =	simm.s32 $execute0_lowered;
	[smem:$0x3FD2] =	sst s25  }
0xa7: {  	s6 =	sshll.u32 s26, $0x1;
	_ =	strace $0x80000046;
	[dreg:$0x1] =	wrdreg $0xFFFFFFFF  }
0xa8: {  	s28 =	simm.s32 $_size_execute0_lowered;
	s4 =	sadd.s32 s4, s6;
	[dreg:$0x0] =	wrdreg $0x0  }
0xa9: {  	s6 =	sshll.u32 s28, $0x1;
	[dreg:$0x2] =	wrdreg s4  }
0xaa: {  	[dreg:$0x3] =	wrdreg s6  }
0xab: {  	[dreg:$0x4] =	wrdreg $0xC0  }
0xac: {  	_ =	task [dreg:s8], $0x5FFFF  }
0xad: {  	[dreg:$0x1] =	wrdreg $0xFFFFFFFF  }
0xae: {  	[dreg:$0x0] =	wrdreg $0x60  }
0xaf: {  	[dreg:$0x2] =	wrdreg s2  }
0xb0: {  	[dreg:$0x3] =	wrdreg s24  }
0xb1: {  	[dreg:$0x4] =	wrdreg s18  }
0xb2: {  	[dreg:$0x5] =	wrdreg $0x9  }
0xb3: {  	_ =	task.clear_ibuf [dreg:s8], $0x6FFFF;
	_ =	strace $0x90000046  }
0xb4: {  	s29 =	simm.s32 $0x9;
	_ =	strace $0x80000048  }
0xb5: {  	_ =	swait.ge [sflag:s29], $0x1  }
0xb6: {  	[sflag:s29] =	ssyncadd.s32 $0xFFFFFFFF  }
0xb7: {  	_ =	strace $0x90000048  }
0xb8: {  	_ =	sfence  }
0xb9: {  	s30 =	sld [smem:$0x0];
	_ =	sdelay $0x2  }
0xba: {  	s31 =	sshll.u32 s1, $0xD;
	s1 =	sshrl.u32 s1, $0x2  }
0xbb: {  	s3 =	sand.u32 $0x4000, s31;
	s1 =	sadd.s32 s1, s30  }
0xbc: {  	s0 =	sor.u32 s3, s0;
	s1 =	sshll.u32 s1, $0x11  }
0xbd: {  	s0 =	sor.u32 s1, s0  }
0xbe: {  	s0 =	sadd.s32 $0x8F2B, s0  }
0xbf: {  	[sflag:s0] =	ssyncadd.remote.s32 $0x1  }
0xc0: {  	_ =	sfence.sel $0xFFFF  }
0xc1: {  	[dreg:$0x0] =	wrdreg $0xFFFFFFFF;
	(pc) =	sbr.abs _section_cstart, $3  }
0xc2: {  	[dreg:$0x1] =	wrdreg $0xFFFFFFFF  }
0xc3: {  	_ =	task.clear_ibuf [dreg:s8], $0x2FFFF;
	_ =	strace $0x9FFFFFFF  }
0xc4: {  	(tm) =	ssettm $0x7FFFFFFF  }
0xc5: {  	_ =	shalt  }
tec
execute0_lowered:
.L_overlay_start_1:
0x0: {  	(tag) =	ssettag $0x1  }
0x1: {  	s1 =	rddreg [dreg:$0x0]  }
0x2: {  	s6 =	rddreg [dreg:$0x1];
	s2 =	srdreg.scid  }
0x3: {  	s0 =	stileid.u32;
	s3 =	rddreg [dreg:$0x2];
	s4 =	simm.s32 $0x0  }
0x4: {  	s14 =	simm.s32 $0x6;
	s15 =	simm.s32 $0x4100;
	s16 =	simm.s32 $0x400  }
0x5: {  	s17 =	simm.s32 $0x8000;
	s18 =	simm.s32 $0xA100;
	s19 =	simm.s32 $0x7  }
0x6: {  	s20 =	simm.s32 $0x5;
	s5 =	sand.u32 $0x1, s2;
	s7 =	sshll.u32 s0, $0x1  }
0x7: {  	s21 =	simm.s32 $0x0;
	[smem:$0x7FF] =	sst s4;
	s7 =	sor.u32 s5, s7  }
0x8: {  	s6 =	sadd.s32 $0x600, s6;
	s8 =	ssub.s32 $0x2, s5;
	s5 =	smul.u32 $0xC8, s7  }
0x9: {  	_ =	strace $0x80000047;
	s9 =	sshrl.u32 s8, $0x1;
	s7 =	sshll.u32 s7, $0xA  }
0xa: {  	s12 =	sand.u32 $0xC00, s7;
	s13 =	ssub.s32 s8, s9;
	s10 =	sshll.u32 s5, $0x4  }
0xb: {  	s11 =	sshrl.u32 s5, $0x1;
	s28 =	sadd.s32 s12, s1;
	s29 =	sadd.s32 $0xC7, s5  }
0xc: {  	v0 =	vlaneseq.u32;
	s8 =	sadd.s32 $0xFFFFFFFF, s5;
	s10 =	sand.u32 $0x1F000, s10;
	s11 =	sand.u32 $0x70, s11  }
0xd: {  	v0 =	vmul.u32 $0x80, v0;
	s30 =	sshll.u32 s29, $0x7;
	s31 =	sshll.u32 s29, $0xA;
	s7 =	sor.u32 s10, s12  }
0xe: {  	s26 =	sadd.s32 s1, s11;
	s9 =	sadd.s32 s10, s28;
	s10 =	sand.u32 $0xF80, s30  }
0xf: {  	v1 =	vor.u32 $0x800, v0;
	s12 =	simm.s32 $0x80;
	s7 =	sadd.s32 s7, s26;
	s9 =	sadd.s32 s11, s9  }
0x10: {  	v2 =	vor.u32 $0x1000, v0;
	v3 =	vor.u32 $0x1800, v0;
	v4 =	vor.u32 $0x2000, v0;
	s11 =	sand.u32 $0xFF8000, s31;
	s10 =	sadd.s32 s3, s10;
	s9 =	sadd.s32 $0x80, s9  }
0x11: {  	v5 =	vor.u32 $0x2800, v0;
	v6 =	vor.u32 $0x3000, v0;
	v7 =	vor.u32 $0x3800, v0;
	s10 =	sadd.s32 s11, s10;
	s11 =	smax.u32 s13, $0x1;
	s13 =	simm.s32 $0x4  }
.LBB2_1:
.Ltmp0:
0x12: {  	(pc) =	sbr.rel .LBB2_2-.Ltmp0, $3  }
0x13: {  	_ =	sdelay $0x1  }
0x14: {  	[tilespmem:s4], [sflag:$0x1] =	stream.linear.gather [hbm4b:s7+s4], $0x80, $0x38;
	[tilespmem:$0xC100] =	vst v63  }
0x15: {  	p0 =	por $0x1, $0x1;
	s25 =	simm.s32 $0x0  }
.LBB2_3:
0x16: {  	[tilespmem:s12], [sflag:$0x2] =	stream.linear.gather [hbm4b:s9+s4], $0x80, $0x38;
	[tilespmem:$0xC100] =	vst v63  }
.LBB2_7:
0x17: {  	p1 =	sne.s32 s22, $0xC8  }
.Ltmp1:
0x18: {  	_ = 	snop;
	(pc) =	sbr.rel @!p1 .LBB2_8-.Ltmp1, $2  }
0x19: {  	_ =	sdelay $0x2  }
0x1a: {  	p0 =	por !p0, !p0;
	s25 =	smov.u32 s22  }
.LBB2_2:
0x1b: {  	s22 =	sand.u32 $0x1, s25  }
0x1c: {  	p1 =	sne.s32 s25, $0x0;
	s23 =	sadd.s32 $0x1, s22  }
.Ltmp2:
0x1d: {  	_ =	swait.ge [sflag:s23], $0x80;
	(pc) =	sbr.rel @!p1 .LBB2_3-.Ltmp2, $4  }
0x1e: {  	s24 =	sshll.u32 s22, $0x7;
	s26 =	sshll.u32 s22, $0xE;
	[sflag:s23] =	ssyncset.done $0x0  }
0x1f: {  	s22 =	sadd.s32 $0x3, s22;
	s31 =	sor.u32 $0x100, s26;
	[sflag:s23] =	ssyncadd.s32 $0xFFFFFF80  }
0x20: {  	[tilespmem:s31], [sflag:s22] =	stream.indirect.gather [hbm4b:s6+s12], $0x80, s24, s12, $0xb8;
	[tilespmem:$0xC100] =	vst v63  }
0x21: {  	s22 =	sadd.s32 $0x1, s25  }
0x22: {  	s28 =	sand.u32 $0x1, s22  }
0x23: {  	s2 =	simm.s32 $0x0;
	s23 =	sadd.s32 $0x3, s28  }
0x24: {  	p1 =	seq.s32 s25, $0xC7;
	v8 =	vmov s2;
	s2 =	simm.s32 $0x2;
	_ =	swait.ge [sflag:s23], $0x4000  }
0x25: {  	s29 =	sadd.s32 @!p1 $0x1, s28;
	v10 =	vmov s2;
	s2 =	simm.s32 $0x4;
	[sflag:s23] =	ssyncset.done $0x0  }
0x26: {  	v13 =	vmov s2;
	s2 =	simm.s32 $0x7;
	[sflag:s23] =	ssyncadd.s32 $0xFFFFC000;
	s23 =	sadd.s32 @!p1 s5, s22  }
0x27: {  	s24 =	sshll.u32 @!p1 s23, $0x4;
	s26 =	sshll.u32 @!p1 s23, $0x7;
	s23 =	sshrl.u32 @!p1 s23, $0x1  }
0x28: {  	v8 =	vand.u32 $0x70, v8;
	s24 =	sand.u32 @!p1 $0xFFFF000, s24;
	s26 =	sand.u32 @!p1 $0xF80, s26;
	s23 =	sand.u32 @!p1 $0x70, s23  }
0x29: {  	v11 =	vbroadcast v8, $0x0;
	v16 =	vmov s2;
	s2 =	simm.s32 $0xA;
	s24 =	sor.u32 @!p1 s24, s26;
	s23 =	sadd.s32 @!p1 s1, s23  }
0x2a: {  	v10 =	vand.u32 $0x72, v10;
	s26 =	sshll.u32 @!p1 s28, $0x7;
	s23 =	sadd.s32 @!p1 s24, s23;
	s24 =	simm.s32 @!p1 $0x0  }
0x2b: {  	v22 =	vbroadcast v10, $0x0;
	v10 =	vand.u32 $0x74, v13;
	v8 =	vor.u32 v0, v11;
	[tilespmem:s26], [sflag:s29] =	stream.linear.gather @!p1 [hbm4b:s23+s24], $0x80, $0x38;
	[tilespmem:$0xC100] =	vst v63  }
0x2c: {  	v26 =	vmov s2;
	s2 =	simm.s32 $0xC;
	v21 =	vbroadcast v10, $0x0;
	v55 =	vor.u32 v1, v11;
	s26 =	simm.s32 $0x1  }
0x2d: {  	v28 =	vmov s2;
	v13 =	vor.u32 v0, v22;
	s29 =	simm.s32 $0x5;
	v9 =	vmov s26;
	s26 =	simm.s32 $0x3  }
0x2e: {  	v14 =	vmov s29;
	v12 =	vmov s26;
	s26 =	simm.s32 $0x6;
	v9 =	vand.u32 $0x71, v9  }
0x2f: {  	p2 =	slt.u32 @!p1 s25, $0x3;
	s29 =	simm.s32 $0x8;
	v15 =	vmov s26;
	s26 =	simm.s32 $0x9;
	v24 =	vbroadcast v9, $0x0;
	v9 =	vand.u32 $0x73, v12  }
0x30: {  	p1 =	por p1, !p2;
	s23 =	sadd.s32 $0x5, s28;
	v17 =	vmov s29;
	v25 =	vmov s26;
	v23 =	vbroadcast v9, $0x0  }
0x31: {  	_ =	swait.ge @p1 [sflag:s23], $0x2000;
	s26 =	simm.s32 $0xD;
	v9 =	vand.u32 $0x75, v14;
	v10 =	vand.u32 $0x76, v15;
	v15 =	vor.u32 v0, v21  }
0x32: {  	[sflag:s23] =	ssyncset.done @p1 $0x0;
	v29 =	vmov s26;
	v12 =	vor.u32 v0, v24;
	s26 =	sshll.u32 s28, $0xE;
	v20 =	vbroadcast v9, $0x0  }
0x33: {  	[sflag:s23] =	ssyncadd.s32 @p1 $0xFFFFE000;
	v9 =	vand.u32 $0x77, v16;
	v19 =	vbroadcast v10, $0x0;
	v14 =	vor.u32 v0, v23;
	s24 =	sor.u32 $0x100, s26  }
0x34: {  	v10 =	vand.u32 $0x78, v17;
	v18 =	vbroadcast v9, $0x0;
	v31 =	vld.idx.msk [tilespmem:v8+s24+$0x0], $0xffff;
	v32 =	vor.u32 v0, v20  }
0x35: {  	s2 =	simm.s32 $0xE;
	v42 =	vor.u32 v1, v22;
	s29 =	simm.s32 $0xB;
	v16 =	vbroadcast v10, $0x0;
	v9 =	vor.u32 v0, v19;
	v34 =	vld.idx.msk [tilespmem:v13+s24+$0x0], $0xffff  }
0x36: {  	v30 =	vmov s2;
	s2 =	simm.s32 $0xF;
	v27 =	vmov s29;
	v10 =	vor.u32 v0, v18;
	v15 =	vld.idx.msk [tilespmem:v15+s24+$0x0], $0xffff  }
0x37: {  	v8 =	vmov s2;
	v35 =	vor.u32 v0, v16;
	v33 =	vld.idx.msk [tilespmem:v12+s24+$0x0], $0xffff;
	v12 =	vand.u32 $0x79, v25  }
0x38: {  	s26 =	simm.s32 $0x1;
	v8 =	vand.u32 $0x7F, v8;
	v25 =	vld.idx.msk [tilespmem:v14+s24+$0x0], $0xffff;
	v17 =	vbroadcast v12, $0x0;
	v12 =	vand.u32 $0x7A, v26  }
0x39: {  	s26 =	simm.s32 @!p0 $0x0;
	v8 =	vbroadcast v8, $0x0;
	v14 =	vbroadcast v12, $0x0;
	v12 =	vand.u32 $0x7B, v27;
	v27 =	vld.idx.msk [tilespmem:v32+s24+$0x0], $0xffff  }
0x3a: {  	v44 =	vor.u32 v1, v21;
	s26 =	sshll.u32 s26, $0xD;
	v13 =	vbroadcast v12, $0x0;
	v12 =	vand.u32 $0x7C, v28;
	v28 =	vld.idx.msk [tilespmem:v9+s24+$0x0], $0xffff  }
0x3b: {  	s26 =	sor.u32 $0x8500, s26;
	v26 =	vor.u32 v0, v8;
	v9 =	vand.u32 $0x7D, v29;
	v29 =	vld.idx.msk [tilespmem:v10+s24+$0x0], $0xffff  }
0x3c: {  	v41 =	vor.u32 v1, v24;
	[tilespmem:s26+$0xFFFFFD00] =	vst v34;
	v10 =	vand.u32 $0x7E, v30;
	v30 =	vld.idx.msk [tilespmem:v35+s24+$0x0], $0xffff  }
0x3d: {  	v43 =	vor.u32 v1, v23;
	[tilespmem:s26+$0xFFFFFC00] =	vst v31;
	v48 =	vld.idx.msk [tilespmem:v42+s24+$0x0], $0xffff  }
0x3e: {  	v60 =	vor.u32 v0, v17;
	v59 =	vld.idx.msk [tilespmem:v55+s24+$0x0], $0xffff;
	[tilespmem:s26+$0xFFFFFE00] =	vst v15  }
0x3f: {  	v36 =	vor.u32 v0, v14;
	v50 =	vld.idx.msk [tilespmem:v44+s24+$0x0], $0xffff  }
0x40: {  	v47 =	vor.u32 v1, v19;
	[tilespmem:s26+$0xFFFFFC80] =	vst v33;
	v26 =	vld.idx.msk [tilespmem:v26+s24+$0x0], $0xffff  }
0x41: {  	v12 =	vbroadcast v12, $0x0;
	v15 =	vor.u32 v1, v18;
	v63 =	vld.idx.msk [tilespmem:v41+s24+$0x0], $0xffff;
	[tilespmem:s26+$0xFFFFFD80] =	vst v25  }
0x42: {  	v9 =	vbroadcast v9, $0x0;
	v37 =	vor.u32 v0, v13;
	v49 =	vld.idx.msk [tilespmem:v43+s24+$0x0], $0xffff  }
0x43: {  	v10 =	vbroadcast v10, $0x0;
	v61 =	vor.u32 v0, v12;
	[tilespmem:s26+$0xFFFFFE80] =	vst v27;
	v32 =	vld.idx.msk [tilespmem:v60+s24+$0x0], $0xffff  }
0x44: {  	v38 =	vor.u32 v0, v9;
	[tilespmem:s26+$0xFFFFFF00] =	vst v28;
	v36 =	vld.idx.msk [tilespmem:v36+s24+$0x0], $0xffff  }
0x45: {  	v39 =	vor.u32 v0, v10;
	[tilespmem:s26+$0xFFFFFF80] =	vst v29;
	v34 =	vld.idx.msk [tilespmem:v47+s24+$0x0], $0xffff  }
0x46: {  	v40 =	vor.u32 v1, v8;
	[tilespmem:s26+$0x0] =	vst v30;
	v15 =	vld.idx.msk [tilespmem:v15+s24+$0x0], $0xffff  }
0x47: {  	v27 =	vor.u32 v1, v16;
	[tilespmem:s26+$0xFFFFFD10] =	vst v48;
	v37 =	vld.idx.msk [tilespmem:v37+s24+$0x0], $0xffff  }
0x48: {  	v60 =	vor.u32 v2, v21;
	[tilespmem:s26+$0xFFFFFE10] =	vst v50;
	v35 =	vld.idx.msk [tilespmem:v61+s24+$0x0], $0xffff  }
0x49: {  	v28 =	vor.u32 v1, v17;
	v38 =	vld.idx.msk [tilespmem:v38+s24+$0x0], $0xffff;
	[tilespmem:s26+$0x380] =	vst v26  }
0x4a: {  	v51 =	vor.u32 v1, v14;
	v39 =	vld.idx.msk [tilespmem:v39+s24+$0x0], $0xffff;
	[tilespmem:s26+$0xFFFFFC90] =	vst v63  }
0x4b: {  	v26 =	vor.u32 v1, v20;
	v62 =	vld.idx.msk [tilespmem:v40+s24+$0x0], $0xffff;
	[tilespmem:s26+$0xFFFFFD90] =	vst v49  }
0x4c: {  	v29 =	vor.u32 v1, v13;
	v27 =	vld.idx.msk [tilespmem:v27+s24+$0x0], $0xffff;
	[tilespmem:s26+$0x80] =	vst v32  }
0x4d: {  	v56 =	vor.u32 v2, v24;
	v40 =	vld.idx.msk [tilespmem:v60+s24+$0x0], $0xffff;
	[tilespmem:s26+$0x100] =	vst v36  }
0x4e: {  	v57 =	vor.u32 v2, v23;
	v28 =	vld.idx.msk [tilespmem:v28+s24+$0x0], $0xffff;
	[tilespmem:s26+$0xFFFFFF10] =	vst v34  }
0x4f: {  	v63 =	vor.u32 v2, v18;
	[tilespmem:s26+$0xFFFFFF90] =	vst v15;
	v36 =	vld.idx.msk [tilespmem:v51+s24+$0x0], $0xffff  }
0x50: {  	v30 =	vor.u32 v1, v12;
	[tilespmem:s26+$0x180] =	vst v37;
	v26 =	vld.idx.msk [tilespmem:v26+s24+$0x0], $0xffff  }
0x51: {  	v53 =	vor.u32 v1, v9;
	v29 =	vld.idx.msk [tilespmem:v29+s24+$0x0], $0xffff;
	[tilespmem:s26+$0x200] =	vst v35  }
0x52: {  	v54 =	vor.u32 v1, v10;
	[tilespmem:s26+$0x280] =	vst v38;
	v35 =	vld.idx.msk [tilespmem:v56+s24+$0x0], $0xffff  }
0x53: {  	v25 =	vor.u32 v2, v8;
	[tilespmem:s26+$0x300] =	vst v39;
	v38 =	vld.idx.msk [tilespmem:v57+s24+$0x0], $0xffff  }
0x54: {  	v15 =	vor.u32 v2, v14;
	v49 =	vld.idx.msk [tilespmem:v63+s24+$0x0], $0xffff;
	[tilespmem:s26+$0x390] =	vst v62  }
0x55: {  	v61 =	vor.u32 v2, v20;
	v30 =	vld.idx.msk [tilespmem:v30+s24+$0x0], $0xffff;
	[tilespmem:s26+$0x10] =	vst v27  }
0x56: {  	v33 =	vld.idx.msk [tilespmem:v53+s24+$0x0], $0xffff;
	v62 =	vor.u32 v2, v19;
	[tilespmem:s26+$0xFFFFFE20] =	vst v40  }
0x57: {  	v31 =	vld.idx.msk [tilespmem:v54+s24+$0x0], $0xffff;
	v27 =	vor.u32 v2, v13;
	[tilespmem:s26+$0x90] =	vst v28  }
0x58: {  	v54 =	vor.u32 v3, v21;
	v25 =	vld.idx.msk [tilespmem:v25+s24+$0x0], $0xffff;
	[tilespmem:s26+$0x110] =	vst v36  }
0x59: {  	v57 =	vor.u32 v3, v18;
	[tilespmem:s26+$0xFFFFFE90] =	vst v26;
	v15 =	vld.idx.msk [tilespmem:v15+s24+$0x0], $0xffff  }
0x5a: {  	v50 =	vor.u32 v2, v9;
	[tilespmem:s26+$0x190] =	vst v29;
	v41 =	vld.idx.msk [tilespmem:v61+s24+$0x0], $0xffff  }
0x5b: {  	v51 =	vor.u32 v2, v10;
	[tilespmem:s26+$0xFFFFFDA0] =	vst v38;
	v42 =	vld.idx.msk [tilespmem:v62+s24+$0x0], $0xffff  }
0x5c: {  	v52 =	vor.u32 v3, v8;
	[tilespmem:s26+$0xFFFFFFA0] =	vst v49;
	v27 =	vld.idx.msk [tilespmem:v27+s24+$0x0], $0xffff  }
0x5d: {  	v28 =	vor.u32 v2, v12;
	[tilespmem:s26+$0x210] =	vst v30;
	v39 =	vld.idx.msk [tilespmem:v54+s24+$0x0], $0xffff  }
0x5e: {  	v26 =	vor.u32 v2, v17;
	[tilespmem:s26+$0x290] =	vst v33;
	v38 =	vld.idx.msk [tilespmem:v57+s24+$0x0], $0xffff  }
0x5f: {  	v30 =	vor.u32 v3, v24;
	[tilespmem:s26+$0x310] =	vst v31;
	v44 =	vld.idx.msk [tilespmem:v50+s24+$0x0], $0xffff  }
0x60: {  	v58 =	vor.u32 v4, v8;
	v31 =	vor.u32 v3, v23;
	[tilespmem:s26+$0x3A0] =	vst v25;
	v36 =	vld.idx.msk [tilespmem:v51+s24+$0x0], $0xffff  }
0x61: {  	s29 =	simm.s32 $0x10;
	v48 =	vor.u32 v5, v8;
	v60 =	vor.u32 v3, v14;
	v56 =	vor.u32 v7, v8;
	v32 =	vld.idx.msk [tilespmem:v52+s24+$0x0], $0xffff  }
0x62: {  	[tilespmem:s26+$0xFFFFFC10] =	vst v59;
	v29 =	vor.u32 v6, v8;
	v8 =	vmov s29;
	v25 =	vor.u32 v2, v22;
	v28 =	vld.idx.msk [tilespmem:v28+s24+$0x0], $0xffff  }
0x63: {  	v47 =	vor.u32 v2, v16;
	[tilespmem:s26+$0xFFFFFCA0] =	vst v35;
	v8 =	vand.u32 $0x70, v8;
	v26 =	vld.idx.msk [tilespmem:v26+s24+$0x0], $0xffff  }
0x64: {  	v63 =	vor.u32 v3, v9;
	v8 =	vbroadcast v8, $0x0;
	[tilespmem:s26+$0x120] =	vst v15;
	v30 =	vld.idx.msk [tilespmem:v30+s24+$0x0], $0xffff  }
0x65: {  	v31 =	vld.idx.msk [tilespmem:v31+s24+$0x0], $0xffff;
	[tilespmem:s26+$0xFFFFFF20] =	vst v42  }
0x66: {  	v62 =	vor.u32 v0, v8;
	v42 =	vld.idx.msk [tilespmem:v60+s24+$0x0], $0xffff;
	[tilespmem:s26+$0x1A0] =	vst v27  }
0x67: {  	v59 =	vor.u32 v3, v17;
	v25 =	vld.idx.msk [tilespmem:v25+s24+$0x0], $0xffff;
	[tilespmem:s26+$0x2A0] =	vst v44  }
0x68: {  	v27 =	vor.u32 v3, v10;
	[tilespmem:s26+$0x3B0] =	vst v32;
	v32 =	vld.idx.msk [tilespmem:v47+s24+$0x0], $0xffff  }
0x69: {  	v53 =	vor.u32 v3, v22;
	[tilespmem:s26+$0xFFFFFEA0] =	vst v41;
	v41 =	vld.idx.msk [tilespmem:v63+s24+$0x0], $0xffff  }
0x6a: {  	v61 =	vor.u32 v3, v12;
	[tilespmem:s26+$0x220] =	vst v28;
	v37 =	vld.idx.msk [tilespmem:v58+s24+$0x0], $0xffff  }
0x6b: {  	v28 =	vor.u32 v4, v24;
	v15 =	vld.idx.msk [tilespmem:v62+s24+$0x0], $0xffff;
	[tilespmem:s26+$0xA0] =	vst v26  }
0x6c: {  	[tilespmem:s26+$0x320] =	vst v36;
	v47 =	vor.u32 v4, v23;
	v26 =	vld.idx.msk [tilespmem:v59+s24+$0x0], $0xffff  }
0x6d: {  	v52 =	vor.u32 v2, v11;
	v27 =	vld.idx.msk [tilespmem:v27+s24+$0x0], $0xffff;
	[tilespmem:s26+$0xFFFFFD20] =	vst v25  }
0x6e: {  	v58 =	vor.u32 v3, v16;
	[tilespmem:s26+$0xFFFFFCB0] =	vst v30;
	v33 =	vld.idx.msk [tilespmem:v53+s24+$0x0], $0xffff  }
0x6f: {  	[tilespmem:s26+$0x20] =	vst v32;
	v32 =	vld.idx.msk [tilespmem:v61+s24+$0x0], $0xffff  }
0x70: {  	[tilespmem:s26+$0xFFFFFDB0] =	vst v31;
	v31 =	vor.u32 v4, v18;
	v28 =	vld.idx.msk [tilespmem:v28+s24+$0x0], $0xffff  }
0x71: {  	[tilespmem:s26+$0xFFFFFFB0] =	vst v38;
	v25 =	vor.u32 v3, v19;
	v43 =	vld.idx.msk [tilespmem:v47+s24+$0x0], $0xffff  }
0x72: {  	v54 =	vor.u32 v4, v10;
	[tilespmem:s26+$0x3C0] =	vst v37;
	v37 =	vld.idx.msk [tilespmem:v52+s24+$0x0], $0xffff  }
0x73: {  	v53 =	vor.u32 v4, v12;
	[tilespmem:s26+$0x2B0] =	vst v41;
	v40 =	vld.idx.msk [tilespmem:v58+s24+$0x0], $0xffff  }
0x74: {  	v57 =	vor.u32 v5, v23;
	v34 =	vld.idx.msk [tilespmem:v48+s24+$0x0], $0xffff;
	[tilespmem:s26+$0xB0] =	vst v26  }
0x75: {  	v55 =	vor.u32 v3, v20;
	v31 =	vld.idx.msk [tilespmem:v31+s24+$0x0], $0xffff;
	[tilespmem:s26+$0x330] =	vst v27  }
0x76: {  	v45 =	vor.u32 v3, v11;
	v25 =	vld.idx.msk [tilespmem:v25+s24+$0x0], $0xffff;
	[tilespmem:s26+$0x230] =	vst v32  }
0x77: {  	v48 =	vor.u32 v4, v21;
	v58 =	vld.idx.msk [tilespmem:v54+s24+$0x0], $0xffff;
	[tilespmem:s26+$0xFFFFFDC0] =	vst v43  }
0x78: {  	v50 =	vor.u32 v4, v16;
	[tilespmem:s26+$0x30] =	vst v40;
	v40 =	vld.idx.msk [tilespmem:v53+s24+$0x0], $0xffff  }
0x79: {  	[tilespmem:s26+$0xFFFFFC20] =	vst v37;
	v41 =	vld.idx.msk [tilespmem:v57+s24+$0x0], $0xffff  }
0x7a: {  	v26 =	vor.u32 v4, v9;
	[tilespmem:s26+$0x3D0] =	vst v34;
	v34 =	vld.idx.msk [tilespmem:v55+s24+$0x0], $0xffff  }
0x7b: {  	[tilespmem:s26+$0xFFFFFE30] =	vst v39;
	v61 =	vor.u32 v5, v18;
	v37 =	vld.idx.msk [tilespmem:v45+s24+$0x0], $0xffff  }
0x7c: {  	v49 =	vor.u32 v4, v19;
	v36 =	vld.idx.msk [tilespmem:v48+s24+$0x0], $0xffff  }
0x7d: {  	v51 =	vor.u32 v4, v17;
	[tilespmem:s26+$0x130] =	vst v42;
	v39 =	vld.idx.msk [tilespmem:v50+s24+$0x0], $0xffff  }
0x7e: {  	[tilespmem:s26+$0xFFFFFD30] =	vst v33;
	v48 =	vor.u32 v5, v12;
	v29 =	vld.idx.msk [tilespmem:v29+s24+$0x0], $0xffff  }
0x7f: {  	v30 =	vor.u32 v4, v20;
	v26 =	vld.idx.msk [tilespmem:v26+s24+$0x0], $0xffff;
	[tilespmem:s26+$0xFFFFFFC0] =	vst v31  }
0x80: {  	v55 =	vor.u32 v4, v11;
	[tilespmem:s26+$0xFFFFFF30] =	vst v25;
	v43 =	vld.idx.msk [tilespmem:v61+s24+$0x0], $0xffff  }
0x81: {  	v27 =	vor.u32 v5, v21;
	v33 =	vld.idx.msk [tilespmem:v49+s24+$0x0], $0xffff;
	[tilespmem:s26+$0x240] =	vst v40  }
0x82: {  	v62 =	vor.u32 v5, v16;
	[tilespmem:s26+$0xFFFFFEB0] =	vst v34;
	v34 =	vld.idx.msk [tilespmem:v51+s24+$0x0], $0xffff  }
0x83: {  	[tilespmem:s26+$0x40] =	vst v39;
	v39 =	vld.idx.msk [tilespmem:v48+s24+$0x0], $0xffff  }
0x84: {  	v25 =	vor.u32 v4, v14;
	[tilespmem:s26+$0xFFFFFC30] =	vst v37;
	v30 =	vld.idx.msk [tilespmem:v30+s24+$0x0], $0xffff  }
0x85: {  	v49 =	vor.u32 v5, v9;
	[tilespmem:s26+$0xFFFFFE40] =	vst v36;
	v59 =	vld.idx.msk [tilespmem:v55+s24+$0x0], $0xffff  }
0x86: {  	[tilespmem:s26+$0x3E0] =	vst v29;
	v29 =	vor.u32 v3, v13;
	v27 =	vld.idx.msk [tilespmem:v27+s24+$0x0], $0xffff  }
0x87: {  	v36 =	vld.idx.msk [tilespmem:v62+s24+$0x0], $0xffff;
	[tilespmem:s26+$0x2C0] =	vst v26;
	v26 =	vor.u32 v6, v23  }
0x88: {  	[tilespmem:s26+$0xFFFFFCC0] =	vst v28;
	v55 =	vor.u32 v6, v18;
	v35 =	vld.idx.msk [tilespmem:v56+s24+$0x0], $0xffff  }
0x89: {  	v57 =	vor.u32 v6, v12;
	[tilespmem:s26+$0xFFFFFDD0] =	vst v41;
	v25 =	vld.idx.msk [tilespmem:v25+s24+$0x0], $0xffff  }
0x8a: {  	v46 =	vor.u32 v4, v22;
	[tilespmem:s26+$0xC0] =	vst v34;
	v34 =	vld.idx.msk [tilespmem:v49+s24+$0x0], $0xffff  }
0x8b: {  	v28 =	vor.u32 v5, v20;
	[tilespmem:s26+$0xFFFFFFD0] =	vst v43;
	v29 =	vld.idx.msk [tilespmem:v29+s24+$0x0], $0xffff  }
0x8c: {  	v50 =	vor.u32 v5, v11;
	[tilespmem:s26+$0x250] =	vst v39;
	v26 =	vld.idx.msk [tilespmem:v26+s24+$0x0], $0xffff  }
0x8d: {  	v53 =	vor.u32 v6, v21;
	[tilespmem:s26+$0xFFFFFEC0] =	vst v30;
	v41 =	vld.idx.msk [tilespmem:v55+s24+$0x0], $0xffff  }
0x8e: {  	v63 =	vor.u32 v5, v14;
	[tilespmem:s26+$0xFFFFFC40] =	vst v59;
	v48 =	vld.idx.msk [tilespmem:v57+s24+$0x0], $0xffff  }
0x8f: {  	v30 =	vor.u32 v5, v17;
	[tilespmem:s26+$0x3F0] =	vst v35;
	v35 =	vld.idx.msk [tilespmem:v46+s24+$0x0], $0xffff  }
0x90: {  	[tilespmem:s26+$0xFFFFFE50] =	vst v27;
	v27 =	vor.u32 v6, v16;
	v28 =	vld.idx.msk [tilespmem:v28+s24+$0x0], $0xffff  }
0x91: {  	v52 =	vor.u32 v4, v13;
	[tilespmem:s26+$0x340] =	vst v58;
	v42 =	vld.idx.msk [tilespmem:v50+s24+$0x0], $0xffff  }
0x92: {  	v60 =	vor.u32 v5, v19;
	[tilespmem:s26+$0x140] =	vst v25;
	v37 =	vld.idx.msk [tilespmem:v53+s24+$0x0], $0xffff  }
0x93: {  	[tilespmem:s26+$0xFFFFFF40] =	vst v33;
	v25 =	vor.u32 v5, v10;
	v33 =	vld.idx.msk [tilespmem:v63+s24+$0x0], $0xffff  }
0x94: {  	v18 =	vor.u32 v7, v18;
	[tilespmem:s26+$0x50] =	vst v36;
	v30 =	vld.idx.msk [tilespmem:v30+s24+$0x0], $0xffff  }
0x95: {  	v56 =	vor.u32 v5, v22;
	[tilespmem:s26+$0x1B0] =	vst v29;
	v58 =	vld.idx.msk [tilespmem:v27+s24+$0x0], $0xffff  }
0x96: {  	v21 =	vor.u32 v7, v21;
	[tilespmem:s26+$0x2D0] =	vst v34;
	v38 =	vld.idx.msk [tilespmem:v52+s24+$0x0], $0xffff  }
0x97: {  	v29 =	vor.u32 v5, v24;
	[tilespmem:s26+$0xFFFFFD40] =	vst v35;
	v35 =	vld.idx.msk [tilespmem:v60+s24+$0x0], $0xffff  }
0x98: {  	v27 =	vor.u32 v6, v9;
	[tilespmem:s26+$0xFFFFFFE0] =	vst v41;
	v25 =	vld.idx.msk [tilespmem:v25+s24+$0x0], $0xffff  }
0x99: {  	[tilespmem:s26+$0xFFFFFED0] =	vst v28;
	v28 =	vor.u32 v6, v17;
	v36 =	vld.idx.msk [tilespmem:v18+s24+$0x0], $0xffff  }
0x9a: {  	v16 =	vor.u32 v7, v16;
	[tilespmem:s26+$0xFFFFFE60] =	vst v37;
	v32 =	vld.idx.msk [tilespmem:v56+s24+$0x0], $0xffff  }
0x9b: {  	v31 =	vor.u32 v5, v13;
	[tilespmem:s26+$0x150] =	vst v33;
	v33 =	vld.idx.msk [tilespmem:v21+s24+$0x0], $0xffff  }
0x9c: {  	v54 =	vor.u32 v6, v19;
	[tilespmem:s26+$0xFFFFFDE0] =	vst v26;
	v29 =	vld.idx.msk [tilespmem:v29+s24+$0x0], $0xffff  }
0x9d: {  	v23 =	vor.u32 v7, v23;
	[tilespmem:s26+$0xD0] =	vst v30;
	v49 =	vld.idx.msk [tilespmem:v27+s24+$0x0], $0xffff  }
0x9e: {  	v52 =	vor.u32 v6, v22;
	[tilespmem:s26+$0x60] =	vst v58;
	v59 =	vld.idx.msk [tilespmem:v28+s24+$0x0], $0xffff  }
0x9f: {  	v51 =	vor.u32 v6, v24;
	[tilespmem:s26+$0x1C0] =	vst v38;
	v37 =	vld.idx.msk [tilespmem:v16+s24+$0x0], $0xffff  }
0xa0: {  	[tilespmem:s26+$0xFFFFFF50] =	vst v35;
	v28 =	vor.u32 v6, v10;
	v31 =	vld.idx.msk [tilespmem:v31+s24+$0x0], $0xffff  }
0xa1: {  	v35 =	vld.idx.msk [tilespmem:v54+s24+$0x0], $0xffff;
	[tilespmem:s26+$0xFFFFFCD0] =	vst v29;
	v29 =	vor.u32 v6, v20  }
0xa2: {  	v30 =	vor.u32 v6, v11;
	[tilespmem:s26+$0xFFFFFD50] =	vst v32;
	v32 =	vld.idx.msk [tilespmem:v23+s24+$0x0], $0xffff  }
0xa3: {  	s30 =	simm.s32 $0x12;
	v56 =	vor.u32 v6, v13;
	v40 =	vld.idx.msk [tilespmem:v52+s24+$0x0], $0xffff  }
0xa4: {  	v19 =	vor.u32 v7, v19;
	v61 =	vmov s30;
	s30 =	simm.s32 $0x14;
	[tilespmem:s26+$0x350] =	vst v25;
	v38 =	vld.idx.msk [tilespmem:v51+s24+$0x0], $0xffff  }
0xa5: {  	v62 =	vmov s30;
	s30 =	simm.s32 $0x16;
	v24 =	vor.u32 v7, v24;
	v50 =	vld.idx.msk [tilespmem:v28+s24+$0x0], $0xffff  }
0xa6: {  	v63 =	vmov s30;
	s30 =	simm.s32 $0x18;
	[tilespmem:s26+$0xFFFFFC50] =	vst v42;
	v44 =	vld.idx.msk [tilespmem:v29+s24+$0x0], $0xffff;
	v29 =	vor.u32 v6, v14  }
0xa7: {  	s29 =	simm.s32 $0x11;
	v53 =	vmov s30;
	v22 =	vor.u32 v7, v22;
	v51 =	vld.idx.msk [tilespmem:v30+s24+$0x0], $0xffff;
	[tilespmem:s26+$0x1D0] =	vst v31  }
0xa8: {  	s30 =	simm.s32 $0x1A;
	v60 =	vmov s29;
	v17 =	vor.u32 v7, v17;
	v20 =	vor.u32 v7, v20;
	[tilespmem:s26+$0xFFFFFF60] =	vst v35;
	v47 =	vld.idx.msk [tilespmem:v56+s24+$0x0], $0xffff  }
0xa9: {  	v18 =	vand.u32 $0x72, v61;
	v13 =	vor.u32 v7, v13;
	v30 =	vmov s30;
	s30 =	simm.s32 $0x1C;
	v35 =	vld.idx.msk [tilespmem:v19+s24+$0x0], $0xffff;
	[tilespmem:s26+$0xFFFFFCE0] =	vst v38  }
0xaa: {  	s29 =	simm.s32 $0x13;
	v21 =	vand.u32 $0x74, v62;
	v26 =	vmov s30;
	s30 =	simm.s32 $0x1E;
	v19 =	vor.u32 v7, v12;
	v27 =	vld.idx.msk [tilespmem:v24+s24+$0x0], $0xffff  }
0xab: {  	v16 =	vor.u32 v7, v11;
	[tilespmem:s26+$0xFFFFFD60] =	vst v40;
	v25 =	vmov s30;
	v24 =	vmov s29;
	s29 =	simm.s32 $0x15;
	v46 =	vld.idx.msk [tilespmem:v29+s24+$0x0], $0xffff  }
0xac: {  	v12 =	vand.u32 $0x71, v60;
	v14 =	vor.u32 v7, v14;
	v29 =	vld.idx.msk [tilespmem:v22+s24+$0x0], $0xffff;
	v22 =	vmov s29;
	s29 =	simm.s32 $0x17;
	[tilespmem:s26+$0xFFFFFEE0] =	vst v44  }
0xad: {  	s31 =	sadd.s32 s25, s8;
	[tilespmem:s26+$0xE0] =	vst v59;
	v52 =	vmov s29;
	v34 =	vld.idx.msk [tilespmem:v20+s24+$0x0], $0xffff;
	v20 =	vor.u32 v7, v9;
	v9 =	vbroadcast v12, $0x0  }
0xae: {  	s25 =	sand.u32 $0x1F, s31;
	[tilespmem:s26+$0x260] =	vst v48;
	v38 =	vld.idx.msk [tilespmem:v17+s24+$0x0], $0xffff;
	s29 =	simm.s32 $0x19;
	v12 =	vand.u32 $0x73, v24;
	v24 =	vor.u32 v7, v10;
	v10 =	vbroadcast v18, $0x0  }
0xaf: {  	p5 =	slt.s32 s31, $0x1;
	p6 =	sne.s32 s25, $0x0;
	[tilespmem:s26+$0x1E0] =	vst v47;
	v41 =	vld.idx.msk [tilespmem:v19+s24+$0x0], $0xffff;
	v23 =	vmov s29;
	s29 =	simm.s32 $0x1B;
	v11 =	vbroadcast v12, $0x0;
	v12 =	vbroadcast v21, $0x0  }
0xb0: {  	p1 =	por !p5, !p6;
	v40 =	vld.idx.msk [tilespmem:v13+s24+$0x0], $0xffff;
	v21 =	vand.u32 $0x77, v52;
	v31 =	vmov s29;
	s29 =	simm.s32 $0x1D;
	v17 =	vor.u32 v0, v9;
	[tilespmem:s26+$0x160] =	vst v46  }
0xb1: {  	p1 =	por !p1, !p1;
	s28 =	sshll.u32 s28, $0xD;
	[tilespmem:s26+$0x2E0] =	vst v49;
	v18 =	vor.u32 v0, v10;
	v28 =	vmov s29;
	s29 =	simm.s32 $0x1;
	v39 =	vld.idx.msk [tilespmem:v14+s24+$0x0], $0xffff;
	v14 =	vand.u32 $0x75, v22  }
0xb2: {  	s28 =	sor.u32 $0x8100, s28;
	s30 =	sshrl.u32 s31, $0x5;
	[tilespmem:s26+$0x360] =	vst v50;
	v19 =	vor.u32 v0, v11;
	s29 =	simm.s32 @!p1 $0x0;
	v22 =	vand.u32 $0x76, v63;
	v42 =	vld.idx.msk [tilespmem:v20+s24+$0x0], $0xffff;
	v13 =	vbroadcast v14, $0x0  }
0xb3: {  	s31 =	simm.s32 $0x1F;
	[tilespmem:s26+$0xFFFFFC60] =	vst v51;
	s29 =	ssub.s32 s30, s29;
	v20 =	vor.u32 v0, v12;
	s30 =	simm.s32 $0x20;
	v43 =	vld.idx.msk [tilespmem:v24+s24+$0x0], $0xffff;
	v14 =	vbroadcast v22, $0x0;
	v22 =	vand.u32 $0x78, v53  }
.LBB2_5:
0xb4: {  	p1 =	slt.u32 s30, $0x30;
	v44 =	vor.u32 v0, v13;
	v21 =	vbroadcast v21, $0x0;
	v24 =	vmov s31;
	v45 =	vld.idx.msk [tilespmem:v16+s24+$0x0], $0xffff;
	[tilespmem:s26+$0xFFFFFCF0] =	vst v27  }
0xb5: {  	v16 =	vbroadcast v22, $0x0;
	v27 =	vld.idx.msk [tilespmem:v17+s24+$0x0], $0xffff;
	v46 =	vor.u32 v0, v14;
	v17 =	vand.u32 $0x7F, v24;
	[tilespmem:s26+$0xFFFFFD70] =	vst v29  }
0xb6: {  	v29 =	vld.idx.msk [tilespmem:v18+s24+$0x0], $0xffff;
	v47 =	vor.u32 v0, v21;
	v18 =	vand.u32 $0x79, v23;
	v24 =	vbroadcast v17, $0x0;
	[tilespmem:s26+$0xFFFFFDF0] =	vst v32  }
0xb7: {  	v48 =	vor.u32 v0, v16;
	v17 =	vand.u32 $0x7A, v30;
	v32 =	vld.idx.msk [tilespmem:v19+s24+$0x0], $0xffff;
	v23 =	vbroadcast v18, $0x0;
	[tilespmem:s26+$0xFFFFFE70] =	vst v33  }
0xb8: {  	v22 =	vbroadcast v17, $0x0;
	v17 =	vand.u32 $0x7B, v31;
	v30 =	vld.idx.msk [tilespmem:v20+s24+$0x0], $0xffff;
	v31 =	vor.u32 v0, v24;
	[tilespmem:s26+$0xFFFFFEF0] =	vst v34  }
0xb9: {  	v18 =	vand.u32 $0x7C, v26;
	v17 =	vbroadcast v17, $0x0;
	v33 =	vld.idx.msk [tilespmem:v44+s24+$0x0], $0xffff;
	v34 =	vor.u32 v0, v23;
	[tilespmem:s26+$0xFFFFFF70] =	vst v35  }
0xba: {  	v19 =	vand.u32 $0x7D, v28;
	v18 =	vbroadcast v18, $0x0;
	v35 =	vor.u32 v0, v22;
	v26 =	vld.idx.msk [tilespmem:v46+s24+$0x0], $0xffff;
	[tilespmem:s26+$0xFFFFFFF0] =	vst v36  }
0xbb: {  	v19 =	vbroadcast v19, $0x0;
	v20 =	vand.u32 $0x7E, v25;
	v36 =	vor.u32 v0, v17;
	v28 =	vld.idx.msk [tilespmem:v47+s24+$0x0], $0xffff;
	[tilespmem:s26+$0x70] =	vst v37  }
0xbc: {  	v20 =	vbroadcast v20, $0x0;
	v37 =	vor.u32 v0, v18;
	v25 =	vld.idx.msk [tilespmem:v48+s24+$0x0], $0xffff;
	[tilespmem:s26+$0xF0] =	vst v38  }
0xbd: {  	v38 =	vor.u32 v0, v19;
	v31 =	vld.idx.msk [tilespmem:v31+s24+$0x0], $0xffff;
	[tilespmem:s26+$0x170] =	vst v39  }
0xbe: {  	v39 =	vor.u32 v0, v20;
	v34 =	vld.idx.msk [tilespmem:v34+s24+$0x0], $0xffff;
	[tilespmem:s26+$0x1F0] =	vst v40  }
0xbf: {  	v40 =	vor.u32 v1, v24;
	v35 =	vld.idx.msk [tilespmem:v35+s24+$0x0], $0xffff;
	[tilespmem:s26+$0x270] =	vst v41  }
0xc0: {  	v41 =	vor.u32 v1, v9;
	v36 =	vld.idx.msk [tilespmem:v36+s24+$0x0], $0xffff;
	[tilespmem:s26+$0x2F0] =	vst v42  }
0xc1: {  	v42 =	vor.u32 v1, v10;
	v37 =	vld.idx.msk [tilespmem:v37+s24+$0x0], $0xffff;
	[tilespmem:s26+$0x370] =	vst v43  }
0xc2: {  	v43 =	vor.u32 v1, v11;
	v38 =	vld.idx.msk [tilespmem:v38+s24+$0x0], $0xffff;
	[tilespmem:s26+$0xFFFFFC70] =	vst v45;
	s26 =	sadd.s32 $0x800, s26  }
0xc3: {  	v44 =	vor.u32 v1, v12;
	v39 =	vld.idx.msk [tilespmem:v39+s24+$0x0], $0xffff;
	[tilespmem:s26+$0x380] =	vst v31  }
0xc4: {  	[tilespmem:s26+$0xFFFFFC80] =	vst v27;
	v27 =	vor.u32 v1, v13;
	v31 =	vld.idx.msk [tilespmem:v40+s24+$0x0], $0xffff  }
0xc5: {  	v40 =	vld.idx.msk [tilespmem:v41+s24+$0x0], $0xffff;
	[tilespmem:s26+$0xFFFFFD00] =	vst v29;
	v29 =	vor.u32 v1, v14  }
0xc6: {  	v41 =	vld.idx.msk [tilespmem:v42+s24+$0x0], $0xffff;
	[tilespmem:s26+$0xFFFFFD80] =	vst v32;
	v32 =	vor.u32 v2, v24  }
0xc7: {  	v42 =	vld.idx.msk [tilespmem:v43+s24+$0x0], $0xffff;
	[tilespmem:s26+$0xFFFFFE00] =	vst v30;
	v30 =	vor.u32 v1, v21  }
0xc8: {  	v43 =	vld.idx.msk [tilespmem:v44+s24+$0x0], $0xffff;
	[tilespmem:s26+$0xFFFFFE80] =	vst v33;
	v33 =	vor.u32 v1, v16  }
0xc9: {  	v27 =	vld.idx.msk [tilespmem:v27+s24+$0x0], $0xffff;
	[tilespmem:s26+$0xFFFFFF00] =	vst v26;
	v26 =	vor.u32 v1, v23  }
0xca: {  	v44 =	vor.u32 v1, v22;
	v29 =	vld.idx.msk [tilespmem:v29+s24+$0x0], $0xffff;
	[tilespmem:s26+$0x390] =	vst v31  }
0xcb: {  	[tilespmem:s26+$0xFFFFFF80] =	vst v28;
	v28 =	vor.u32 v1, v17;
	v31 =	vld.idx.msk [tilespmem:v32+s24+$0x0], $0xffff  }
0xcc: {  	v30 =	vld.idx.msk [tilespmem:v30+s24+$0x0], $0xffff;
	[tilespmem:s26+$0x0] =	vst v25;
	v25 =	vor.u32 v1, v18  }
0xcd: {  	v32 =	vld.idx.msk [tilespmem:v33+s24+$0x0], $0xffff;
	[tilespmem:s26+$0x80] =	vst v34;
	v33 =	vor.u32 v3, v24  }
0xce: {  	v34 =	vor.u32 v1, v19;
	v26 =	vld.idx.msk [tilespmem:v26+s24+$0x0], $0xffff;
	[tilespmem:s26+$0x100] =	vst v35  }
0xcf: {  	v35 =	vld.idx.msk [tilespmem:v44+s24+$0x0], $0xffff;
	[tilespmem:s26+$0x180] =	vst v36;
	v36 =	vor.u32 v1, v20  }
0xd0: {  	v44 =	vor.u32 v1, v8;
	v28 =	vld.idx.msk [tilespmem:v28+s24+$0x0], $0xffff;
	[tilespmem:s26+$0x200] =	vst v37  }
0xd1: {  	v37 =	vor.u32 v2, v9;
	v25 =	vld.idx.msk [tilespmem:v25+s24+$0x0], $0xffff;
	[tilespmem:s26+$0x3A0] =	vst v31  }
0xd2: {  	v31 =	vor.u32 v2, v10;
	[tilespmem:s26+$0x280] =	vst v38;
	v33 =	vld.idx.msk [tilespmem:v33+s24+$0x0], $0xffff  }
0xd3: {  	v38 =	vor.u32 v2, v11;
	v34 =	vld.idx.msk [tilespmem:v34+s24+$0x0], $0xffff;
	[tilespmem:s26+$0x300] =	vst v39  }
0xd4: {  	[tilespmem:s26+$0xFFFFFC00] =	vst v15;
	v15 =	vld.idx.msk [tilespmem:v36+s24+$0x0], $0xffff;
	v36 =	vor.u32 v4, v24  }
0xd5: {  	v39 =	vld.idx.msk [tilespmem:v44+s24+$0x0], $0xffff;
	[tilespmem:s26+$0xFFFFFC90] =	vst v40;
	v40 =	vor.u32 v2, v12  }
0xd6: {  	v37 =	vld.idx.msk [tilespmem:v37+s24+$0x0], $0xffff;
	[tilespmem:s26+$0xFFFFFD10] =	vst v41;
	v41 =	vor.u32 v2, v13  }
0xd7: {  	v31 =	vld.idx.msk [tilespmem:v31+s24+$0x0], $0xffff;
	[tilespmem:s26+$0xFFFFFD90] =	vst v42;
	v42 =	vor.u32 v2, v14  }
0xd8: {  	v44 =	vor.u32 v2, v21;
	v38 =	vld.idx.msk [tilespmem:v38+s24+$0x0], $0xffff;
	[tilespmem:s26+$0x3B0] =	vst v33  }
0xd9: {  	v33 =	vor.u32 v2, v16;
	[tilespmem:s26+$0xFFFFFE10] =	vst v43;
	v36 =	vld.idx.msk [tilespmem:v36+s24+$0x0], $0xffff  }
0xda: {  	v40 =	vld.idx.msk [tilespmem:v40+s24+$0x0], $0xffff;
	[tilespmem:s26+$0xFFFFFE90] =	vst v27;
	v27 =	vor.u32 v2, v23  }
0xdb: {  	v41 =	vld.idx.msk [tilespmem:v41+s24+$0x0], $0xffff;
	[tilespmem:s26+$0xFFFFFF10] =	vst v29;
	v29 =	vor.u32 v5, v24  }
0xdc: {  	v42 =	vld.idx.msk [tilespmem:v42+s24+$0x0], $0xffff;
	[tilespmem:s26+$0xFFFFFF90] =	vst v30;
	v30 =	vor.u32 v2, v22  }
0xdd: {  	v43 =	vld.idx.msk [tilespmem:v44+s24+$0x0], $0xffff;
	[tilespmem:s26+$0x10] =	vst v32;
	v32 =	vor.u32 v2, v17  }
0xde: {  	v33 =	vld.idx.msk [tilespmem:v33+s24+$0x0], $0xffff;
	[tilespmem:s26+$0x90] =	vst v26;
	v26 =	vor.u32 v2, v18  }
0xdf: {  	v44 =	vor.u32 v2, v19;
	v27 =	vld.idx.msk [tilespmem:v27+s24+$0x0], $0xffff;
	[tilespmem:s26+$0x3C0] =	vst v36  }
0xe0: {  	[tilespmem:s26+$0x110] =	vst v35;
	v35 =	vor.u32 v2, v20;
	v29 =	vld.idx.msk [tilespmem:v29+s24+$0x0], $0xffff  }
0xe1: {  	v36 =	vor.u32 v2, v8;
	v30 =	vld.idx.msk [tilespmem:v30+s24+$0x0], $0xffff;
	[tilespmem:s26+$0x190] =	vst v28  }
0xe2: {  	v28 =	vld.idx.msk [tilespmem:v32+s24+$0x0], $0xffff;
	[tilespmem:s26+$0x210] =	vst v25;
	v25 =	vor.u32 v6, v24  }
0xe3: {  	v32 =	vor.u32 v3, v9;
	v26 =	vld.idx.msk [tilespmem:v26+s24+$0x0], $0xffff;
	[tilespmem:s26+$0x290] =	vst v34  }
0xe4: {  	v34 =	vor.u32 v3, v10;
	v44 =	vld.idx.msk [tilespmem:v44+s24+$0x0], $0xffff;
	[tilespmem:s26+$0x310] =	vst v15  }
0xe5: {  	v15 =	vor.u32 v3, v11;
	[tilespmem:s26+$0xFFFFFC10] =	vst v39;
	v35 =	vld.idx.msk [tilespmem:v35+s24+$0x0], $0xffff  }
0xe6: {  	v39 =	vor.u32 v3, v12;
	v36 =	vld.idx.msk [tilespmem:v36+s24+$0x0], $0xffff;
	[tilespmem:s26+$0x3D0] =	vst v29  }
0xe7: {  	v29 =	vor.u32 v3, v13;
	[tilespmem:s26+$0xFFFFFCA0] =	vst v37;
	v25 =	vld.idx.msk [tilespmem:v25+s24+$0x0], $0xffff  }
0xe8: {  	v32 =	vld.idx.msk [tilespmem:v32+s24+$0x0], $0xffff;
	[tilespmem:s26+$0xFFFFFD20] =	vst v31;
	v31 =	vor.u32 v3, v14  }
0xe9: {  	v37 =	vor.u32 v7, v24;
	v34 =	vld.idx.msk [tilespmem:v34+s24+$0x0], $0xffff;
	[tilespmem:s26+$0xFFFFFDA0] =	vst v38  }
0xea: {  	v38 =	vld.idx.msk [tilespmem:v15+s24+$0x0], $0xffff;
	[tilespmem:s26+$0xFFFFFE20] =	vst v40;
	v15 =	vor.u32 v3, v21  }
0xeb: {  	v40 =	vor.u32 v3, v16;
	v39 =	vld.idx.msk [tilespmem:v39+s24+$0x0], $0xffff;
	[tilespmem:s26+$0xFFFFFEA0] =	vst v41  }
0xec: {  	v24 =	vmov s30;
	v41 =	vor.u32 v3, v23;
	v29 =	vld.idx.msk [tilespmem:v29+s24+$0x0], $0xffff;
	[tilespmem:s26+$0xFFFFFF20] =	vst v42  }
0xed: {  	v24 =	vand.u32 $0x70, v24;
	v42 =	vor.u32 v3, v22;
	v31 =	vld.idx.msk [tilespmem:v31+s24+$0x0], $0xffff;
	[tilespmem:s26+$0x3E0] =	vst v25  }
0xee: {  	v24 =	vbroadcast v24, $0x0;
	v25 =	vor.u32 v3, v17;
	[tilespmem:s26+$0xFFFFFFA0] =	vst v43;
	v37 =	vld.idx.msk [tilespmem:v37+s24+$0x0], $0xffff  }
0xef: {  	v43 =	vld.idx.msk [tilespmem:v15+s24+$0x0], $0xffff;
	[tilespmem:s26+$0x20] =	vst v33;
	v15 =	vor.u32 v3, v18  }
0xf0: {  	v33 =	vor.u32 v0, v24;
	v40 =	vld.idx.msk [tilespmem:v40+s24+$0x0], $0xffff;
	[tilespmem:s26+$0xA0] =	vst v27  }
0xf1: {  	v27 =	vld.idx.msk [tilespmem:v41+s24+$0x0], $0xffff;
	[tilespmem:s26+$0x120] =	vst v30;
	v30 =	vor.u32 v3, v19  }
0xf2: {  	v41 =	vld.idx.msk [tilespmem:v42+s24+$0x0], $0xffff;
	[tilespmem:s26+$0x1A0] =	vst v28;
	v28 =	vor.u32 v3, v20  }
0xf3: {  	v42 =	vor.u32 v3, v8;
	v25 =	vld.idx.msk [tilespmem:v25+s24+$0x0], $0xffff;
	[tilespmem:s26+$0x220] =	vst v26  }
0xf4: {  	v26 =	vor.u32 v4, v9;
	v45 =	vld.idx.msk [tilespmem:v15+s24+$0x0], $0xffff;
	[tilespmem:s26+$0x3F0] =	vst v37  }
0xf5: {  	v15 =	vld.idx.msk [tilespmem:v33+s24+$0x0], $0xffff;
	v33 =	vor.u32 v4, v10;
	[tilespmem:s26+$0x2A0] =	vst v44  }
0xf6: {  	v37 =	vor.u32 v4, v11;
	v30 =	vld.idx.msk [tilespmem:v30+s24+$0x0], $0xffff;
	[tilespmem:s26+$0x320] =	vst v35  }
0xf7: {  	v35 =	vor.u32 v4, v12;
	[tilespmem:s26+$0xFFFFFC20] =	vst v36;
	v28 =	vld.idx.msk [tilespmem:v28+s24+$0x0], $0xffff  }
0xf8: {  	v36 =	vld.idx.msk [tilespmem:v42+s24+$0x0], $0xffff;
	[tilespmem:s26+$0xFFFFFCB0] =	vst v32;
	v32 =	vor.u32 v4, v13  }
0xf9: {  	v26 =	vld.idx.msk [tilespmem:v26+s24+$0x0], $0xffff;
	[tilespmem:s26+$0xFFFFFD30] =	vst v34;
	v34 =	vor.u32 v4, v14  }
0xfa: {  	v33 =	vld.idx.msk [tilespmem:v33+s24+$0x0], $0xffff;
	[tilespmem:s26+$0xFFFFFDB0] =	vst v38;
	v38 =	vor.u32 v4, v21  }
0xfb: {  	v37 =	vld.idx.msk [tilespmem:v37+s24+$0x0], $0xffff;
	[tilespmem:s26+$0xFFFFFE30] =	vst v39;
	v39 =	vor.u32 v4, v16  }
0xfc: {  	v35 =	vld.idx.msk [tilespmem:v35+s24+$0x0], $0xffff;
	[tilespmem:s26+$0xFFFFFEB0] =	vst v29;
	v29 =	vor.u32 v4, v23  }
0xfd: {  	v32 =	vld.idx.msk [tilespmem:v32+s24+$0x0], $0xffff;
	[tilespmem:s26+$0xFFFFFF30] =	vst v31;
	v31 =	vor.u32 v4, v22  }
0xfe: {  	v42 =	vor.u32 v4, v17;
	v34 =	vld.idx.msk [tilespmem:v34+s24+$0x0], $0xffff;
	[tilespmem:s26+$0xFFFFFFB0] =	vst v43  }
0xff: {  	v38 =	vld.idx.msk [tilespmem:v38+s24+$0x0], $0xffff;
	[tilespmem:s26+$0x30] =	vst v40;
	v40 =	vor.u32 v4, v18  }
0x100: {  	v39 =	vld.idx.msk [tilespmem:v39+s24+$0x0], $0xffff;
	[tilespmem:s26+$0xB0] =	vst v27;
	v27 =	vor.u32 v4, v19  }
0x101: {  	v29 =	vld.idx.msk [tilespmem:v29+s24+$0x0], $0xffff;
	[tilespmem:s26+$0x130] =	vst v41;
	v41 =	vor.u32 v4, v20  }
0x102: {  	v43 =	vor.u32 v4, v8;
	v31 =	vld.idx.msk [tilespmem:v31+s24+$0x0], $0xffff;
	[tilespmem:s26+$0x1B0] =	vst v25  }
0x103: {  	v25 =	vor.u32 v5, v9;
	v42 =	vld.idx.msk [tilespmem:v42+s24+$0x0], $0xffff;
	[tilespmem:s26+$0x230] =	vst v45  }
0x104: {  	v44 =	vor.u32 v5, v10;
	v40 =	vld.idx.msk [tilespmem:v40+s24+$0x0], $0xffff;
	[tilespmem:s26+$0x2B0] =	vst v30  }
0x105: {  	v30 =	vor.u32 v5, v11;
	v27 =	vld.idx.msk [tilespmem:v27+s24+$0x0], $0xffff;
	[tilespmem:s26+$0x330] =	vst v28  }
0x106: {  	v28 =	vor.u32 v5, v12;
	[tilespmem:s26+$0xFFFFFC30] =	vst v36;
	v36 =	vld.idx.msk [tilespmem:v41+s24+$0x0], $0xffff  }
0x107: {  	v41 =	vld.idx.msk [tilespmem:v43+s24+$0x0], $0xffff;
	[tilespmem:s26+$0xFFFFFCC0] =	vst v26;
	v26 =	vor.u32 v5, v13  }
0x108: {  	v25 =	vld.idx.msk [tilespmem:v25+s24+$0x0], $0xffff;
	[tilespmem:s26+$0xFFFFFD40] =	vst v33;
	v33 =	vor.u32 v5, v14  }
0x109: {  	v43 =	vld.idx.msk [tilespmem:v44+s24+$0x0], $0xffff;
	[tilespmem:s26+$0xFFFFFDC0] =	vst v37;
	v37 =	vor.u32 v5, v21  }
0x10a: {  	v30 =	vld.idx.msk [tilespmem:v30+s24+$0x0], $0xffff;
	[tilespmem:s26+$0xFFFFFE40] =	vst v35;
	v35 =	vor.u32 v5, v16  }
0x10b: {  	v28 =	vld.idx.msk [tilespmem:v28+s24+$0x0], $0xffff;
	[tilespmem:s26+$0xFFFFFEC0] =	vst v32;
	v32 =	vor.u32 v5, v23  }
0x10c: {  	v26 =	vld.idx.msk [tilespmem:v26+s24+$0x0], $0xffff;
	[tilespmem:s26+$0xFFFFFF40] =	vst v34;
	v34 =	vor.u32 v5, v22  }
0x10d: {  	v33 =	vld.idx.msk [tilespmem:v33+s24+$0x0], $0xffff;
	[tilespmem:s26+$0xFFFFFFC0] =	vst v38;
	v38 =	vor.u32 v5, v17  }
0x10e: {  	v37 =	vld.idx.msk [tilespmem:v37+s24+$0x0], $0xffff;
	[tilespmem:s26+$0x40] =	vst v39;
	v39 =	vor.u32 v5, v18  }
0x10f: {  	v35 =	vld.idx.msk [tilespmem:v35+s24+$0x0], $0xffff;
	[tilespmem:s26+$0xC0] =	vst v29;
	v29 =	vor.u32 v5, v19  }
0x110: {  	v32 =	vld.idx.msk [tilespmem:v32+s24+$0x0], $0xffff;
	[tilespmem:s26+$0x140] =	vst v31;
	v31 =	vor.u32 v5, v20  }
0x111: {  	v44 =	vor.u32 v5, v8;
	v34 =	vld.idx.msk [tilespmem:v34+s24+$0x0], $0xffff;
	[tilespmem:s26+$0x1C0] =	vst v42  }
0x112: {  	v42 =	vor.u32 v6, v9;
	v38 =	vld.idx.msk [tilespmem:v38+s24+$0x0], $0xffff;
	[tilespmem:s26+$0x240] =	vst v40  }
0x113: {  	v40 =	vor.u32 v6, v10;
	v39 =	vld.idx.msk [tilespmem:v39+s24+$0x0], $0xffff;
	[tilespmem:s26+$0x2C0] =	vst v27  }
0x114: {  	v27 =	vor.u32 v6, v11;
	v29 =	vld.idx.msk [tilespmem:v29+s24+$0x0], $0xffff;
	[tilespmem:s26+$0x340] =	vst v36  }
0x115: {  	v36 =	vor.u32 v6, v12;
	[tilespmem:s26+$0xFFFFFC40] =	vst v41;
	v31 =	vld.idx.msk [tilespmem:v31+s24+$0x0], $0xffff  }
0x116: {  	v41 =	vld.idx.msk [tilespmem:v44+s24+$0x0], $0xffff;
	[tilespmem:s26+$0xFFFFFCD0] =	vst v25;
	v25 =	vor.u32 v6, v13  }
0x117: {  	v42 =	vld.idx.msk [tilespmem:v42+s24+$0x0], $0xffff;
	[tilespmem:s26+$0xFFFFFD50] =	vst v43;
	v43 =	vor.u32 v6, v14  }
0x118: {  	v40 =	vld.idx.msk [tilespmem:v40+s24+$0x0], $0xffff;
	[tilespmem:s26+$0xFFFFFDD0] =	vst v30;
	v30 =	vor.u32 v6, v21  }
0x119: {  	v44 =	vld.idx.msk [tilespmem:v27+s24+$0x0], $0xffff;
	[tilespmem:s26+$0xFFFFFE50] =	vst v28;
	v27 =	vor.u32 v6, v16  }
0x11a: {  	v28 =	vld.idx.msk [tilespmem:v36+s24+$0x0], $0xffff;
	[tilespmem:s26+$0xFFFFFED0] =	vst v26;
	v26 =	vor.u32 v6, v23  }
0x11b: {  	v25 =	vld.idx.msk [tilespmem:v25+s24+$0x0], $0xffff;
	[tilespmem:s26+$0xFFFFFF50] =	vst v33;
	v33 =	vor.u32 v6, v22  }
0x11c: {  	v36 =	vld.idx.msk [tilespmem:v43+s24+$0x0], $0xffff;
	[tilespmem:s26+$0xFFFFFFD0] =	vst v37;
	v37 =	vor.u32 v6, v17  }
0x11d: {  	v43 =	vld.idx.msk [tilespmem:v30+s24+$0x0], $0xffff;
	[tilespmem:s26+$0x50] =	vst v35;
	v30 =	vor.u32 v6, v18  }
0x11e: {  	v45 =	vld.idx.msk [tilespmem:v27+s24+$0x0], $0xffff;
	[tilespmem:s26+$0xD0] =	vst v32;
	v27 =	vor.u32 v6, v19  }
0x11f: {  	v46 =	vld.idx.msk [tilespmem:v26+s24+$0x0], $0xffff;
	[tilespmem:s26+$0x150] =	vst v34;
	v26 =	vor.u32 v6, v20  }
0x120: {  	v32 =	vor.u32 v6, v8;
	v47 =	vld.idx.msk [tilespmem:v33+s24+$0x0], $0xffff;
	[tilespmem:s26+$0x1D0] =	vst v38  }
0x121: {  	v9 =	vor.u32 v7, v9;
	v48 =	vld.idx.msk [tilespmem:v37+s24+$0x0], $0xffff;
	[tilespmem:s26+$0x250] =	vst v39  }
0x122: {  	v10 =	vor.u32 v7, v10;
	v49 =	vld.idx.msk [tilespmem:v30+s24+$0x0], $0xffff;
	[tilespmem:s26+$0x2D0] =	vst v29  }
0x123: {  	v11 =	vor.u32 v7, v11;
	v50 =	vld.idx.msk [tilespmem:v27+s24+$0x0], $0xffff;
	[tilespmem:s26+$0x350] =	vst v31  }
0x124: {  	v12 =	vor.u32 v7, v12;
	[tilespmem:s26+$0xFFFFFC50] =	vst v41;
	v51 =	vld.idx.msk [tilespmem:v26+s24+$0x0], $0xffff  }
0x125: {  	s31 =	sadd.s32 $0x1, s30;
	s2 =	sadd.s32 $0x2, s30;
	v13 =	vor.u32 v7, v13;
	v52 =	vld.idx.msk [tilespmem:v32+s24+$0x0], $0xffff;
	[tilespmem:s26+$0xFFFFFCE0] =	vst v42  }
0x126: {  	v38 =	vmov s2;
	s2 =	sadd.s32 $0x3, s30;
	v37 =	vmov s31;
	s31 =	sadd.s32 $0x4, s30;
	v27 =	vld.idx.msk [tilespmem:v9+s24+$0x0], $0xffff;
	[tilespmem:s26+$0xFFFFFD60] =	vst v40;
	v9 =	vor.u32 v7, v14  }
0x127: {  	v39 =	vmov s31;
	s31 =	sadd.s32 $0x6, s30;
	v14 =	vmov s2;
	s2 =	sadd.s32 $0x5, s30;
	v29 =	vld.idx.msk [tilespmem:v10+s24+$0x0], $0xffff;
	[tilespmem:s26+$0xFFFFFDE0] =	vst v44;
	v10 =	vor.u32 v7, v21  }
0x128: {  	v41 =	vmov s31;
	s31 =	sadd.s32 $0x8, s30;
	v21 =	vmov s2;
	s2 =	sadd.s32 $0x7, s30;
	v32 =	vld.idx.msk [tilespmem:v11+s24+$0x0], $0xffff;
	[tilespmem:s26+$0xFFFFFE60] =	vst v28;
	v11 =	vor.u32 v7, v16  }
0x129: {  	v44 =	vmov s31;
	s31 =	sadd.s32 $0xA, s30;
	v42 =	vmov s2;
	s2 =	sadd.s32 $0x9, s30;
	v33 =	vld.idx.msk [tilespmem:v12+s24+$0x0], $0xffff;
	[tilespmem:s26+$0xFFFFFEE0] =	vst v25;
	v12 =	vor.u32 v7, v23  }
0x12a: {  	v30 =	vmov s31;
	s31 =	sadd.s32 $0xC, s30;
	v23 =	vmov s2;
	s2 =	sadd.s32 $0xB, s30;
	v34 =	vld.idx.msk [tilespmem:v13+s24+$0x0], $0xffff;
	[tilespmem:s26+$0xFFFFFF60] =	vst v36;
	v13 =	vor.u32 v7, v22  }
0x12b: {  	v26 =	vmov s31;
	s31 =	sadd.s32 $0xE, s30;
	v31 =	vmov s2;
	s2 =	sadd.s32 $0xD, s30;
	v22 =	vor.u32 v7, v17;
	v35 =	vld.idx.msk [tilespmem:v9+s24+$0x0], $0xffff;
	[tilespmem:s26+$0xFFFFFFE0] =	vst v43  }
0x12c: {  	v25 =	vmov s31;
	v28 =	vmov s2;
	v43 =	vor.u32 v7, v18;
	v36 =	vld.idx.msk [tilespmem:v10+s24+$0x0], $0xffff;
	[tilespmem:s26+$0x60] =	vst v45  }
0x12d: {  	v9 =	vand.u32 $0x71, v37;
	v10 =	vand.u32 $0x72, v38;
	v45 =	vor.u32 v7, v19;
	v37 =	vld.idx.msk [tilespmem:v11+s24+$0x0], $0xffff;
	[tilespmem:s26+$0xE0] =	vst v46  }
0x12e: {  	v9 =	vbroadcast v9, $0x0;
	v11 =	vand.u32 $0x73, v14;
	v46 =	vor.u32 v7, v20;
	v38 =	vld.idx.msk [tilespmem:v12+s24+$0x0], $0xffff;
	[tilespmem:s26+$0x160] =	vst v47  }
.Ltmp3:
0x12f: {  	v16 =	vor.u32 v7, v8;
	v8 =	vmovc v24;
	v10 =	vbroadcast v10, $0x0;
	v12 =	vand.u32 $0x74, v39;
	v39 =	vld.idx.msk [tilespmem:v13+s24+$0x0], $0xffff;
	[tilespmem:s26+$0x1E0] =	vst v48;
	(pc) =	sbr.rel @p1 .LBB2_5-.Ltmp3, $4  }
0x130: {  	v17 =	vor.u32 v0, v9;
	v11 =	vbroadcast v11, $0x0;
	v13 =	vand.u32 $0x75, v21;
	v40 =	vld.idx.msk [tilespmem:v22+s24+$0x0], $0xffff;
	[tilespmem:s26+$0x260] =	vst v49  }
0x131: {  	v14 =	vand.u32 $0x76, v41;
	v18 =	vor.u32 v0, v10;
	v12 =	vbroadcast v12, $0x0;
	v41 =	vld.idx.msk [tilespmem:v43+s24+$0x0], $0xffff;
	[tilespmem:s26+$0x2E0] =	vst v50  }
0x132: {  	v21 =	vand.u32 $0x77, v42;
	v19 =	vor.u32 v0, v11;
	v13 =	vbroadcast v13, $0x0;
	v42 =	vld.idx.msk [tilespmem:v45+s24+$0x0], $0xffff;
	[tilespmem:s26+$0x360] =	vst v51  }
0x133: {  	s31 =	sadd.s32 $0xF, s30;
	s30 =	sadd.s32 $0x10, s30;
	v14 =	vbroadcast v14, $0x0;
	v22 =	vand.u32 $0x78, v44;
	v20 =	vor.u32 v0, v12;
	[tilespmem:s26+$0xFFFFFC60] =	vst v52;
	v43 =	vld.idx.msk [tilespmem:v46+s24+$0x0], $0xffff  }
0x134: {  	[tilespmem:s26+$0xFFFFFCF0] =	vst v27  }
0x135: {  	[tilespmem:s26+$0xFFFFFD70] =	vst v29  }
0x136: {  	[tilespmem:s26+$0xFFFFFDF0] =	vst v32  }
0x137: {  	[tilespmem:s26+$0xFFFFFE70] =	vst v33  }
0x138: {  	[tilespmem:s26+$0xFFFFFEF0] =	vst v34  }
0x139: {  	[tilespmem:s26+$0xFFFFFF70] =	vst v35  }
0x13a: {  	[tilespmem:s26+$0xFFFFFFF0] =	vst v36  }
0x13b: {  	[tilespmem:s26+$0x70] =	vst v37  }
0x13c: {  	[tilespmem:s26+$0xF0] =	vst v38  }
0x13d: {  	[tilespmem:s26+$0x170] =	vst v39  }
0x13e: {  	v47 =	vld.idx.msk [tilespmem:v16+s24+$0x0], $0xffff;
	v48 =	vor.u32 v0, v13;
	v16 =	vbroadcast v21, $0x0;
	s30 =	sadd.s32 $0x800, s26;
	[tilespmem:s26+$0x1F0] =	vst v40  }
0x13f: {  	v49 =	vld.idx.msk [tilespmem:v17+s24+$0x0], $0xffff;
	v17 =	vbroadcast v22, $0x0;
	v50 =	vor.u32 v0, v14;
	[tilespmem:s30+$0xFFFFFC00] =	vst v15  }
0x140: {  	v24 =	vmov s31;
	v51 =	vld.idx.msk [tilespmem:v18+s24+$0x0], $0xffff;
	v52 =	vand.u32 $0x79, v23;
	[tilespmem:s26+$0x270] =	vst v41;
	v54 =	vor.u32 v0, v16  }
0x141: {  	v56 =	vand.u32 $0x7A, v30;
	v58 =	vld.idx.msk [tilespmem:v20+s24+$0x0], $0xffff;
	v18 =	vbroadcast v52, $0x0;
	v57 =	vor.u32 v0, v17;
	[tilespmem:s26+$0x2F0] =	vst v42  }
0x142: {  	v55 =	vld.idx.msk [tilespmem:v19+s24+$0x0], $0xffff;
	v26 =	vand.u32 $0x7C, v26;
	v19 =	vbroadcast v56, $0x0;
	v52 =	vor.u32 v1, v12;
	[tilespmem:s26+$0x370] =	vst v43  }
0x143: {  	v37 =	vand.u32 $0x7D, v28;
	v21 =	vbroadcast v26, $0x0;
	v61 =	vor.u32 v0, v18;
	[tilespmem:s26+$0xFFFFFC70] =	vst v47;
	v60 =	vld.idx.msk [tilespmem:v48+s24+$0x0], $0xffff  }
0x144: {  	v24 =	vand.u32 $0x7F, v24;
	v22 =	vbroadcast v37, $0x0;
	v63 =	vor.u32 v0, v19;
	[tilespmem:s30+$0xFFFFFC80] =	vst v49;
	v62 =	vld.idx.msk [tilespmem:v50+s24+$0x0], $0xffff  }
0x145: {  	v59 =	vand.u32 $0x7B, v31;
	v24 =	vbroadcast v24, $0x0;
	v41 =	vor.u32 v0, v21;
	[tilespmem:s30+$0xFFFFFD00] =	vst v51;
	v34 =	vld.idx.msk [tilespmem:v54+s24+$0x0], $0xffff  }
0x146: {  	v20 =	vbroadcast v59, $0x0;
	v40 =	vand.u32 $0x7E, v25;
	v44 =	vor.u32 v0, v22;
	[tilespmem:s30+$0xFFFFFE00] =	vst v58;
	v42 =	vld.idx.msk [tilespmem:v57+s24+$0x0], $0xffff  }
0x147: {  	v23 =	vbroadcast v40, $0x0;
	v46 =	vor.u32 v0, v24;
	[tilespmem:s30+$0xFFFFFD80] =	vst v55;
	v57 =	vld.idx.msk [tilespmem:v52+s24+$0x0], $0xffff  }
0x148: {  	v38 =	vor.u32 v0, v20;
	v31 =	vld.idx.msk [tilespmem:v61+s24+$0x0], $0xffff;
	[tilespmem:s30+$0xFFFFFE80] =	vst v60  }
0x149: {  	v45 =	vor.u32 v0, v23;
	v32 =	vld.idx.msk [tilespmem:v63+s24+$0x0], $0xffff;
	[tilespmem:s30+$0xFFFFFF00] =	vst v62  }
0x14a: {  	v47 =	vor.u32 v1, v9;
	v25 =	vld.idx.msk [tilespmem:v41+s24+$0x0], $0xffff;
	[tilespmem:s30+$0xFFFFFF80] =	vst v34  }
0x14b: {  	v48 =	vor.u32 v1, v10;
	v50 =	vld.idx.msk [tilespmem:v44+s24+$0x0], $0xffff;
	[tilespmem:s30+$0x0] =	vst v42  }
0x14c: {  	v49 =	vor.u32 v1, v11;
	v27 =	vld.idx.msk [tilespmem:v46+s24+$0x0], $0xffff;
	[tilespmem:s30+$0xFFFFFE10] =	vst v57  }
0x14d: {  	v54 =	vor.u32 v1, v14;
	v46 =	vld.idx.msk [tilespmem:v38+s24+$0x0], $0xffff;
	[tilespmem:s30+$0x80] =	vst v31  }
0x14e: {  	v56 =	vor.u32 v1, v17;
	v29 =	vld.idx.msk [tilespmem:v45+s24+$0x0], $0xffff;
	[tilespmem:s30+$0x100] =	vst v32  }
0x14f: {  	v58 =	vor.u32 v1, v18;
	v28 =	vld.idx.msk [tilespmem:v47+s24+$0x0], $0xffff;
	[tilespmem:s30+$0x200] =	vst v25  }
0x150: {  	v37 =	vor.u32 v1, v22;
	v33 =	vld.idx.msk [tilespmem:v48+s24+$0x0], $0xffff;
	[tilespmem:s30+$0x280] =	vst v50  }
0x151: {  	v53 =	vor.u32 v1, v24;
	v26 =	vld.idx.msk [tilespmem:v49+s24+$0x0], $0xffff;
	[tilespmem:s30+$0x380] =	vst v27  }
0x152: {  	v40 =	vor.u32 v1, v8;
	v25 =	vld.idx.msk [tilespmem:v54+s24+$0x0], $0xffff;
	[tilespmem:s30+$0x180] =	vst v46  }
0x153: {  	v63 =	vor.u32 v1, v21;
	v34 =	vld.idx.msk [tilespmem:v56+s24+$0x0], $0xffff;
	[tilespmem:s30+$0x300] =	vst v29  }
0x154: {  	v38 =	vor.u32 v1, v23;
	v36 =	vld.idx.msk [tilespmem:v58+s24+$0x0], $0xffff;
	[tilespmem:s30+$0xFFFFFC90] =	vst v28  }
0x155: {  	v62 =	vor.u32 v1, v20;
	v32 =	vld.idx.msk [tilespmem:v37+s24+$0x0], $0xffff;
	[tilespmem:s30+$0xFFFFFD10] =	vst v33  }
0x156: {  	v47 =	vor.u32 v2, v12;
	v39 =	vld.idx.msk [tilespmem:v53+s24+$0x0], $0xffff;
	[tilespmem:s30+$0xFFFFFD90] =	vst v26  }
0x157: {  	v43 =	vor.u32 v2, v24;
	v46 =	vld.idx.msk [tilespmem:v40+s24+$0x0], $0xffff;
	[tilespmem:s30+$0xFFFFFF10] =	vst v25  }
0x158: {  	v53 =	vor.u32 v1, v13;
	v26 =	vld.idx.msk [tilespmem:v63+s24+$0x0], $0xffff;
	[tilespmem:s30+$0x10] =	vst v34  }
0x159: {  	v61 =	vor.u32 v1, v19;
	v29 =	vld.idx.msk [tilespmem:v38+s24+$0x0], $0xffff;
	[tilespmem:s30+$0x90] =	vst v36  }
0x15a: {  	v54 =	vor.u32 v2, v17;
	v41 =	vld.idx.msk [tilespmem:v62+s24+$0x0], $0xffff;
	[tilespmem:s30+$0x290] =	vst v32  }
0x15b: {  	v57 =	vor.u32 v2, v20;
	v28 =	vld.idx.msk [tilespmem:v47+s24+$0x0], $0xffff;
	[tilespmem:s30+$0x390] =	vst v39  }
0x15c: {  	v55 =	vor.u32 v1, v16;
	[tilespmem:s30+$0xFFFFFC10] =	vst v46;
	v30 =	vld.idx.msk [tilespmem:v43+s24+$0x0], $0xffff  }
0x15d: {  	v59 =	vld.idx.msk [tilespmem:v53+s24+$0x0], $0xffff;
	[tilespmem:s30+$0x210] =	vst v26;
	v43 =	vor.u32 v2, v9  }
0x15e: {  	v48 =	vor.u32 v2, v13;
	v39 =	vld.idx.msk [tilespmem:v61+s24+$0x0], $0xffff;
	[tilespmem:s30+$0x310] =	vst v29  }
0x15f: {  	v56 =	vor.u32 v2, v19;
	v29 =	vld.idx.msk [tilespmem:v54+s24+$0x0], $0xffff;
	[tilespmem:s30+$0x190] =	vst v41  }
0x160: {  	v51 =	vor.u32 v3, v24;
	[tilespmem:s30+$0xFFFFFE20] =	vst v28;
	v25 =	vld.idx.msk [tilespmem:v57+s24+$0x0], $0xffff  }
0x161: {  	v44 =	vor.u32 v2, v10;
	[tilespmem:s30+$0x3A0] =	vst v30;
	v30 =	vld.idx.msk [tilespmem:v55+s24+$0x0], $0xffff  }
0x162: {  	[tilespmem:s30+$0xFFFFFE90] =	vst v59;
	v59 =	vor.u32 v2, v21;
	v49 =	vld.idx.msk [tilespmem:v43+s24+$0x0], $0xffff  }
0x163: {  	v50 =	vor.u32 v2, v14;
	[tilespmem:s30+$0x110] =	vst v39;
	v15 =	vld.idx.msk [tilespmem:v48+s24+$0x0], $0xffff  }
0x164: {  	v61 =	vor.u32 v2, v23;
	[tilespmem:s30+$0x20] =	vst v29;
	v62 =	vld.idx.msk [tilespmem:v56+s24+$0x0], $0xffff  }
0x165: {  	v45 =	vor.u32 v2, v11;
	v31 =	vld.idx.msk [tilespmem:v51+s24+$0x0], $0xffff;
	[tilespmem:s30+$0x1A0] =	vst v25  }
0x166: {  	v53 =	vor.u32 v2, v16;
	v51 =	vld.idx.msk [tilespmem:v44+s24+$0x0], $0xffff;
	[tilespmem:s30+$0xFFFFFF90] =	vst v30  }
0x167: {  	v36 =	vor.u32 v3, v9;
	v32 =	vld.idx.msk [tilespmem:v59+s24+$0x0], $0xffff;
	[tilespmem:s30+$0xFFFFFCA0] =	vst v49  }
0x168: {  	v40 =	vor.u32 v3, v13;
	v30 =	vld.idx.msk [tilespmem:v50+s24+$0x0], $0xffff;
	[tilespmem:s30+$0xFFFFFEA0] =	vst v15  }
0x169: {  	v48 =	vor.u32 v3, v19;
	v15 =	vld.idx.msk [tilespmem:v61+s24+$0x0], $0xffff;
	[tilespmem:s30+$0x120] =	vst v62  }
0x16a: {  	v60 =	vor.u32 v4, v24;
	[tilespmem:s30+$0x3B0] =	vst v31;
	v31 =	vld.idx.msk [tilespmem:v45+s24+$0x0], $0xffff  }
0x16b: {  	v37 =	vor.u32 v3, v10;
	[tilespmem:s30+$0xFFFFFD20] =	vst v51;
	v58 =	vld.idx.msk [tilespmem:v53+s24+$0x0], $0xffff  }
0x16c: {  	v63 =	vor.u32 v2, v8;
	v41 =	vld.idx.msk [tilespmem:v36+s24+$0x0], $0xffff;
	[tilespmem:s30+$0x220] =	vst v32  }
0x16d: {  	v50 =	vor.u32 v3, v20;
	v47 =	vld.idx.msk [tilespmem:v40+s24+$0x0], $0xffff;
	[tilespmem:s30+$0xFFFFFF20] =	vst v30  }
0x16e: {  	v45 =	vor.u32 v3, v17;
	v57 =	vld.idx.msk [tilespmem:v48+s24+$0x0], $0xffff;
	[tilespmem:s30+$0x320] =	vst v15  }
0x16f: {  	v55 =	vor.u32 v2, v18;
	v27 =	vld.idx.msk [tilespmem:v60+s24+$0x0], $0xffff;
	[tilespmem:s30+$0xFFFFFDA0] =	vst v31  }
0x170: {  	v60 =	vor.u32 v2, v22;
	v26 =	vld.idx.msk [tilespmem:v37+s24+$0x0], $0xffff;
	[tilespmem:s30+$0xFFFFFFA0] =	vst v58  }
0x171: {  	v38 =	vor.u32 v3, v11;
	v30 =	vld.idx.msk [tilespmem:v63+s24+$0x0], $0xffff;
	[tilespmem:s30+$0xFFFFFCB0] =	vst v41  }
0x172: {  	v43 =	vor.u32 v3, v16;
	v59 =	vld.idx.msk [tilespmem:v50+s24+$0x0], $0xffff;
	[tilespmem:s30+$0xFFFFFEB0] =	vst v47  }
0x173: {  	v42 =	vor.u32 v5, v24;
	v53 =	vld.idx.msk [tilespmem:v45+s24+$0x0], $0xffff;
	[tilespmem:s30+$0x130] =	vst v57  }
0x174: {  	v62 =	vor.u32 v4, v10;
	[tilespmem:s30+$0x3C0] =	vst v27;
	v27 =	vld.idx.msk [tilespmem:v55+s24+$0x0], $0xffff  }
0x175: {  	v58 =	vor.u32 v3, v8;
	v28 =	vld.idx.msk [tilespmem:v60+s24+$0x0], $0xffff;
	[tilespmem:s30+$0xFFFFFD30] =	vst v26  }
0x176: {  	v39 =	vor.u32 v3, v12;
	v44 =	vld.idx.msk [tilespmem:v38+s24+$0x0], $0xffff;
	[tilespmem:s30+$0xFFFFFC20] =	vst v30  }
0x177: {  	v56 =	vor.u32 v3, v23;
	v51 =	vld.idx.msk [tilespmem:v43+s24+$0x0], $0xffff;
	[tilespmem:s30+$0x1B0] =	vst v59  }
0x178: {  	v60 =	vor.u32 v4, v9;
	v33 =	vld.idx.msk [tilespmem:v42+s24+$0x0], $0xffff;
	[tilespmem:s30+$0x30] =	vst v53  }
0x179: {  	v38 =	vor.u32 v4, v13;
	v41 =	vld.idx.msk [tilespmem:v62+s24+$0x0], $0xffff;
	[tilespmem:s30+$0xA0] =	vst v27  }
0x17a: {  	v43 =	vor.u32 v4, v17;
	v37 =	vld.idx.msk [tilespmem:v58+s24+$0x0], $0xffff;
	[tilespmem:s30+$0x2A0] =	vst v28  }
0x17b: {  	v42 =	vor.u32 v3, v14;
	v27 =	vld.idx.msk [tilespmem:v39+s24+$0x0], $0xffff;
	[tilespmem:s30+$0xFFFFFDB0] =	vst v44  }
0x17c: {  	v46 =	vor.u32 v3, v18;
	[tilespmem:s30+$0xFFFFFFB0] =	vst v51;
	v28 =	vld.idx.msk [tilespmem:v56+s24+$0x0], $0xffff  }
0x17d: {  	v54 =	vor.u32 v3, v22;
	v39 =	vld.idx.msk [tilespmem:v60+s24+$0x0], $0xffff;
	[tilespmem:s30+$0x3D0] =	vst v33  }
0x17e: {  	v63 =	vor.u32 v4, v11;
	v45 =	vld.idx.msk [tilespmem:v38+s24+$0x0], $0xffff;
	[tilespmem:s30+$0xFFFFFD40] =	vst v41  }
0x17f: {  	v48 =	vor.u32 v4, v20;
	v51 =	vld.idx.msk [tilespmem:v43+s24+$0x0], $0xffff;
	[tilespmem:s30+$0xFFFFFC30] =	vst v37  }
0x180: {  	v52 =	vor.u32 v6, v24;
	v49 =	vld.idx.msk [tilespmem:v42+s24+$0x0], $0xffff;
	[tilespmem:s30+$0xFFFFFE30] =	vst v27  }
0x181: {  	v36 =	vor.u32 v4, v12;
	v55 =	vld.idx.msk [tilespmem:v46+s24+$0x0], $0xffff;
	[tilespmem:s30+$0x330] =	vst v28  }
0x182: {  	v29 =	vld.idx.msk [tilespmem:v54+s24+$0x0], $0xffff;
	v42 =	vor.u32 v4, v16;
	[tilespmem:s30+$0xFFFFFCC0] =	vst v39  }
0x183: {  	v25 =	vld.idx.msk [tilespmem:v63+s24+$0x0], $0xffff;
	v46 =	vor.u32 v4, v19;
	[tilespmem:s30+$0xFFFFFEC0] =	vst v45  }
0x184: {  	v54 =	vor.u32 v4, v23;
	v33 =	vld.idx.msk [tilespmem:v48+s24+$0x0], $0xffff;
	[tilespmem:s30+$0x40] =	vst v51  }
0x185: {  	v56 =	vor.u32 v5, v9;
	v34 =	vld.idx.msk [tilespmem:v52+s24+$0x0], $0xffff;
	[tilespmem:s30+$0xFFFFFF30] =	vst v49  }
0x186: {  	v52 =	vor.u32 v3, v21;
	[tilespmem:s30+$0xB0] =	vst v55;
	v26 =	vld.idx.msk [tilespmem:v36+s24+$0x0], $0xffff  }
0x187: {  	v40 =	vor.u32 v4, v14;
	[tilespmem:s30+$0x2B0] =	vst v29;
	v49 =	vld.idx.msk [tilespmem:v42+s24+$0x0], $0xffff  }
0x188: {  	v44 =	vor.u32 v4, v18;
	[tilespmem:s30+$0xFFFFFDC0] =	vst v25;
	v31 =	vld.idx.msk [tilespmem:v46+s24+$0x0], $0xffff  }
0x189: {  	v58 =	vor.u32 v5, v11;
	v29 =	vld.idx.msk [tilespmem:v54+s24+$0x0], $0xffff;
	[tilespmem:s30+$0x1C0] =	vst v33  }
0x18a: {  	v24 =	vor.u32 v7, v24;
	v28 =	vld.idx.msk [tilespmem:v56+s24+$0x0], $0xffff;
	[tilespmem:s30+$0x3E0] =	vst v34  }
0x18b: {  	v55 =	vor.u32 v4, v8;
	v61 =	vld.idx.msk [tilespmem:v52+s24+$0x0], $0xffff;
	[tilespmem:s30+$0xFFFFFE40] =	vst v26  }
0x18c: {  	v36 =	vor.u32 v5, v17;
	v47 =	vld.idx.msk [tilespmem:v40+s24+$0x0], $0xffff;
	[tilespmem:s30+$0xFFFFFFC0] =	vst v49  }
0x18d: {  	v52 =	vor.u32 v4, v22;
	v53 =	vld.idx.msk [tilespmem:v44+s24+$0x0], $0xffff;
	[tilespmem:s30+$0x140] =	vst v31  }
0x18e: {  	v59 =	vor.u32 v5, v12;
	v27 =	vld.idx.msk [tilespmem:v58+s24+$0x0], $0xffff;
	[tilespmem:s30+$0x340] =	vst v29  }
0x18f: {  	v63 =	vor.u32 v5, v16;
	v24 =	vld.idx.msk [tilespmem:v24+s24+$0x0], $0xffff;
	[tilespmem:s30+$0xFFFFFCD0] =	vst v28  }
0x190: {  	v38 =	vor.u32 v5, v19;
	v60 =	vld.idx.msk [tilespmem:v55+s24+$0x0], $0xffff;
	[tilespmem:s30+$0x230] =	vst v61  }
0x191: {  	v40 =	vor.u32 v5, v20;
	v43 =	vld.idx.msk [tilespmem:v36+s24+$0x0], $0xffff;
	[tilespmem:s30+$0xFFFFFF40] =	vst v47  }
0x192: {  	v50 =	vor.u32 v4, v21;
	v30 =	vld.idx.msk [tilespmem:v52+s24+$0x0], $0xffff;
	[tilespmem:s30+$0xC0] =	vst v53  }
0x193: {  	v57 =	vor.u32 v5, v10;
	v15 =	vld.idx.msk [tilespmem:v59+s24+$0x0], $0xffff;
	[tilespmem:s30+$0xFFFFFDD0] =	vst v27  }
0x194: {  	v62 =	vor.u32 v5, v14;
	v41 =	vld.idx.msk [tilespmem:v63+s24+$0x0], $0xffff;
	[tilespmem:s30+$0x3F0] =	vst v24  }
0x195: {  	v37 =	vor.u32 v5, v18;
	v29 =	vld.idx.msk [tilespmem:v38+s24+$0x0], $0xffff;
	[tilespmem:s30+$0xFFFFFC40] =	vst v60  }
0x196: {  	v61 =	vor.u32 v5, v13;
	v31 =	vld.idx.msk [tilespmem:v40+s24+$0x0], $0xffff;
	[tilespmem:s30+$0x50] =	vst v43  }
0x197: {  	v46 =	vor.u32 v5, v23;
	v32 =	vld.idx.msk [tilespmem:v50+s24+$0x0], $0xffff;
	[tilespmem:s30+$0x2C0] =	vst v30  }
0x198: {  	v47 =	vor.u32 v5, v8;
	v24 =	vld.idx.msk [tilespmem:v57+s24+$0x0], $0xffff;
	[tilespmem:s30+$0xFFFFFE50] =	vst v15  }
0x199: {  	v55 =	vor.u32 v6, v17;
	v39 =	vld.idx.msk [tilespmem:v62+s24+$0x0], $0xffff;
	[tilespmem:s30+$0xFFFFFFD0] =	vst v41  }
0x19a: {  	v44 =	vor.u32 v5, v22;
	v45 =	vld.idx.msk [tilespmem:v37+s24+$0x0], $0xffff;
	[tilespmem:s30+$0x150] =	vst v29  }
0x19b: {  	v50 =	vor.u32 v6, v11;
	v26 =	vld.idx.msk [tilespmem:v61+s24+$0x0], $0xffff;
	[tilespmem:s30+$0x1D0] =	vst v31  }
0x19c: {  	v51 =	vor.u32 v6, v12;
	v30 =	vld.idx.msk [tilespmem:v46+s24+$0x0], $0xffff;
	[tilespmem:s30+$0x240] =	vst v32  }
0x19d: {  	v54 =	vor.u32 v6, v16;
	v15 =	vld.idx.msk [tilespmem:v47+s24+$0x0], $0xffff;
	[tilespmem:s30+$0xFFFFFD50] =	vst v24  }
0x19e: {  	v59 =	vor.u32 v6, v20;
	v62 =	vld.idx.msk [tilespmem:v55+s24+$0x0], $0xffff;
	[tilespmem:s30+$0xFFFFFF50] =	vst v39  }
0x19f: {  	v42 =	vor.u32 v5, v21;
	v32 =	vld.idx.msk [tilespmem:v44+s24+$0x0], $0xffff;
	[tilespmem:s30+$0xD0] =	vst v45  }
0x1a0: {  	v49 =	vor.u32 v6, v10;
	v28 =	vld.idx.msk [tilespmem:v50+s24+$0x0], $0xffff;
	[tilespmem:s30+$0xFFFFFED0] =	vst v26  }
0x1a1: {  	v53 =	vor.u32 v6, v14;
	v24 =	vld.idx.msk [tilespmem:v51+s24+$0x0], $0xffff;
	[tilespmem:s30+$0x350] =	vst v30  }
0x1a2: {  	v56 =	vor.u32 v6, v18;
	v60 =	vld.idx.msk [tilespmem:v54+s24+$0x0], $0xffff;
	[tilespmem:s30+$0xFFFFFC50] =	vst v15  }
0x1a3: {  	v48 =	vor.u32 v6, v9;
	v40 =	vld.idx.msk [tilespmem:v59+s24+$0x0], $0xffff;
	[tilespmem:s30+$0x60] =	vst v62  }
0x1a4: {  	v57 =	vor.u32 v6, v19;
	v33 =	vld.idx.msk [tilespmem:v42+s24+$0x0], $0xffff;
	[tilespmem:s30+$0x2D0] =	vst v32  }
0x1a5: {  	v52 =	vor.u32 v6, v13;
	v25 =	vld.idx.msk [tilespmem:v49+s24+$0x0], $0xffff;
	[tilespmem:s30+$0xFFFFFDE0] =	vst v28  }
0x1a6: {  	v37 =	vor.u32 v6, v23;
	v58 =	vld.idx.msk [tilespmem:v53+s24+$0x0], $0xffff;
	[tilespmem:s30+$0xFFFFFE60] =	vst v24  }
0x1a7: {  	v38 =	vor.u32 v6, v8;
	v36 =	vld.idx.msk [tilespmem:v56+s24+$0x0], $0xffff;
	[tilespmem:s30+$0xFFFFFFE0] =	vst v60  }
0x1a8: {  	v63 =	vor.u32 v6, v22;
	v26 =	vld.idx.msk [tilespmem:v48+s24+$0x0], $0xffff;
	[tilespmem:s30+$0x1E0] =	vst v40  }
0x1a9: {  	v43 =	vor.u32 v7, v11;
	v30 =	vld.idx.msk [tilespmem:v57+s24+$0x0], $0xffff;
	[tilespmem:s30+$0x250] =	vst v33  }
0x1aa: {  	v45 =	vor.u32 v7, v12;
	v27 =	vld.idx.msk [tilespmem:v52+s24+$0x0], $0xffff;
	[tilespmem:s30+$0xFFFFFD60] =	vst v25  }
0x1ab: {  	v16 =	vor.u32 v7, v16;
	v46 =	vld.idx.msk [tilespmem:v37+s24+$0x0], $0xffff;
	[tilespmem:s30+$0xFFFFFF60] =	vst v58  }
0x1ac: {  	v49 =	vor.u32 v7, v17;
	v24 =	vld.idx.msk [tilespmem:v38+s24+$0x0], $0xffff;
	[tilespmem:s30+$0xE0] =	vst v36  }
0x1ad: {  	v61 =	vor.u32 v6, v21;
	v44 =	vld.idx.msk [tilespmem:v63+s24+$0x0], $0xffff;
	[tilespmem:s30+$0xFFFFFCE0] =	vst v26  }
0x1ae: {  	v41 =	vor.u32 v7, v10;
	v11 =	vld.idx.msk [tilespmem:v43+s24+$0x0], $0xffff;
	[tilespmem:s30+$0x160] =	vst v30  }
0x1af: {  	v50 =	vor.u32 v7, v18;
	v12 =	vld.idx.msk [tilespmem:v45+s24+$0x0], $0xffff;
	[tilespmem:s30+$0xFFFFFEE0] =	vst v27  }
0x1b0: {  	v48 =	vor.u32 v7, v14;
	v53 =	vld.idx.msk [tilespmem:v16+s24+$0x0], $0xffff;
	[tilespmem:s30+$0x360] =	vst v46  }
0x1b1: {  	v39 =	vor.u32 v7, v9;
	v55 =	vld.idx.msk [tilespmem:v49+s24+$0x0], $0xffff;
	[tilespmem:s30+$0xFFFFFC60] =	vst v24  }
0x1b2: {  	v51 =	vor.u32 v7, v19;
	v42 =	vld.idx.msk [tilespmem:v61+s24+$0x0], $0xffff;
	[tilespmem:s30+$0x2E0] =	vst v44  }
0x1b3: {  	v52 =	vor.u32 v7, v20;
	v10 =	vld.idx.msk [tilespmem:v41+s24+$0x0], $0xffff;
	[tilespmem:s30+$0xFFFFFDF0] =	vst v11  }
0x1b4: {  	v47 =	vor.u32 v7, v13;
	v57 =	vld.idx.msk [tilespmem:v50+s24+$0x0], $0xffff;
	[tilespmem:s30+$0xFFFFFE70] =	vst v12  }
0x1b5: {  	v58 =	vor.u32 v7, v23;
	v14 =	vld.idx.msk [tilespmem:v48+s24+$0x0], $0xffff;
	[tilespmem:s30+$0xFFFFFFF0] =	vst v53  }
0x1b6: {  	v8 =	vor.u32 v7, v8;
	v9 =	vld.idx.msk [tilespmem:v39+s24+$0x0], $0xffff;
	[tilespmem:s30+$0x70] =	vst v55  }
0x1b7: {  	v56 =	vor.u32 v7, v22;
	v59 =	vld.idx.msk [tilespmem:v51+s24+$0x0], $0xffff;
	[tilespmem:s30+$0x260] =	vst v42  }
0x1b8: {  	v54 =	vor.u32 v7, v21;
	v60 =	vld.idx.msk [tilespmem:v52+s24+$0x0], $0xffff;
	[tilespmem:s30+$0xFFFFFD70] =	vst v10  }
0x1b9: {  	v13 =	vld.idx.msk [tilespmem:v47+s24+$0x0], $0xffff;
	[tilespmem:s30+$0xF0] =	vst v57  }
0x1ba: {  	v63 =	vld.idx.msk [tilespmem:v58+s24+$0x0], $0xffff;
	[tilespmem:s30+$0xFFFFFF70] =	vst v14  }
0x1bb: {  	v8 =	vld.idx.msk [tilespmem:v8+s24+$0x0], $0xffff;
	[tilespmem:s30+$0xFFFFFCF0] =	vst v9  }
0x1bc: {  	v62 =	vld.idx.msk [tilespmem:v56+s24+$0x0], $0xffff;
	[tilespmem:s30+$0x170] =	vst v59  }
0x1bd: {  	v61 =	vld.idx.msk [tilespmem:v54+s24+$0x0], $0xffff;
	[tilespmem:s30+$0x1F0] =	vst v60  }
0x1be: {  	[tilespmem:s30+$0xFFFFFEF0] =	vst v13  }
.Ltmp4:
0x1bf: {  	s2 =	sshll.u32 s29, $0x12;
	s31 =	sshll.u32 s25, $0xA;
	[tilespmem:s30+$0x370] =	vst v63;
	(pc) =	sbr.rel .LBB2_7-.Ltmp4, $4  }
0x1c0: {  	s2 =	sor.u32 s31, s2;
	[tilespmem:s30+$0xFFFFFC70] =	vst v8  }
0x1c1: {  	s2 =	sshrl.u32 s2, $0x3;
	[tilespmem:s30+$0x2F0] =	vst v62  }
0x1c2: {  	s2 =	sadd.s32 s3, s2;
	[tilespmem:s30+$0x270] =	vst v61  }
0x1c3: {  	[hbm4b:s2+s16] =	stream.strided.scatter [tilespmem:s28], [sflag:s23], $0x2000, s17, s16, $0x38;
	[tilespmem:$0xC100] =	vst v63  }
.LBB2_8:
0x1c4: {  	s2 =	simm.s32 $0x0;
	s29 =	simm.s32 $0x1  }
0x1c5: {  	s22 =	simm.s32 $0x2;
	s30 =	simm.s32 $0x3;
	s31 =	simm.s32 $0x4;
	v8 =	vmov s2;
	v9 =	vmov s29  }
0x1c6: {  	s23 =	simm.s32 $0x5;
	s24 =	simm.s32 $0x8;
	s25 =	simm.s32 $0x9;
	v10 =	vmov s22;
	v12 =	vmov s30;
	v13 =	vmov s31  }
0x1c7: {  	s26 =	simm.s32 $0xA;
	s28 =	simm.s32 $0xB;
	v14 =	vmov s23;
	v17 =	vmov s24;
	v25 =	vmov s25  }
0x1c8: {  	s22 =	simm.s32 $0x6;
	v26 =	vmov s26;
	v27 =	vmov s28;
	v8 =	vand.u32 $0x70, v8  }
0x1c9: {  	s23 =	simm.s32 $0x7;
	v15 =	vmov s22;
	v9 =	vand.u32 $0x71, v9;
	v11 =	vbroadcast v8, $0x0  }
0x1ca: {  	_ =	swait.ge [sflag:s13], $0x4000;
	v16 =	vmov s23;
	v10 =	vand.u32 $0x72, v10;
	v21 =	vbroadcast v9, $0x0  }
0x1cb: {  	[sflag:s13] =	ssyncset.done $0x0;
	v9 =	vand.u32 $0x73, v12;
	v22 =	vbroadcast v10, $0x0;
	v8 =	vor.u32 v0, v11  }
0x1cc: {  	[sflag:s13] =	ssyncadd.s32 $0xFFFFC000;
	v10 =	vand.u32 $0x74, v13;
	v23 =	vbroadcast v9, $0x0;
	v12 =	vor.u32 v0, v21  }
0x1cd: {  	_ =	swait.ge [sflag:s14], $0x2000;
	v9 =	vand.u32 $0x75, v14;
	v24 =	vbroadcast v10, $0x0;
	v13 =	vor.u32 v0, v22  }
0x1ce: {  	v10 =	vand.u32 $0x76, v15;
	[sflag:s14] =	ssyncset.done $0x0;
	v20 =	vbroadcast v9, $0x0;
	v14 =	vor.u32 v0, v23  }
0x1cf: {  	v9 =	vand.u32 $0x77, v16;
	[sflag:s14] =	ssyncadd.s32 $0xFFFFE000;
	v19 =	vbroadcast v10, $0x0;
	v15 =	vor.u32 v0, v24  }
0x1d0: {  	s29 =	simm.s32 $0xC;
	v10 =	vand.u32 $0x78, v17;
	v18 =	vbroadcast v9, $0x0;
	v32 =	vor.u32 v0, v20;
	v31 =	vld.idx.msk [tilespmem:v8+s15+$0x0], $0xffff  }
0x1d1: {  	s30 =	simm.s32 $0xD;
	s31 =	simm.s32 $0xE;
	v28 =	vmov s29;
	v16 =	vbroadcast v10, $0x0;
	v9 =	vor.u32 v0, v19;
	v33 =	vld.idx.msk [tilespmem:v12+s15+$0x0], $0xffff  }
0x1d2: {  	v29 =	vmov s30;
	v30 =	vmov s31;
	v10 =	vor.u32 v0, v18;
	v34 =	vld.idx.msk [tilespmem:v13+s15+$0x0], $0xffff  }
0x1d3: {  	v41 =	vor.u32 v1, v21;
	v35 =	vor.u32 v0, v16;
	v12 =	vand.u32 $0x79, v25;
	v25 =	vld.idx.msk [tilespmem:v14+s15+$0x0], $0xffff  }
0x1d4: {  	v42 =	vor.u32 v1, v22;
	v17 =	vbroadcast v12, $0x0;
	v12 =	vand.u32 $0x7A, v26;
	v15 =	vld.idx.msk [tilespmem:v15+s15+$0x0], $0xffff  }
0x1d5: {  	s23 =	simm.s32 $0xF;
	v55 =	vor.u32 v1, v11;
	v14 =	vbroadcast v12, $0x0;
	v12 =	vand.u32 $0x7B, v27;
	v27 =	vld.idx.msk [tilespmem:v32+s15+$0x0], $0xffff  }
0x1d6: {  	v8 =	vmov s23;
	v13 =	vbroadcast v12, $0x0;
	v12 =	vand.u32 $0x7C, v28;
	v28 =	vld.idx.msk [tilespmem:v9+s15+$0x0], $0xffff  }
0x1d7: {  	s22 =	simm.s32 $0xA8F0;
	v43 =	vor.u32 v1, v23;
	v8 =	vand.u32 $0x7F, v8;
	v9 =	vand.u32 $0x7D, v29;
	v29 =	vld.idx.msk [tilespmem:v10+s15+$0x0], $0xffff  }
0x1d8: {  	v44 =	vor.u32 v1, v24;
	v8 =	vbroadcast v8, $0x0;
	v10 =	vand.u32 $0x7E, v30;
	v30 =	vld.idx.msk [tilespmem:v35+s15+$0x0], $0xffff;
	[tilespmem:s22+$0xFFFFF890] =	vst v33  }
0x1d9: {  	v60 =	vor.u32 v0, v17;
	[tilespmem:s22+$0xFFFFF910] =	vst v34;
	v63 =	vld.idx.msk [tilespmem:v41+s15+$0x0], $0xffff  }
0x1da: {  	v26 =	vor.u32 v0, v8;
	[tilespmem:s22+$0xFFFFF810] =	vst v31;
	v48 =	vld.idx.msk [tilespmem:v42+s15+$0x0], $0xffff  }
0x1db: {  	v36 =	vor.u32 v0, v14;
	[tilespmem:s22+$0xFFFFF990] =	vst v25;
	v59 =	vld.idx.msk [tilespmem:v55+s15+$0x0], $0xffff  }
0x1dc: {  	v47 =	vor.u32 v1, v19;
	v12 =	vbroadcast v12, $0x0;
	[tilespmem:s22+$0xFFFFFA10] =	vst v15;
	v49 =	vld.idx.msk [tilespmem:v43+s15+$0x0], $0xffff  }
0x1dd: {  	v9 =	vbroadcast v9, $0x0;
	v37 =	vor.u32 v0, v13;
	v50 =	vld.idx.msk [tilespmem:v44+s15+$0x0], $0xffff  }
0x1de: {  	v10 =	vbroadcast v10, $0x0;
	v61 =	vor.u32 v0, v12;
	v32 =	vld.idx.msk [tilespmem:v60+s15+$0x0], $0xffff  }
0x1df: {  	v38 =	vor.u32 v0, v9;
	[tilespmem:s22+$0xFFFFFA90] =	vst v27;
	v26 =	vld.idx.msk [tilespmem:v26+s15+$0x0], $0xffff  }
0x1e0: {  	v39 =	vor.u32 v0, v10;
	[tilespmem:s22+$0xFFFFFB10] =	vst v28;
	v36 =	vld.idx.msk [tilespmem:v36+s15+$0x0], $0xffff  }
0x1e1: {  	v15 =	vor.u32 v1, v18;
	[tilespmem:s22+$0xFFFFFB90] =	vst v29;
	v34 =	vld.idx.msk [tilespmem:v47+s15+$0x0], $0xffff  }
0x1e2: {  	v27 =	vor.u32 v1, v16;
	[tilespmem:s22+$0xFFFFFC10] =	vst v30;
	v37 =	vld.idx.msk [tilespmem:v37+s15+$0x0], $0xffff  }
0x1e3: {  	v28 =	vor.u32 v1, v17;
	v35 =	vld.idx.msk [tilespmem:v61+s15+$0x0], $0xffff;
	[tilespmem:s22+$0xFFFFF8A0] =	vst v63  }
0x1e4: {  	v40 =	vor.u32 v1, v8;
	v38 =	vld.idx.msk [tilespmem:v38+s15+$0x0], $0xffff;
	[tilespmem:s22+$0xFFFFF920] =	vst v48  }
0x1e5: {  	v51 =	vor.u32 v1, v14;
	v39 =	vld.idx.msk [tilespmem:v39+s15+$0x0], $0xffff;
	[tilespmem:s22+$0xFFFFF820] =	vst v59  }
0x1e6: {  	v60 =	vor.u32 v2, v24;
	v15 =	vld.idx.msk [tilespmem:v15+s15+$0x0], $0xffff;
	[tilespmem:s22+$0xFFFFF9A0] =	vst v49  }
0x1e7: {  	v29 =	vor.u32 v1, v13;
	v27 =	vld.idx.msk [tilespmem:v27+s15+$0x0], $0xffff;
	[tilespmem:s22+$0xFFFFFC90] =	vst v32  }
0x1e8: {  	v56 =	vor.u32 v2, v21;
	[tilespmem:s22+$0xFFFFFF90] =	vst v26;
	v28 =	vld.idx.msk [tilespmem:v28+s15+$0x0], $0xffff  }
0x1e9: {  	v57 =	vor.u32 v2, v23;
	[tilespmem:s22+$0xFFFFFD10] =	vst v36;
	v62 =	vld.idx.msk [tilespmem:v40+s15+$0x0], $0xffff  }
0x1ea: {  	v30 =	vor.u32 v1, v12;
	[tilespmem:s22+$0xFFFFFA20] =	vst v50;
	v36 =	vld.idx.msk [tilespmem:v51+s15+$0x0], $0xffff  }
0x1eb: {  	v53 =	vor.u32 v1, v9;
	[tilespmem:s22+$0xFFFFFD90] =	vst v37;
	v40 =	vld.idx.msk [tilespmem:v60+s15+$0x0], $0xffff  }
0x1ec: {  	v54 =	vor.u32 v1, v10;
	v29 =	vld.idx.msk [tilespmem:v29+s15+$0x0], $0xffff;
	[tilespmem:s22+$0xFFFFFE10] =	vst v35  }
0x1ed: {  	v63 =	vor.u32 v2, v18;
	[tilespmem:s22+$0xFFFFFE90] =	vst v38;
	v35 =	vld.idx.msk [tilespmem:v56+s15+$0x0], $0xffff  }
0x1ee: {  	v26 =	vor.u32 v1, v20;
	[tilespmem:s22+$0xFFFFFF10] =	vst v39;
	v38 =	vld.idx.msk [tilespmem:v57+s15+$0x0], $0xffff  }
0x1ef: {  	v25 =	vor.u32 v2, v8;
	[tilespmem:s22+$0xFFFFFBA0] =	vst v15;
	v30 =	vld.idx.msk [tilespmem:v30+s15+$0x0], $0xffff  }
0x1f0: {  	v15 =	vor.u32 v2, v14;
	v33 =	vld.idx.msk [tilespmem:v53+s15+$0x0], $0xffff;
	[tilespmem:s22+$0xFFFFFC20] =	vst v27  }
0x1f1: {  	v31 =	vld.idx.msk [tilespmem:v54+s15+$0x0], $0xffff;
	v27 =	vor.u32 v2, v13;
	[tilespmem:s22+$0xFFFFFCA0] =	vst v28  }
0x1f2: {  	v49 =	vld.idx.msk [tilespmem:v63+s15+$0x0], $0xffff;
	v54 =	vor.u32 v3, v24;
	[tilespmem:s22+$0xFFFFFFA0] =	vst v62  }
0x1f3: {  	v50 =	vor.u32 v2, v9;
	v26 =	vld.idx.msk [tilespmem:v26+s15+$0x0], $0xffff;
	[tilespmem:s22+$0xFFFFFD20] =	vst v36  }
0x1f4: {  	v51 =	vor.u32 v2, v10;
	[tilespmem:s22+$0xFFFFFA30] =	vst v40;
	v25 =	vld.idx.msk [tilespmem:v25+s15+$0x0], $0xffff  }
0x1f5: {  	v57 =	vor.u32 v3, v18;
	v15 =	vld.idx.msk [tilespmem:v15+s15+$0x0], $0xffff;
	[tilespmem:s22+$0xFFFFFDA0] =	vst v29  }
0x1f6: {  	v28 =	vor.u32 v2, v12;
	[tilespmem:s22+$0xFFFFF9B0] =	vst v38;
	v27 =	vld.idx.msk [tilespmem:v27+s15+$0x0], $0xffff  }
0x1f7: {  	v52 =	vor.u32 v3, v8;
	v61 =	vor.u32 v2, v20;
	[tilespmem:s22+$0xFFFFFEA0] =	vst v33;
	v39 =	vld.idx.msk [tilespmem:v54+s15+$0x0], $0xffff  }
0x1f8: {  	v58 =	vor.u32 v4, v8;
	v62 =	vor.u32 v2, v19;
	[tilespmem:s22+$0xFFFFFF20] =	vst v31;
	v44 =	vld.idx.msk [tilespmem:v50+s15+$0x0], $0xffff  }
0x1f9: {  	s24 =	simm.s32 $0x10;
	v48 =	vor.u32 v5, v8;
	v56 =	vor.u32 v7, v8;
	[tilespmem:s22+$0xFFFFFBB0] =	vst v49;
	v36 =	vld.idx.msk [tilespmem:v51+s15+$0x0], $0xffff  }
0x1fa: {  	v29 =	vor.u32 v6, v8;
	v8 =	vmov s24;
	[tilespmem:s22+$0xFFFFFE20] =	vst v30;
	v30 =	vor.u32 v3, v21;
	v38 =	vld.idx.msk [tilespmem:v57+s15+$0x0], $0xffff  }
0x1fb: {  	v31 =	vor.u32 v3, v23;
	v8 =	vand.u32 $0x70, v8;
	[tilespmem:s22+$0xFFFFFAA0] =	vst v26;
	v28 =	vld.idx.msk [tilespmem:v28+s15+$0x0], $0xffff  }
0x1fc: {  	[tilespmem:s22+$0xFFFFFB20] =	vst v34;
	v8 =	vbroadcast v8, $0x0;
	v26 =	vor.u32 v2, v17;
	v41 =	vld.idx.msk [tilespmem:v61+s15+$0x0], $0xffff  }
0x1fd: {  	v60 =	vor.u32 v3, v14;
	v42 =	vld.idx.msk [tilespmem:v62+s15+$0x0], $0xffff;
	[tilespmem:s22+$0xFFFFFFB0] =	vst v25  }
0x1fe: {  	[tilespmem:s22+$0xFFFFF8B0] =	vst v35;
	v62 =	vor.u32 v0, v8;
	v32 =	vld.idx.msk [tilespmem:v52+s15+$0x0], $0xffff  }
0x1ff: {  	v63 =	vor.u32 v3, v9;
	[tilespmem:s22+$0xFFFFFD30] =	vst v15;
	v30 =	vld.idx.msk [tilespmem:v30+s15+$0x0], $0xffff  }
0x200: {  	v25 =	vor.u32 v2, v22;
	v31 =	vld.idx.msk [tilespmem:v31+s15+$0x0], $0xffff;
	[tilespmem:s22+$0xFFFFFDB0] =	vst v27  }
0x201: {  	v47 =	vor.u32 v2, v16;
	[tilespmem:s22+$0xFFFFFEB0] =	vst v44;
	v26 =	vld.idx.msk [tilespmem:v26+s15+$0x0], $0xffff  }
0x202: {  	v27 =	vor.u32 v3, v10;
	[tilespmem:s22+$0xFFFFFB30] =	vst v42;
	v42 =	vld.idx.msk [tilespmem:v60+s15+$0x0], $0xffff  }
0x203: {  	[tilespmem:s22+$0xFFFFFE30] =	vst v28;
	v15 =	vld.idx.msk [tilespmem:v62+s15+$0x0], $0xffff  }
0x204: {  	v28 =	vor.u32 v4, v21;
	[tilespmem:s22+$0xFFFFFAB0] =	vst v41;
	v41 =	vld.idx.msk [tilespmem:v63+s15+$0x0], $0xffff  }
0x205: {  	v59 =	vor.u32 v3, v17;
	[tilespmem:s22+$0xFFFFFF30] =	vst v36;
	v25 =	vld.idx.msk [tilespmem:v25+s15+$0x0], $0xffff  }
0x206: {  	v53 =	vor.u32 v3, v22;
	[tilespmem:s22+$0xFFFFFFC0] =	vst v32;
	v32 =	vld.idx.msk [tilespmem:v47+s15+$0x0], $0xffff  }
0x207: {  	v61 =	vor.u32 v3, v12;
	v27 =	vld.idx.msk [tilespmem:v27+s15+$0x0], $0xffff;
	[tilespmem:s22+$0xFFFFF8C0] =	vst v30  }
0x208: {  	v47 =	vor.u32 v4, v23;
	[tilespmem:s22+$0xFFFFF9C0] =	vst v31;
	v37 =	vld.idx.msk [tilespmem:v58+s15+$0x0], $0xffff  }
0x209: {  	v31 =	vor.u32 v4, v18;
	[tilespmem:s22+$0xFFFFFCB0] =	vst v26;
	v28 =	vld.idx.msk [tilespmem:v28+s15+$0x0], $0xffff  }
0x20a: {  	v58 =	vor.u32 v3, v16;
	v26 =	vld.idx.msk [tilespmem:v59+s15+$0x0], $0xffff;
	[tilespmem:s22+$0xFFFFF930] =	vst v25  }
0x20b: {  	v52 =	vor.u32 v2, v11;
	v33 =	vld.idx.msk [tilespmem:v53+s15+$0x0], $0xffff  }
0x20c: {  	v54 =	vor.u32 v4, v10;
	[tilespmem:s22+$0xFFFFFC30] =	vst v32;
	v32 =	vld.idx.msk [tilespmem:v61+s15+$0x0], $0xffff  }
0x20d: {  	[tilespmem:s22+$0xFFFFFBC0] =	vst v38;
	v43 =	vld.idx.msk [tilespmem:v47+s15+$0x0], $0xffff  }
0x20e: {  	[tilespmem:s22+$0xFFFFFEC0] =	vst v41;
	v25 =	vor.u32 v3, v19;
	v31 =	vld.idx.msk [tilespmem:v31+s15+$0x0], $0xffff  }
0x20f: {  	v53 =	vor.u32 v4, v12;
	[tilespmem:s22+$0xFFFFFF40] =	vst v27;
	v40 =	vld.idx.msk [tilespmem:v58+s15+$0x0], $0xffff  }
0x210: {  	v57 =	vor.u32 v5, v23;
	[tilespmem:s22+$0xFFFFFFD0] =	vst v37;
	v37 =	vld.idx.msk [tilespmem:v52+s15+$0x0], $0xffff  }
0x211: {  	v61 =	vor.u32 v5, v18;
	v58 =	vld.idx.msk [tilespmem:v54+s15+$0x0], $0xffff;
	[tilespmem:s22+$0xFFFFFCC0] =	vst v26  }
0x212: {  	v55 =	vor.u32 v3, v20;
	v34 =	vld.idx.msk [tilespmem:v48+s15+$0x0], $0xffff;
	[tilespmem:s22+$0xFFFFFE40] =	vst v32  }
0x213: {  	v45 =	vor.u32 v3, v11;
	v25 =	vld.idx.msk [tilespmem:v25+s15+$0x0], $0xffff;
	[tilespmem:s22+$0xFFFFF9D0] =	vst v43  }
0x214: {  	v48 =	vor.u32 v4, v24;
	[tilespmem:s22+$0xFFFFFC40] =	vst v40;
	v40 =	vld.idx.msk [tilespmem:v53+s15+$0x0], $0xffff  }
0x215: {  	v50 =	vor.u32 v4, v16;
	[tilespmem:s22+$0xFFFFFBD0] =	vst v31;
	v41 =	vld.idx.msk [tilespmem:v57+s15+$0x0], $0xffff  }
0x216: {  	[tilespmem:s22+$0xFFFFF830] =	vst v37;
	v43 =	vld.idx.msk [tilespmem:v61+s15+$0x0], $0xffff  }
0x217: {  	v26 =	vor.u32 v4, v9;
	[tilespmem:s22+$0xFFFFFFE0] =	vst v34;
	v34 =	vld.idx.msk [tilespmem:v55+s15+$0x0], $0xffff  }
0x218: {  	v49 =	vor.u32 v4, v19;
	[tilespmem:s22+$0xFFFFFA40] =	vst v39;
	v37 =	vld.idx.msk [tilespmem:v45+s15+$0x0], $0xffff  }
0x219: {  	v51 =	vor.u32 v4, v17;
	v36 =	vld.idx.msk [tilespmem:v48+s15+$0x0], $0xffff  }
0x21a: {  	[tilespmem:s22+$0xFFFFFD40] =	vst v42;
	v39 =	vld.idx.msk [tilespmem:v50+s15+$0x0], $0xffff;
	v48 =	vor.u32 v5, v12  }
0x21b: {  	v30 =	vor.u32 v4, v20;
	[tilespmem:s22+$0xFFFFF940] =	vst v33;
	v29 =	vld.idx.msk [tilespmem:v29+s15+$0x0], $0xffff  }
0x21c: {  	v55 =	vor.u32 v4, v11;
	v26 =	vld.idx.msk [tilespmem:v26+s15+$0x0], $0xffff;
	[tilespmem:s22+$0xFFFFFB40] =	vst v25  }
0x21d: {  	v27 =	vor.u32 v5, v24;
	v33 =	vld.idx.msk [tilespmem:v49+s15+$0x0], $0xffff;
	[tilespmem:s22+$0xFFFFFE50] =	vst v40  }
0x21e: {  	v62 =	vor.u32 v5, v16;
	[tilespmem:s22+$0xFFFFFAC0] =	vst v34;
	v34 =	vld.idx.msk [tilespmem:v51+s15+$0x0], $0xffff  }
0x21f: {  	[tilespmem:s22+$0xFFFFFC50] =	vst v39;
	v39 =	vld.idx.msk [tilespmem:v48+s15+$0x0], $0xffff  }
0x220: {  	v25 =	vor.u32 v4, v14;
	[tilespmem:s22+$0xFFFFF840] =	vst v37;
	v30 =	vld.idx.msk [tilespmem:v30+s15+$0x0], $0xffff  }
0x221: {  	v49 =	vor.u32 v5, v9;
	[tilespmem:s22+$0xFFFFFA50] =	vst v36;
	v59 =	vld.idx.msk [tilespmem:v55+s15+$0x0], $0xffff  }
0x222: {  	[tilespmem:s22+$0xFFFFFFF0] =	vst v29;
	v29 =	vor.u32 v3, v13;
	v27 =	vld.idx.msk [tilespmem:v27+s15+$0x0], $0xffff  }
0x223: {  	v36 =	vld.idx.msk [tilespmem:v62+s15+$0x0], $0xffff;
	[tilespmem:s22+$0xFFFFFED0] =	vst v26;
	v26 =	vor.u32 v6, v23  }
0x224: {  	[tilespmem:s22+$0xFFFFF8D0] =	vst v28;
	v55 =	vor.u32 v6, v18;
	v35 =	vld.idx.msk [tilespmem:v56+s15+$0x0], $0xffff  }
0x225: {  	v57 =	vor.u32 v6, v12;
	[tilespmem:s22+$0xFFFFF9E0] =	vst v41;
	v25 =	vld.idx.msk [tilespmem:v25+s15+$0x0], $0xffff  }
0x226: {  	v46 =	vor.u32 v4, v22;
	[tilespmem:s22+$0xFFFFFCD0] =	vst v34;
	v34 =	vld.idx.msk [tilespmem:v49+s15+$0x0], $0xffff  }
0x227: {  	v28 =	vor.u32 v5, v20;
	[tilespmem:s22+$0xFFFFFBE0] =	vst v43;
	v29 =	vld.idx.msk [tilespmem:v29+s15+$0x0], $0xffff  }
0x228: {  	v50 =	vor.u32 v5, v11;
	[tilespmem:s22+$0xFFFFFE60] =	vst v39;
	v26 =	vld.idx.msk [tilespmem:v26+s15+$0x0], $0xffff  }
0x229: {  	v53 =	vor.u32 v6, v24;
	[tilespmem:s22+$0xFFFFFAD0] =	vst v30;
	v41 =	vld.idx.msk [tilespmem:v55+s15+$0x0], $0xffff  }
0x22a: {  	v63 =	vor.u32 v5, v14;
	[tilespmem:s22+$0xFFFFF850] =	vst v59;
	v48 =	vld.idx.msk [tilespmem:v57+s15+$0x0], $0xffff  }
0x22b: {  	v30 =	vor.u32 v5, v17;
	[tilespmem:s22+$0x0] =	vst v35;
	v35 =	vld.idx.msk [tilespmem:v46+s15+$0x0], $0xffff  }
0x22c: {  	[tilespmem:s22+$0xFFFFFA60] =	vst v27;
	v27 =	vor.u32 v6, v16;
	v28 =	vld.idx.msk [tilespmem:v28+s15+$0x0], $0xffff  }
0x22d: {  	v52 =	vor.u32 v4, v13;
	[tilespmem:s22+$0xFFFFFF50] =	vst v58;
	v42 =	vld.idx.msk [tilespmem:v50+s15+$0x0], $0xffff  }
0x22e: {  	v60 =	vor.u32 v5, v19;
	[tilespmem:s22+$0xFFFFFD50] =	vst v25;
	v37 =	vld.idx.msk [tilespmem:v53+s15+$0x0], $0xffff  }
0x22f: {  	[tilespmem:s22+$0xFFFFFB50] =	vst v33;
	v25 =	vor.u32 v5, v10;
	v33 =	vld.idx.msk [tilespmem:v63+s15+$0x0], $0xffff  }
0x230: {  	v18 =	vor.u32 v7, v18;
	[tilespmem:s22+$0xFFFFFC60] =	vst v36;
	v30 =	vld.idx.msk [tilespmem:v30+s15+$0x0], $0xffff  }
0x231: {  	v12 =	vor.u32 v7, v12;
	[tilespmem:s22+$0xFFFFFDC0] =	vst v29;
	v58 =	vld.idx.msk [tilespmem:v27+s15+$0x0], $0xffff  }
0x232: {  	v56 =	vor.u32 v5, v22;
	[tilespmem:s22+$0xFFFFFEE0] =	vst v34;
	v38 =	vld.idx.msk [tilespmem:v52+s15+$0x0], $0xffff  }
0x233: {  	v29 =	vor.u32 v5, v21;
	[tilespmem:s22+$0xFFFFF950] =	vst v35;
	v35 =	vld.idx.msk [tilespmem:v60+s15+$0x0], $0xffff  }
0x234: {  	v24 =	vor.u32 v7, v24;
	[tilespmem:s22+$0xFFFFFBF0] =	vst v41;
	v25 =	vld.idx.msk [tilespmem:v25+s15+$0x0], $0xffff  }
0x235: {  	v27 =	vor.u32 v6, v9;
	[tilespmem:s22+$0xFFFFFE70] =	vst v48;
	v36 =	vld.idx.msk [tilespmem:v18+s15+$0x0], $0xffff  }
0x236: {  	[tilespmem:s22+$0xFFFFFAE0] =	vst v28;
	v28 =	vor.u32 v6, v17;
	v41 =	vld.idx.msk [tilespmem:v12+s15+$0x0], $0xffff  }
0x237: {  	v16 =	vor.u32 v7, v16;
	[tilespmem:s22+$0xFFFFFA70] =	vst v37;
	v32 =	vld.idx.msk [tilespmem:v56+s15+$0x0], $0xffff  }
0x238: {  	v31 =	vor.u32 v5, v13;
	[tilespmem:s22+$0xFFFFFD60] =	vst v33;
	v29 =	vld.idx.msk [tilespmem:v29+s15+$0x0], $0xffff  }
0x239: {  	v54 =	vor.u32 v6, v19;
	v33 =	vld.idx.msk [tilespmem:v24+s15+$0x0], $0xffff;
	[tilespmem:s22+$0xFFFFFCE0] =	vst v30  }
0x23a: {  	v23 =	vor.u32 v7, v23;
	v49 =	vld.idx.msk [tilespmem:v27+s15+$0x0], $0xffff;
	[tilespmem:s22+$0xFFFFFC70] =	vst v58  }
0x23b: {  	v52 =	vor.u32 v6, v22;
	[tilespmem:s22+$0xFFFFFDD0] =	vst v38;
	v59 =	vld.idx.msk [tilespmem:v28+s15+$0x0], $0xffff  }
0x23c: {  	v51 =	vor.u32 v6, v21;
	[tilespmem:s22+$0xFFFFFB60] =	vst v35;
	v37 =	vld.idx.msk [tilespmem:v16+s15+$0x0], $0xffff  }
0x23d: {  	v31 =	vld.idx.msk [tilespmem:v31+s15+$0x0], $0xffff;
	[tilespmem:s22+$0xFFFFF8E0] =	vst v29;
	v29 =	vor.u32 v6, v20  }
0x23e: {  	[tilespmem:s22+$0xFFFFF9F0] =	vst v26;
	v56 =	vor.u32 v6, v13;
	v35 =	vld.idx.msk [tilespmem:v54+s15+$0x0], $0xffff  }
0x23f: {  	v28 =	vor.u32 v6, v10;
	[tilespmem:s22+$0xFFFFF960] =	vst v32;
	v32 =	vld.idx.msk [tilespmem:v23+s15+$0x0], $0xffff  }
0x240: {  	v30 =	vor.u32 v6, v11;
	v40 =	vld.idx.msk [tilespmem:v52+s15+$0x0], $0xffff  }
0x241: {  	s26 =	simm.s32 $0x12;
	s29 =	simm.s32 $0x14;
	v19 =	vor.u32 v7, v19;
	v38 =	vld.idx.msk [tilespmem:v51+s15+$0x0], $0xffff  }
0x242: {  	s31 =	simm.s32 $0x16;
	s24 =	simm.s32 $0x18;
	v61 =	vmov s26;
	v62 =	vmov s29;
	[tilespmem:s22+$0xFFFFFDE0] =	vst v31;
	v44 =	vld.idx.msk [tilespmem:v29+s15+$0x0], $0xffff;
	v29 =	vor.u32 v6, v14  }
0x243: {  	s29 =	simm.s32 $0x1C;
	v53 =	vmov s24;
	v63 =	vmov s31;
	v21 =	vor.u32 v7, v21;
	[tilespmem:s22+$0xFFFFFF60] =	vst v25;
	v47 =	vld.idx.msk [tilespmem:v56+s15+$0x0], $0xffff  }
0x244: {  	s25 =	simm.s32 $0x11;
	v26 =	vmov s29;
	v22 =	vor.u32 v7, v22;
	[tilespmem:s22+$0xFFFFF860] =	vst v42;
	v13 =	vor.u32 v7, v13;
	v50 =	vld.idx.msk [tilespmem:v28+s15+$0x0], $0xffff  }
0x245: {  	s31 =	simm.s32 $0x1E;
	v60 =	vmov s25;
	v17 =	vor.u32 v7, v17;
	v20 =	vor.u32 v7, v20;
	v51 =	vld.idx.msk [tilespmem:v30+s15+$0x0], $0xffff;
	[tilespmem:s22+$0xFFFFFB70] =	vst v35  }
0x246: {  	s23 =	simm.s32 $0x17;
	s25 =	simm.s32 $0x19;
	v18 =	vand.u32 $0x71, v60;
	v24 =	vor.u32 v7, v10;
	v25 =	vmov s31;
	[tilespmem:s22+$0xFFFFF970] =	vst v40;
	v35 =	vld.idx.msk [tilespmem:v19+s15+$0x0], $0xffff  }
0x247: {  	s26 =	simm.s32 $0x1A;
	v16 =	vor.u32 v7, v11;
	v23 =	vmov s25;
	v52 =	vmov s23;
	[tilespmem:s22+$0xFFFFF8F0] =	vst v38;
	v46 =	vld.idx.msk [tilespmem:v29+s15+$0x0], $0xffff  }
0x248: {  	s28 =	simm.s32 $0x13;
	v30 =	vmov s26;
	v19 =	vand.u32 $0x72, v61;
	v14 =	vor.u32 v7, v14;
	v27 =	vld.idx.msk [tilespmem:v21+s15+$0x0], $0xffff;
	[tilespmem:s22+$0xFFFFFDF0] =	vst v47  }
0x249: {  	v10 =	vbroadcast v19, $0x0;
	v19 =	vand.u32 $0x74, v62;
	v21 =	vmov s28;
	s28 =	simm.s32 $0x1B;
	v40 =	vld.idx.msk [tilespmem:v13+s15+$0x0], $0xffff;
	[tilespmem:s22+$0xFFFFFAF0] =	vst v44  }
0x24a: {  	s30 =	simm.s32 $0x15;
	v31 =	vmov s28;
	v34 =	vld.idx.msk [tilespmem:v20+s15+$0x0], $0xffff;
	v20 =	vor.u32 v7, v9;
	v9 =	vbroadcast v18, $0x0  }
0x24b: {  	[tilespmem:s22+$0xFFFFFCF0] =	vst v59;
	v13 =	vand.u32 $0x76, v63;
	v29 =	vld.idx.msk [tilespmem:v22+s15+$0x0], $0xffff;
	v22 =	vmov s30;
	v18 =	vand.u32 $0x73, v21  }
0x24c: {  	v38 =	vld.idx.msk [tilespmem:v17+s15+$0x0], $0xffff;
	v13 =	vbroadcast v13, $0x0;
	v11 =	vbroadcast v18, $0x0;
	v17 =	vor.u32 v0, v9;
	[tilespmem:s22+$0xFFFFFD70] =	vst v46  }
0x24d: {  	[tilespmem:s22+$0xFFFFFF70] =	vst v50;
	s30 =	simm.s32 $0x1D;
	v21 =	vand.u32 $0x75, v22;
	v18 =	vor.u32 v0, v10;
	v39 =	vld.idx.msk [tilespmem:v14+s15+$0x0], $0xffff;
	v14 =	vbroadcast v19, $0x0  }
0x24e: {  	[tilespmem:s22+$0xFFFFFEF0] =	vst v49;
	v43 =	vld.idx.msk [tilespmem:v24+s15+$0x0], $0xffff;
	v28 =	vmov s30;
	v12 =	vbroadcast v21, $0x0;
	v19 =	vor.u32 v0, v11  }
0x24f: {  	s24 =	simm.s32 $0x1F;
	s23 =	simm.s32 $0x20;
	[tilespmem:s22+$0xFFFFF870] =	vst v51;
	v22 =	vand.u32 $0x78, v53;
	v21 =	vand.u32 $0x77, v52;
	v42 =	vld.idx.msk [tilespmem:v20+s15+$0x0], $0xffff;
	v20 =	vor.u32 v0, v14  }
.LBB2_9:
0x250: {  	p0 =	slt.u32 s23, $0x30;
	v44 =	vor.u32 v0, v12;
	v21 =	vbroadcast v21, $0x0;
	v24 =	vmov s24;
	v45 =	vld.idx.msk [tilespmem:v16+s15+$0x0], $0xffff;
	[tilespmem:s22+$0xFFFFF900] =	vst v27  }
0x251: {  	v16 =	vbroadcast v22, $0x0;
	v27 =	vld.idx.msk [tilespmem:v17+s15+$0x0], $0xffff;
	v46 =	vor.u32 v0, v13;
	v17 =	vand.u32 $0x7F, v24;
	[tilespmem:s22+$0xFFFFF980] =	vst v29  }
0x252: {  	v29 =	vld.idx.msk [tilespmem:v18+s15+$0x0], $0xffff;
	v47 =	vor.u32 v0, v21;
	v18 =	vand.u32 $0x79, v23;
	v24 =	vbroadcast v17, $0x0;
	[tilespmem:s22+$0xFFFFFA00] =	vst v32  }
0x253: {  	v48 =	vor.u32 v0, v16;
	v17 =	vand.u32 $0x7A, v30;
	v32 =	vld.idx.msk [tilespmem:v19+s15+$0x0], $0xffff;
	v23 =	vbroadcast v18, $0x0;
	[tilespmem:s22+$0xFFFFFA80] =	vst v33  }
0x254: {  	v22 =	vbroadcast v17, $0x0;
	v17 =	vand.u32 $0x7B, v31;
	v30 =	vld.idx.msk [tilespmem:v20+s15+$0x0], $0xffff;
	v31 =	vor.u32 v0, v24;
	[tilespmem:s22+$0xFFFFFB00] =	vst v34  }
0x255: {  	v18 =	vand.u32 $0x7C, v26;
	v17 =	vbroadcast v17, $0x0;
	v33 =	vld.idx.msk [tilespmem:v44+s15+$0x0], $0xffff;
	v34 =	vor.u32 v0, v23;
	[tilespmem:s22+$0xFFFFFB80] =	vst v35  }
0x256: {  	v19 =	vand.u32 $0x7D, v28;
	v18 =	vbroadcast v18, $0x0;
	v35 =	vor.u32 v0, v22;
	v26 =	vld.idx.msk [tilespmem:v46+s15+$0x0], $0xffff;
	[tilespmem:s22+$0xFFFFFC00] =	vst v36  }
0x257: {  	v19 =	vbroadcast v19, $0x0;
	v20 =	vand.u32 $0x7E, v25;
	v36 =	vor.u32 v0, v17;
	v28 =	vld.idx.msk [tilespmem:v47+s15+$0x0], $0xffff;
	[tilespmem:s22+$0xFFFFFC80] =	vst v37  }
0x258: {  	v20 =	vbroadcast v20, $0x0;
	v37 =	vor.u32 v0, v18;
	v25 =	vld.idx.msk [tilespmem:v48+s15+$0x0], $0xffff;
	[tilespmem:s22+$0xFFFFFD00] =	vst v38  }
0x259: {  	v38 =	vor.u32 v0, v19;
	v31 =	vld.idx.msk [tilespmem:v31+s15+$0x0], $0xffff;
	[tilespmem:s22+$0xFFFFFD80] =	vst v39  }
0x25a: {  	v39 =	vor.u32 v0, v20;
	v34 =	vld.idx.msk [tilespmem:v34+s15+$0x0], $0xffff;
	[tilespmem:s22+$0xFFFFFE00] =	vst v40  }
0x25b: {  	v40 =	vor.u32 v1, v24;
	v35 =	vld.idx.msk [tilespmem:v35+s15+$0x0], $0xffff;
	[tilespmem:s22+$0xFFFFFE80] =	vst v41  }
0x25c: {  	v41 =	vor.u32 v1, v9;
	v36 =	vld.idx.msk [tilespmem:v36+s15+$0x0], $0xffff;
	[tilespmem:s22+$0xFFFFFF00] =	vst v42  }
0x25d: {  	v42 =	vor.u32 v1, v10;
	v37 =	vld.idx.msk [tilespmem:v37+s15+$0x0], $0xffff;
	[tilespmem:s22+$0xFFFFFF80] =	vst v43  }
0x25e: {  	v43 =	vor.u32 v1, v11;
	v38 =	vld.idx.msk [tilespmem:v38+s15+$0x0], $0xffff;
	[tilespmem:s22+$0xFFFFF880] =	vst v45;
	s22 =	sadd.s32 $0x800, s22  }
0x25f: {  	v44 =	vor.u32 v1, v14;
	v39 =	vld.idx.msk [tilespmem:v39+s15+$0x0], $0xffff;
	[tilespmem:s22+$0xFFFFFF90] =	vst v31  }
0x260: {  	[tilespmem:s22+$0xFFFFF890] =	vst v27;
	v27 =	vor.u32 v1, v12;
	v31 =	vld.idx.msk [tilespmem:v40+s15+$0x0], $0xffff  }
0x261: {  	v40 =	vld.idx.msk [tilespmem:v41+s15+$0x0], $0xffff;
	[tilespmem:s22+$0xFFFFF910] =	vst v29;
	v29 =	vor.u32 v1, v13  }
0x262: {  	v41 =	vld.idx.msk [tilespmem:v42+s15+$0x0], $0xffff;
	[tilespmem:s22+$0xFFFFF990] =	vst v32;
	v32 =	vor.u32 v2, v24  }
0x263: {  	v42 =	vld.idx.msk [tilespmem:v43+s15+$0x0], $0xffff;
	[tilespmem:s22+$0xFFFFFA10] =	vst v30;
	v30 =	vor.u32 v1, v21  }
0x264: {  	v43 =	vld.idx.msk [tilespmem:v44+s15+$0x0], $0xffff;
	[tilespmem:s22+$0xFFFFFA90] =	vst v33;
	v33 =	vor.u32 v1, v16  }
0x265: {  	v27 =	vld.idx.msk [tilespmem:v27+s15+$0x0], $0xffff;
	[tilespmem:s22+$0xFFFFFB10] =	vst v26;
	v26 =	vor.u32 v1, v23  }
0x266: {  	v44 =	vor.u32 v1, v22;
	v29 =	vld.idx.msk [tilespmem:v29+s15+$0x0], $0xffff;
	[tilespmem:s22+$0xFFFFFFA0] =	vst v31  }
0x267: {  	[tilespmem:s22+$0xFFFFFB90] =	vst v28;
	v28 =	vor.u32 v1, v17;
	v31 =	vld.idx.msk [tilespmem:v32+s15+$0x0], $0xffff  }
0x268: {  	v30 =	vld.idx.msk [tilespmem:v30+s15+$0x0], $0xffff;
	[tilespmem:s22+$0xFFFFFC10] =	vst v25;
	v25 =	vor.u32 v1, v18  }
0x269: {  	v32 =	vld.idx.msk [tilespmem:v33+s15+$0x0], $0xffff;
	[tilespmem:s22+$0xFFFFFC90] =	vst v34;
	v33 =	vor.u32 v3, v24  }
0x26a: {  	v34 =	vor.u32 v1, v19;
	v26 =	vld.idx.msk [tilespmem:v26+s15+$0x0], $0xffff;
	[tilespmem:s22+$0xFFFFFD10] =	vst v35  }
0x26b: {  	v35 =	vld.idx.msk [tilespmem:v44+s15+$0x0], $0xffff;
	[tilespmem:s22+$0xFFFFFD90] =	vst v36;
	v36 =	vor.u32 v1, v20  }
0x26c: {  	v44 =	vor.u32 v1, v8;
	v28 =	vld.idx.msk [tilespmem:v28+s15+$0x0], $0xffff;
	[tilespmem:s22+$0xFFFFFE10] =	vst v37  }
0x26d: {  	v37 =	vor.u32 v2, v9;
	v25 =	vld.idx.msk [tilespmem:v25+s15+$0x0], $0xffff;
	[tilespmem:s22+$0xFFFFFFB0] =	vst v31  }
0x26e: {  	v31 =	vor.u32 v2, v10;
	[tilespmem:s22+$0xFFFFFE90] =	vst v38;
	v33 =	vld.idx.msk [tilespmem:v33+s15+$0x0], $0xffff  }
0x26f: {  	v38 =	vor.u32 v2, v11;
	v34 =	vld.idx.msk [tilespmem:v34+s15+$0x0], $0xffff;
	[tilespmem:s22+$0xFFFFFF10] =	vst v39  }
0x270: {  	[tilespmem:s22+$0xFFFFF810] =	vst v15;
	v15 =	vld.idx.msk [tilespmem:v36+s15+$0x0], $0xffff;
	v36 =	vor.u32 v4, v24  }
0x271: {  	v39 =	vld.idx.msk [tilespmem:v44+s15+$0x0], $0xffff;
	[tilespmem:s22+$0xFFFFF8A0] =	vst v40;
	v40 =	vor.u32 v2, v14  }
0x272: {  	v37 =	vld.idx.msk [tilespmem:v37+s15+$0x0], $0xffff;
	[tilespmem:s22+$0xFFFFF920] =	vst v41;
	v41 =	vor.u32 v2, v12  }
0x273: {  	v31 =	vld.idx.msk [tilespmem:v31+s15+$0x0], $0xffff;
	[tilespmem:s22+$0xFFFFF9A0] =	vst v42;
	v42 =	vor.u32 v2, v13  }
0x274: {  	v44 =	vor.u32 v2, v21;
	v38 =	vld.idx.msk [tilespmem:v38+s15+$0x0], $0xffff;
	[tilespmem:s22+$0xFFFFFFC0] =	vst v33  }
0x275: {  	v33 =	vor.u32 v2, v16;
	[tilespmem:s22+$0xFFFFFA20] =	vst v43;
	v36 =	vld.idx.msk [tilespmem:v36+s15+$0x0], $0xffff  }
0x276: {  	v40 =	vld.idx.msk [tilespmem:v40+s15+$0x0], $0xffff;
	[tilespmem:s22+$0xFFFFFAA0] =	vst v27;
	v27 =	vor.u32 v2, v23  }
0x277: {  	v41 =	vld.idx.msk [tilespmem:v41+s15+$0x0], $0xffff;
	[tilespmem:s22+$0xFFFFFB20] =	vst v29;
	v29 =	vor.u32 v5, v24  }
0x278: {  	v42 =	vld.idx.msk [tilespmem:v42+s15+$0x0], $0xffff;
	[tilespmem:s22+$0xFFFFFBA0] =	vst v30;
	v30 =	vor.u32 v2, v22  }
0x279: {  	v43 =	vld.idx.msk [tilespmem:v44+s15+$0x0], $0xffff;
	[tilespmem:s22+$0xFFFFFC20] =	vst v32;
	v32 =	vor.u32 v2, v17  }
0x27a: {  	v33 =	vld.idx.msk [tilespmem:v33+s15+$0x0], $0xffff;
	[tilespmem:s22+$0xFFFFFCA0] =	vst v26;
	v26 =	vor.u32 v2, v18  }
0x27b: {  	v44 =	vor.u32 v2, v19;
	v27 =	vld.idx.msk [tilespmem:v27+s15+$0x0], $0xffff;
	[tilespmem:s22+$0xFFFFFFD0] =	vst v36  }
0x27c: {  	[tilespmem:s22+$0xFFFFFD20] =	vst v35;
	v35 =	vor.u32 v2, v20;
	v29 =	vld.idx.msk [tilespmem:v29+s15+$0x0], $0xffff  }
0x27d: {  	v36 =	vor.u32 v2, v8;
	v30 =	vld.idx.msk [tilespmem:v30+s15+$0x0], $0xffff;
	[tilespmem:s22+$0xFFFFFDA0] =	vst v28  }
0x27e: {  	v28 =	vld.idx.msk [tilespmem:v32+s15+$0x0], $0xffff;
	[tilespmem:s22+$0xFFFFFE20] =	vst v25;
	v25 =	vor.u32 v6, v24  }
0x27f: {  	v32 =	vor.u32 v3, v9;
	v26 =	vld.idx.msk [tilespmem:v26+s15+$0x0], $0xffff;
	[tilespmem:s22+$0xFFFFFEA0] =	vst v34  }
0x280: {  	v34 =	vor.u32 v3, v10;
	v44 =	vld.idx.msk [tilespmem:v44+s15+$0x0], $0xffff;
	[tilespmem:s22+$0xFFFFFF20] =	vst v15  }
0x281: {  	v15 =	vor.u32 v3, v11;
	[tilespmem:s22+$0xFFFFF820] =	vst v39;
	v35 =	vld.idx.msk [tilespmem:v35+s15+$0x0], $0xffff  }
0x282: {  	v39 =	vor.u32 v3, v14;
	v36 =	vld.idx.msk [tilespmem:v36+s15+$0x0], $0xffff;
	[tilespmem:s22+$0xFFFFFFE0] =	vst v29  }
0x283: {  	v29 =	vor.u32 v3, v12;
	[tilespmem:s22+$0xFFFFF8B0] =	vst v37;
	v25 =	vld.idx.msk [tilespmem:v25+s15+$0x0], $0xffff  }
0x284: {  	v32 =	vld.idx.msk [tilespmem:v32+s15+$0x0], $0xffff;
	[tilespmem:s22+$0xFFFFF930] =	vst v31;
	v31 =	vor.u32 v3, v13  }
0x285: {  	v37 =	vor.u32 v7, v24;
	v34 =	vld.idx.msk [tilespmem:v34+s15+$0x0], $0xffff;
	[tilespmem:s22+$0xFFFFF9B0] =	vst v38  }
0x286: {  	v38 =	vld.idx.msk [tilespmem:v15+s15+$0x0], $0xffff;
	[tilespmem:s22+$0xFFFFFA30] =	vst v40;
	v15 =	vor.u32 v3, v21  }
0x287: {  	v40 =	vor.u32 v3, v16;
	v39 =	vld.idx.msk [tilespmem:v39+s15+$0x0], $0xffff;
	[tilespmem:s22+$0xFFFFFAB0] =	vst v41  }
0x288: {  	v24 =	vmov s23;
	v41 =	vor.u32 v3, v23;
	v29 =	vld.idx.msk [tilespmem:v29+s15+$0x0], $0xffff;
	[tilespmem:s22+$0xFFFFFB30] =	vst v42  }
0x289: {  	v24 =	vand.u32 $0x70, v24;
	v42 =	vor.u32 v3, v22;
	v31 =	vld.idx.msk [tilespmem:v31+s15+$0x0], $0xffff;
	[tilespmem:s22+$0xFFFFFFF0] =	vst v25  }
0x28a: {  	v24 =	vbroadcast v24, $0x0;
	v25 =	vor.u32 v3, v17;
	[tilespmem:s22+$0xFFFFFBB0] =	vst v43;
	v37 =	vld.idx.msk [tilespmem:v37+s15+$0x0], $0xffff  }
0x28b: {  	v43 =	vld.idx.msk [tilespmem:v15+s15+$0x0], $0xffff;
	[tilespmem:s22+$0xFFFFFC30] =	vst v33;
	v15 =	vor.u32 v3, v18  }
0x28c: {  	v33 =	vor.u32 v0, v24;
	v40 =	vld.idx.msk [tilespmem:v40+s15+$0x0], $0xffff;
	[tilespmem:s22+$0xFFFFFCB0] =	vst v27  }
0x28d: {  	v27 =	vld.idx.msk [tilespmem:v41+s15+$0x0], $0xffff;
	[tilespmem:s22+$0xFFFFFD30] =	vst v30;
	v30 =	vor.u32 v3, v19  }
0x28e: {  	v41 =	vld.idx.msk [tilespmem:v42+s15+$0x0], $0xffff;
	[tilespmem:s22+$0xFFFFFDB0] =	vst v28;
	v28 =	vor.u32 v3, v20  }
0x28f: {  	v42 =	vor.u32 v3, v8;
	v25 =	vld.idx.msk [tilespmem:v25+s15+$0x0], $0xffff;
	[tilespmem:s22+$0xFFFFFE30] =	vst v26  }
0x290: {  	v26 =	vor.u32 v4, v9;
	v45 =	vld.idx.msk [tilespmem:v15+s15+$0x0], $0xffff;
	[tilespmem:s22+$0x0] =	vst v37  }
0x291: {  	v15 =	vld.idx.msk [tilespmem:v33+s15+$0x0], $0xffff;
	v33 =	vor.u32 v4, v10;
	[tilespmem:s22+$0xFFFFFEB0] =	vst v44  }
0x292: {  	v37 =	vor.u32 v4, v11;
	v30 =	vld.idx.msk [tilespmem:v30+s15+$0x0], $0xffff;
	[tilespmem:s22+$0xFFFFFF30] =	vst v35  }
0x293: {  	v35 =	vor.u32 v4, v14;
	[tilespmem:s22+$0xFFFFF830] =	vst v36;
	v28 =	vld.idx.msk [tilespmem:v28+s15+$0x0], $0xffff  }
0x294: {  	v36 =	vld.idx.msk [tilespmem:v42+s15+$0x0], $0xffff;
	[tilespmem:s22+$0xFFFFF8C0] =	vst v32;
	v32 =	vor.u32 v4, v12  }
0x295: {  	v26 =	vld.idx.msk [tilespmem:v26+s15+$0x0], $0xffff;
	[tilespmem:s22+$0xFFFFF940] =	vst v34;
	v34 =	vor.u32 v4, v13  }
0x296: {  	v33 =	vld.idx.msk [tilespmem:v33+s15+$0x0], $0xffff;
	[tilespmem:s22+$0xFFFFF9C0] =	vst v38;
	v38 =	vor.u32 v4, v21  }
0x297: {  	v37 =	vld.idx.msk [tilespmem:v37+s15+$0x0], $0xffff;
	[tilespmem:s22+$0xFFFFFA40] =	vst v39;
	v39 =	vor.u32 v4, v16  }
0x298: {  	v35 =	vld.idx.msk [tilespmem:v35+s15+$0x0], $0xffff;
	[tilespmem:s22+$0xFFFFFAC0] =	vst v29;
	v29 =	vor.u32 v4, v23  }
0x299: {  	v32 =	vld.idx.msk [tilespmem:v32+s15+$0x0], $0xffff;
	[tilespmem:s22+$0xFFFFFB40] =	vst v31;
	v31 =	vor.u32 v4, v22  }
0x29a: {  	v42 =	vor.u32 v4, v17;
	v34 =	vld.idx.msk [tilespmem:v34+s15+$0x0], $0xffff;
	[tilespmem:s22+$0xFFFFFBC0] =	vst v43  }
0x29b: {  	v38 =	vld.idx.msk [tilespmem:v38+s15+$0x0], $0xffff;
	[tilespmem:s22+$0xFFFFFC40] =	vst v40;
	v40 =	vor.u32 v4, v18  }
0x29c: {  	v39 =	vld.idx.msk [tilespmem:v39+s15+$0x0], $0xffff;
	[tilespmem:s22+$0xFFFFFCC0] =	vst v27;
	v27 =	vor.u32 v4, v19  }
0x29d: {  	v29 =	vld.idx.msk [tilespmem:v29+s15+$0x0], $0xffff;
	[tilespmem:s22+$0xFFFFFD40] =	vst v41;
	v41 =	vor.u32 v4, v20  }
0x29e: {  	v43 =	vor.u32 v4, v8;
	v31 =	vld.idx.msk [tilespmem:v31+s15+$0x0], $0xffff;
	[tilespmem:s22+$0xFFFFFDC0] =	vst v25  }
0x29f: {  	v25 =	vor.u32 v5, v9;
	v42 =	vld.idx.msk [tilespmem:v42+s15+$0x0], $0xffff;
	[tilespmem:s22+$0xFFFFFE40] =	vst v45  }
0x2a0: {  	v44 =	vor.u32 v5, v10;
	v40 =	vld.idx.msk [tilespmem:v40+s15+$0x0], $0xffff;
	[tilespmem:s22+$0xFFFFFEC0] =	vst v30  }
0x2a1: {  	v30 =	vor.u32 v5, v11;
	v27 =	vld.idx.msk [tilespmem:v27+s15+$0x0], $0xffff;
	[tilespmem:s22+$0xFFFFFF40] =	vst v28  }
0x2a2: {  	v28 =	vor.u32 v5, v14;
	[tilespmem:s22+$0xFFFFF840] =	vst v36;
	v36 =	vld.idx.msk [tilespmem:v41+s15+$0x0], $0xffff  }
0x2a3: {  	v41 =	vld.idx.msk [tilespmem:v43+s15+$0x0], $0xffff;
	[tilespmem:s22+$0xFFFFF8D0] =	vst v26;
	v26 =	vor.u32 v5, v12  }
0x2a4: {  	v25 =	vld.idx.msk [tilespmem:v25+s15+$0x0], $0xffff;
	[tilespmem:s22+$0xFFFFF950] =	vst v33;
	v33 =	vor.u32 v5, v13  }
0x2a5: {  	v43 =	vld.idx.msk [tilespmem:v44+s15+$0x0], $0xffff;
	[tilespmem:s22+$0xFFFFF9D0] =	vst v37;
	v37 =	vor.u32 v5, v21  }
0x2a6: {  	v30 =	vld.idx.msk [tilespmem:v30+s15+$0x0], $0xffff;
	[tilespmem:s22+$0xFFFFFA50] =	vst v35;
	v35 =	vor.u32 v5, v16  }
0x2a7: {  	v28 =	vld.idx.msk [tilespmem:v28+s15+$0x0], $0xffff;
	[tilespmem:s22+$0xFFFFFAD0] =	vst v32;
	v32 =	vor.u32 v5, v23  }
0x2a8: {  	v26 =	vld.idx.msk [tilespmem:v26+s15+$0x0], $0xffff;
	[tilespmem:s22+$0xFFFFFB50] =	vst v34;
	v34 =	vor.u32 v5, v22  }
0x2a9: {  	v33 =	vld.idx.msk [tilespmem:v33+s15+$0x0], $0xffff;
	[tilespmem:s22+$0xFFFFFBD0] =	vst v38;
	v38 =	vor.u32 v5, v17  }
0x2aa: {  	v37 =	vld.idx.msk [tilespmem:v37+s15+$0x0], $0xffff;
	[tilespmem:s22+$0xFFFFFC50] =	vst v39;
	v39 =	vor.u32 v5, v18  }
0x2ab: {  	v35 =	vld.idx.msk [tilespmem:v35+s15+$0x0], $0xffff;
	[tilespmem:s22+$0xFFFFFCD0] =	vst v29;
	v29 =	vor.u32 v5, v19  }
0x2ac: {  	v32 =	vld.idx.msk [tilespmem:v32+s15+$0x0], $0xffff;
	[tilespmem:s22+$0xFFFFFD50] =	vst v31;
	v31 =	vor.u32 v5, v20  }
0x2ad: {  	v44 =	vor.u32 v5, v8;
	v34 =	vld.idx.msk [tilespmem:v34+s15+$0x0], $0xffff;
	[tilespmem:s22+$0xFFFFFDD0] =	vst v42  }
0x2ae: {  	v42 =	vor.u32 v6, v9;
	v38 =	vld.idx.msk [tilespmem:v38+s15+$0x0], $0xffff;
	[tilespmem:s22+$0xFFFFFE50] =	vst v40  }
0x2af: {  	v40 =	vor.u32 v6, v10;
	v39 =	vld.idx.msk [tilespmem:v39+s15+$0x0], $0xffff;
	[tilespmem:s22+$0xFFFFFED0] =	vst v27  }
0x2b0: {  	v27 =	vor.u32 v6, v11;
	v29 =	vld.idx.msk [tilespmem:v29+s15+$0x0], $0xffff;
	[tilespmem:s22+$0xFFFFFF50] =	vst v36  }
0x2b1: {  	v36 =	vor.u32 v6, v14;
	[tilespmem:s22+$0xFFFFF850] =	vst v41;
	v31 =	vld.idx.msk [tilespmem:v31+s15+$0x0], $0xffff  }
0x2b2: {  	v41 =	vld.idx.msk [tilespmem:v44+s15+$0x0], $0xffff;
	[tilespmem:s22+$0xFFFFF8E0] =	vst v25;
	v25 =	vor.u32 v6, v12  }
0x2b3: {  	v42 =	vld.idx.msk [tilespmem:v42+s15+$0x0], $0xffff;
	[tilespmem:s22+$0xFFFFF960] =	vst v43;
	v43 =	vor.u32 v6, v13  }
0x2b4: {  	v40 =	vld.idx.msk [tilespmem:v40+s15+$0x0], $0xffff;
	[tilespmem:s22+$0xFFFFF9E0] =	vst v30;
	v30 =	vor.u32 v6, v21  }
0x2b5: {  	v44 =	vld.idx.msk [tilespmem:v27+s15+$0x0], $0xffff;
	[tilespmem:s22+$0xFFFFFA60] =	vst v28;
	v27 =	vor.u32 v6, v16  }
0x2b6: {  	v28 =	vld.idx.msk [tilespmem:v36+s15+$0x0], $0xffff;
	[tilespmem:s22+$0xFFFFFAE0] =	vst v26;
	v26 =	vor.u32 v6, v23  }
0x2b7: {  	v25 =	vld.idx.msk [tilespmem:v25+s15+$0x0], $0xffff;
	[tilespmem:s22+$0xFFFFFB60] =	vst v33;
	v33 =	vor.u32 v6, v22  }
0x2b8: {  	v36 =	vld.idx.msk [tilespmem:v43+s15+$0x0], $0xffff;
	[tilespmem:s22+$0xFFFFFBE0] =	vst v37;
	v37 =	vor.u32 v6, v17  }
0x2b9: {  	v43 =	vld.idx.msk [tilespmem:v30+s15+$0x0], $0xffff;
	[tilespmem:s22+$0xFFFFFC60] =	vst v35;
	v30 =	vor.u32 v6, v18  }
0x2ba: {  	v45 =	vld.idx.msk [tilespmem:v27+s15+$0x0], $0xffff;
	[tilespmem:s22+$0xFFFFFCE0] =	vst v32;
	v27 =	vor.u32 v6, v19  }
0x2bb: {  	v46 =	vld.idx.msk [tilespmem:v26+s15+$0x0], $0xffff;
	[tilespmem:s22+$0xFFFFFD60] =	vst v34;
	v26 =	vor.u32 v6, v20  }
0x2bc: {  	v32 =	vor.u32 v6, v8;
	v47 =	vld.idx.msk [tilespmem:v33+s15+$0x0], $0xffff;
	[tilespmem:s22+$0xFFFFFDE0] =	vst v38  }
0x2bd: {  	v9 =	vor.u32 v7, v9;
	v48 =	vld.idx.msk [tilespmem:v37+s15+$0x0], $0xffff;
	[tilespmem:s22+$0xFFFFFE60] =	vst v39  }
0x2be: {  	v10 =	vor.u32 v7, v10;
	v49 =	vld.idx.msk [tilespmem:v30+s15+$0x0], $0xffff;
	[tilespmem:s22+$0xFFFFFEE0] =	vst v29  }
0x2bf: {  	v11 =	vor.u32 v7, v11;
	v50 =	vld.idx.msk [tilespmem:v27+s15+$0x0], $0xffff;
	[tilespmem:s22+$0xFFFFFF60] =	vst v31  }
0x2c0: {  	v14 =	vor.u32 v7, v14;
	[tilespmem:s22+$0xFFFFF860] =	vst v41;
	v51 =	vld.idx.msk [tilespmem:v26+s15+$0x0], $0xffff  }
0x2c1: {  	s2 =	sadd.s32 $0x1, s23;
	s24 =	sadd.s32 $0x2, s23;
	v12 =	vor.u32 v7, v12;
	v52 =	vld.idx.msk [tilespmem:v32+s15+$0x0], $0xffff;
	[tilespmem:s22+$0xFFFFF8F0] =	vst v42  }
0x2c2: {  	v38 =	vmov s24;
	s24 =	sadd.s32 $0x4, s23;
	v37 =	vmov s2;
	s2 =	sadd.s32 $0x3, s23;
	v27 =	vld.idx.msk [tilespmem:v9+s15+$0x0], $0xffff;
	[tilespmem:s22+$0xFFFFF970] =	vst v40;
	v9 =	vor.u32 v7, v13  }
0x2c3: {  	v39 =	vmov s24;
	s24 =	sadd.s32 $0x6, s23;
	v13 =	vmov s2;
	s2 =	sadd.s32 $0x5, s23;
	v29 =	vld.idx.msk [tilespmem:v10+s15+$0x0], $0xffff;
	[tilespmem:s22+$0xFFFFF9F0] =	vst v44;
	v10 =	vor.u32 v7, v21  }
0x2c4: {  	v41 =	vmov s24;
	s24 =	sadd.s32 $0x8, s23;
	v21 =	vmov s2;
	s2 =	sadd.s32 $0x7, s23;
	v32 =	vld.idx.msk [tilespmem:v11+s15+$0x0], $0xffff;
	[tilespmem:s22+$0xFFFFFA70] =	vst v28;
	v11 =	vor.u32 v7, v16  }
0x2c5: {  	v44 =	vmov s24;
	s24 =	sadd.s32 $0xA, s23;
	v42 =	vmov s2;
	s2 =	sadd.s32 $0x9, s23;
	v33 =	vld.idx.msk [tilespmem:v14+s15+$0x0], $0xffff;
	[tilespmem:s22+$0xFFFFFAF0] =	vst v25;
	v14 =	vor.u32 v7, v23  }
0x2c6: {  	v30 =	vmov s24;
	s24 =	sadd.s32 $0xC, s23;
	v23 =	vmov s2;
	s2 =	sadd.s32 $0xB, s23;
	v34 =	vld.idx.msk [tilespmem:v12+s15+$0x0], $0xffff;
	[tilespmem:s22+$0xFFFFFB70] =	vst v36;
	v12 =	vor.u32 v7, v22  }
0x2c7: {  	v26 =	vmov s24;
	s24 =	sadd.s32 $0xE, s23;
	v31 =	vmov s2;
	s2 =	sadd.s32 $0xD, s23;
	v22 =	vor.u32 v7, v17;
	v35 =	vld.idx.msk [tilespmem:v9+s15+$0x0], $0xffff;
	[tilespmem:s22+$0xFFFFFBF0] =	vst v43  }
0x2c8: {  	v25 =	vmov s24;
	v28 =	vmov s2;
	v43 =	vor.u32 v7, v18;
	v36 =	vld.idx.msk [tilespmem:v10+s15+$0x0], $0xffff;
	[tilespmem:s22+$0xFFFFFC70] =	vst v45  }
0x2c9: {  	v9 =	vand.u32 $0x71, v37;
	v10 =	vand.u32 $0x72, v38;
	v45 =	vor.u32 v7, v19;
	v37 =	vld.idx.msk [tilespmem:v11+s15+$0x0], $0xffff;
	[tilespmem:s22+$0xFFFFFCF0] =	vst v46  }
0x2ca: {  	v9 =	vbroadcast v9, $0x0;
	v11 =	vand.u32 $0x73, v13;
	v46 =	vor.u32 v7, v20;
	v38 =	vld.idx.msk [tilespmem:v14+s15+$0x0], $0xffff;
	[tilespmem:s22+$0xFFFFFD70] =	vst v47  }
.Ltmp5:
0x2cb: {  	v16 =	vor.u32 v7, v8;
	v8 =	vmovc v24;
	v10 =	vbroadcast v10, $0x0;
	v13 =	vand.u32 $0x74, v39;
	v39 =	vld.idx.msk [tilespmem:v12+s15+$0x0], $0xffff;
	[tilespmem:s22+$0xFFFFFDF0] =	vst v48;
	(pc) =	sbr.rel @p0 .LBB2_9-.Ltmp5, $4  }
0x2cc: {  	v17 =	vor.u32 v0, v9;
	v11 =	vbroadcast v11, $0x0;
	v12 =	vand.u32 $0x75, v21;
	v40 =	vld.idx.msk [tilespmem:v22+s15+$0x0], $0xffff;
	[tilespmem:s22+$0xFFFFFE70] =	vst v49  }
0x2cd: {  	v14 =	vbroadcast v13, $0x0;
	v13 =	vand.u32 $0x76, v41;
	v18 =	vor.u32 v0, v10;
	v41 =	vld.idx.msk [tilespmem:v43+s15+$0x0], $0xffff;
	[tilespmem:s22+$0xFFFFFEF0] =	vst v50  }
0x2ce: {  	v21 =	vand.u32 $0x77, v42;
	v19 =	vor.u32 v0, v11;
	v12 =	vbroadcast v12, $0x0;
	v42 =	vld.idx.msk [tilespmem:v45+s15+$0x0], $0xffff;
	[tilespmem:s22+$0xFFFFFF70] =	vst v51  }
0x2cf: {  	s24 =	sadd.s32 $0xF, s23;
	s23 =	sadd.s32 $0x10, s23;
	v13 =	vbroadcast v13, $0x0;
	v20 =	vor.u32 v0, v14;
	v22 =	vand.u32 $0x78, v44;
	[tilespmem:s22+$0xFFFFF870] =	vst v52;
	v43 =	vld.idx.msk [tilespmem:v46+s15+$0x0], $0xffff  }
0x2d0: {  	[tilespmem:s22+$0xFFFFF900] =	vst v27  }
0x2d1: {  	[tilespmem:s22+$0xFFFFF980] =	vst v29  }
0x2d2: {  	[tilespmem:s22+$0xFFFFFA00] =	vst v32  }
0x2d3: {  	[tilespmem:s22+$0xFFFFFA80] =	vst v33  }
0x2d4: {  	[tilespmem:s22+$0xFFFFFB00] =	vst v34  }
0x2d5: {  	[tilespmem:s22+$0xFFFFFB80] =	vst v35  }
0x2d6: {  	[tilespmem:s22+$0xFFFFFC00] =	vst v36  }
0x2d7: {  	[tilespmem:s22+$0xFFFFFC80] =	vst v37  }
0x2d8: {  	[tilespmem:s22+$0xFFFFFD00] =	vst v38  }
0x2d9: {  	[tilespmem:s22+$0xFFFFFD80] =	vst v39  }
0x2da: {  	v47 =	vld.idx.msk [tilespmem:v16+s15+$0x0], $0xffff;
	v48 =	vor.u32 v0, v12;
	v16 =	vbroadcast v21, $0x0;
	s31 =	sadd.s32 $0x800, s22;
	[tilespmem:s22+$0xFFFFFE00] =	vst v40  }
0x2db: {  	v49 =	vld.idx.msk [tilespmem:v17+s15+$0x0], $0xffff;
	v17 =	vbroadcast v22, $0x0;
	v50 =	vor.u32 v0, v13;
	[tilespmem:s31+$0xFFFFF810] =	vst v15  }
0x2dc: {  	v24 =	vmov s24;
	v51 =	vld.idx.msk [tilespmem:v18+s15+$0x0], $0xffff;
	v52 =	vand.u32 $0x79, v23;
	[tilespmem:s22+$0xFFFFFE80] =	vst v41;
	v54 =	vor.u32 v0, v16  }
0x2dd: {  	v56 =	vand.u32 $0x7A, v30;
	v58 =	vld.idx.msk [tilespmem:v20+s15+$0x0], $0xffff;
	v18 =	vbroadcast v52, $0x0;
	v57 =	vor.u32 v0, v17;
	[tilespmem:s22+$0xFFFFFF00] =	vst v42  }
0x2de: {  	v55 =	vld.idx.msk [tilespmem:v19+s15+$0x0], $0xffff;
	v26 =	vand.u32 $0x7C, v26;
	v19 =	vbroadcast v56, $0x0;
	v52 =	vor.u32 v1, v14;
	[tilespmem:s22+$0xFFFFFF80] =	vst v43  }
0x2df: {  	v37 =	vand.u32 $0x7D, v28;
	v21 =	vbroadcast v26, $0x0;
	v61 =	vor.u32 v0, v18;
	[tilespmem:s22+$0xFFFFF880] =	vst v47;
	v60 =	vld.idx.msk [tilespmem:v48+s15+$0x0], $0xffff  }
0x2e0: {  	v24 =	vand.u32 $0x7F, v24;
	v22 =	vbroadcast v37, $0x0;
	v63 =	vor.u32 v0, v19;
	[tilespmem:s31+$0xFFFFF890] =	vst v49;
	v62 =	vld.idx.msk [tilespmem:v50+s15+$0x0], $0xffff  }
0x2e1: {  	v59 =	vand.u32 $0x7B, v31;
	v24 =	vbroadcast v24, $0x0;
	v41 =	vor.u32 v0, v21;
	[tilespmem:s31+$0xFFFFF910] =	vst v51;
	v34 =	vld.idx.msk [tilespmem:v54+s15+$0x0], $0xffff  }
0x2e2: {  	v20 =	vbroadcast v59, $0x0;
	v40 =	vand.u32 $0x7E, v25;
	v44 =	vor.u32 v0, v22;
	[tilespmem:s31+$0xFFFFFA10] =	vst v58;
	v42 =	vld.idx.msk [tilespmem:v57+s15+$0x0], $0xffff  }
0x2e3: {  	v23 =	vbroadcast v40, $0x0;
	v46 =	vor.u32 v0, v24;
	[tilespmem:s31+$0xFFFFF990] =	vst v55;
	v57 =	vld.idx.msk [tilespmem:v52+s15+$0x0], $0xffff  }
0x2e4: {  	v38 =	vor.u32 v0, v20;
	v31 =	vld.idx.msk [tilespmem:v61+s15+$0x0], $0xffff;
	[tilespmem:s31+$0xFFFFFA90] =	vst v60  }
0x2e5: {  	v45 =	vor.u32 v0, v23;
	v32 =	vld.idx.msk [tilespmem:v63+s15+$0x0], $0xffff;
	[tilespmem:s31+$0xFFFFFB10] =	vst v62  }
0x2e6: {  	v47 =	vor.u32 v1, v9;
	v25 =	vld.idx.msk [tilespmem:v41+s15+$0x0], $0xffff;
	[tilespmem:s31+$0xFFFFFB90] =	vst v34  }
0x2e7: {  	v48 =	vor.u32 v1, v10;
	v50 =	vld.idx.msk [tilespmem:v44+s15+$0x0], $0xffff;
	[tilespmem:s31+$0xFFFFFC10] =	vst v42  }
0x2e8: {  	v49 =	vor.u32 v1, v11;
	v27 =	vld.idx.msk [tilespmem:v46+s15+$0x0], $0xffff;
	[tilespmem:s31+$0xFFFFFA20] =	vst v57  }
0x2e9: {  	v54 =	vor.u32 v1, v13;
	v46 =	vld.idx.msk [tilespmem:v38+s15+$0x0], $0xffff;
	[tilespmem:s31+$0xFFFFFC90] =	vst v31  }
0x2ea: {  	v56 =	vor.u32 v1, v17;
	v29 =	vld.idx.msk [tilespmem:v45+s15+$0x0], $0xffff;
	[tilespmem:s31+$0xFFFFFD10] =	vst v32  }
0x2eb: {  	v58 =	vor.u32 v1, v18;
	v28 =	vld.idx.msk [tilespmem:v47+s15+$0x0], $0xffff;
	[tilespmem:s31+$0xFFFFFE10] =	vst v25  }
0x2ec: {  	v37 =	vor.u32 v1, v22;
	v33 =	vld.idx.msk [tilespmem:v48+s15+$0x0], $0xffff;
	[tilespmem:s31+$0xFFFFFE90] =	vst v50  }
0x2ed: {  	v53 =	vor.u32 v1, v24;
	v26 =	vld.idx.msk [tilespmem:v49+s15+$0x0], $0xffff;
	[tilespmem:s31+$0xFFFFFF90] =	vst v27  }
0x2ee: {  	v40 =	vor.u32 v1, v8;
	v25 =	vld.idx.msk [tilespmem:v54+s15+$0x0], $0xffff;
	[tilespmem:s31+$0xFFFFFD90] =	vst v46  }
0x2ef: {  	v63 =	vor.u32 v1, v21;
	v34 =	vld.idx.msk [tilespmem:v56+s15+$0x0], $0xffff;
	[tilespmem:s31+$0xFFFFFF10] =	vst v29  }
0x2f0: {  	v38 =	vor.u32 v1, v23;
	v36 =	vld.idx.msk [tilespmem:v58+s15+$0x0], $0xffff;
	[tilespmem:s31+$0xFFFFF8A0] =	vst v28  }
0x2f1: {  	v62 =	vor.u32 v1, v20;
	v32 =	vld.idx.msk [tilespmem:v37+s15+$0x0], $0xffff;
	[tilespmem:s31+$0xFFFFF920] =	vst v33  }
0x2f2: {  	v47 =	vor.u32 v2, v14;
	v39 =	vld.idx.msk [tilespmem:v53+s15+$0x0], $0xffff;
	[tilespmem:s31+$0xFFFFF9A0] =	vst v26  }
0x2f3: {  	v43 =	vor.u32 v2, v24;
	v46 =	vld.idx.msk [tilespmem:v40+s15+$0x0], $0xffff;
	[tilespmem:s31+$0xFFFFFB20] =	vst v25  }
0x2f4: {  	v53 =	vor.u32 v1, v12;
	v26 =	vld.idx.msk [tilespmem:v63+s15+$0x0], $0xffff;
	[tilespmem:s31+$0xFFFFFC20] =	vst v34  }
0x2f5: {  	v61 =	vor.u32 v1, v19;
	v29 =	vld.idx.msk [tilespmem:v38+s15+$0x0], $0xffff;
	[tilespmem:s31+$0xFFFFFCA0] =	vst v36  }
0x2f6: {  	v54 =	vor.u32 v2, v17;
	v41 =	vld.idx.msk [tilespmem:v62+s15+$0x0], $0xffff;
	[tilespmem:s31+$0xFFFFFEA0] =	vst v32  }
0x2f7: {  	v57 =	vor.u32 v2, v20;
	v28 =	vld.idx.msk [tilespmem:v47+s15+$0x0], $0xffff;
	[tilespmem:s31+$0xFFFFFFA0] =	vst v39  }
0x2f8: {  	v55 =	vor.u32 v1, v16;
	[tilespmem:s31+$0xFFFFF820] =	vst v46;
	v30 =	vld.idx.msk [tilespmem:v43+s15+$0x0], $0xffff  }
0x2f9: {  	v59 =	vld.idx.msk [tilespmem:v53+s15+$0x0], $0xffff;
	[tilespmem:s31+$0xFFFFFE20] =	vst v26;
	v43 =	vor.u32 v2, v9  }
0x2fa: {  	v48 =	vor.u32 v2, v12;
	v39 =	vld.idx.msk [tilespmem:v61+s15+$0x0], $0xffff;
	[tilespmem:s31+$0xFFFFFF20] =	vst v29  }
0x2fb: {  	v56 =	vor.u32 v2, v19;
	v29 =	vld.idx.msk [tilespmem:v54+s15+$0x0], $0xffff;
	[tilespmem:s31+$0xFFFFFDA0] =	vst v41  }
0x2fc: {  	v51 =	vor.u32 v3, v24;
	[tilespmem:s31+$0xFFFFFA30] =	vst v28;
	v25 =	vld.idx.msk [tilespmem:v57+s15+$0x0], $0xffff  }
0x2fd: {  	v44 =	vor.u32 v2, v10;
	[tilespmem:s31+$0xFFFFFFB0] =	vst v30;
	v30 =	vld.idx.msk [tilespmem:v55+s15+$0x0], $0xffff  }
0x2fe: {  	[tilespmem:s31+$0xFFFFFAA0] =	vst v59;
	v59 =	vor.u32 v2, v21;
	v49 =	vld.idx.msk [tilespmem:v43+s15+$0x0], $0xffff  }
0x2ff: {  	v50 =	vor.u32 v2, v13;
	[tilespmem:s31+$0xFFFFFD20] =	vst v39;
	v15 =	vld.idx.msk [tilespmem:v48+s15+$0x0], $0xffff  }
0x300: {  	v61 =	vor.u32 v2, v23;
	[tilespmem:s31+$0xFFFFFC30] =	vst v29;
	v62 =	vld.idx.msk [tilespmem:v56+s15+$0x0], $0xffff  }
0x301: {  	v45 =	vor.u32 v2, v11;
	v31 =	vld.idx.msk [tilespmem:v51+s15+$0x0], $0xffff;
	[tilespmem:s31+$0xFFFFFDB0] =	vst v25  }
0x302: {  	v53 =	vor.u32 v2, v16;
	v51 =	vld.idx.msk [tilespmem:v44+s15+$0x0], $0xffff;
	[tilespmem:s31+$0xFFFFFBA0] =	vst v30  }
0x303: {  	v36 =	vor.u32 v3, v9;
	v32 =	vld.idx.msk [tilespmem:v59+s15+$0x0], $0xffff;
	[tilespmem:s31+$0xFFFFF8B0] =	vst v49  }
0x304: {  	v40 =	vor.u32 v3, v12;
	v30 =	vld.idx.msk [tilespmem:v50+s15+$0x0], $0xffff;
	[tilespmem:s31+$0xFFFFFAB0] =	vst v15  }
0x305: {  	v48 =	vor.u32 v3, v19;
	v15 =	vld.idx.msk [tilespmem:v61+s15+$0x0], $0xffff;
	[tilespmem:s31+$0xFFFFFD30] =	vst v62  }
0x306: {  	v60 =	vor.u32 v4, v24;
	[tilespmem:s31+$0xFFFFFFC0] =	vst v31;
	v31 =	vld.idx.msk [tilespmem:v45+s15+$0x0], $0xffff  }
0x307: {  	v37 =	vor.u32 v3, v10;
	[tilespmem:s31+$0xFFFFF930] =	vst v51;
	v58 =	vld.idx.msk [tilespmem:v53+s15+$0x0], $0xffff  }
0x308: {  	v63 =	vor.u32 v2, v8;
	v41 =	vld.idx.msk [tilespmem:v36+s15+$0x0], $0xffff;
	[tilespmem:s31+$0xFFFFFE30] =	vst v32  }
0x309: {  	v50 =	vor.u32 v3, v20;
	v47 =	vld.idx.msk [tilespmem:v40+s15+$0x0], $0xffff;
	[tilespmem:s31+$0xFFFFFB30] =	vst v30  }
0x30a: {  	v45 =	vor.u32 v3, v17;
	v57 =	vld.idx.msk [tilespmem:v48+s15+$0x0], $0xffff;
	[tilespmem:s31+$0xFFFFFF30] =	vst v15  }
0x30b: {  	v55 =	vor.u32 v2, v18;
	v27 =	vld.idx.msk [tilespmem:v60+s15+$0x0], $0xffff;
	[tilespmem:s31+$0xFFFFF9B0] =	vst v31  }
0x30c: {  	v60 =	vor.u32 v2, v22;
	v26 =	vld.idx.msk [tilespmem:v37+s15+$0x0], $0xffff;
	[tilespmem:s31+$0xFFFFFBB0] =	vst v58  }
0x30d: {  	v38 =	vor.u32 v3, v11;
	v30 =	vld.idx.msk [tilespmem:v63+s15+$0x0], $0xffff;
	[tilespmem:s31+$0xFFFFF8C0] =	vst v41  }
0x30e: {  	v43 =	vor.u32 v3, v16;
	v59 =	vld.idx.msk [tilespmem:v50+s15+$0x0], $0xffff;
	[tilespmem:s31+$0xFFFFFAC0] =	vst v47  }
0x30f: {  	v42 =	vor.u32 v5, v24;
	v53 =	vld.idx.msk [tilespmem:v45+s15+$0x0], $0xffff;
	[tilespmem:s31+$0xFFFFFD40] =	vst v57  }
0x310: {  	v62 =	vor.u32 v4, v10;
	[tilespmem:s31+$0xFFFFFFD0] =	vst v27;
	v27 =	vld.idx.msk [tilespmem:v55+s15+$0x0], $0xffff  }
0x311: {  	v58 =	vor.u32 v3, v8;
	v28 =	vld.idx.msk [tilespmem:v60+s15+$0x0], $0xffff;
	[tilespmem:s31+$0xFFFFF940] =	vst v26  }
0x312: {  	v39 =	vor.u32 v3, v14;
	v44 =	vld.idx.msk [tilespmem:v38+s15+$0x0], $0xffff;
	[tilespmem:s31+$0xFFFFF830] =	vst v30  }
0x313: {  	v56 =	vor.u32 v3, v23;
	v51 =	vld.idx.msk [tilespmem:v43+s15+$0x0], $0xffff;
	[tilespmem:s31+$0xFFFFFDC0] =	vst v59  }
0x314: {  	v60 =	vor.u32 v4, v9;
	v33 =	vld.idx.msk [tilespmem:v42+s15+$0x0], $0xffff;
	[tilespmem:s31+$0xFFFFFC40] =	vst v53  }
0x315: {  	v38 =	vor.u32 v4, v12;
	v41 =	vld.idx.msk [tilespmem:v62+s15+$0x0], $0xffff;
	[tilespmem:s31+$0xFFFFFCB0] =	vst v27  }
0x316: {  	v43 =	vor.u32 v4, v17;
	v37 =	vld.idx.msk [tilespmem:v58+s15+$0x0], $0xffff;
	[tilespmem:s31+$0xFFFFFEB0] =	vst v28  }
0x317: {  	v42 =	vor.u32 v3, v13;
	v27 =	vld.idx.msk [tilespmem:v39+s15+$0x0], $0xffff;
	[tilespmem:s31+$0xFFFFF9C0] =	vst v44  }
0x318: {  	v46 =	vor.u32 v3, v18;
	[tilespmem:s31+$0xFFFFFBC0] =	vst v51;
	v28 =	vld.idx.msk [tilespmem:v56+s15+$0x0], $0xffff  }
0x319: {  	v54 =	vor.u32 v3, v22;
	v39 =	vld.idx.msk [tilespmem:v60+s15+$0x0], $0xffff;
	[tilespmem:s31+$0xFFFFFFE0] =	vst v33  }
0x31a: {  	v63 =	vor.u32 v4, v11;
	v45 =	vld.idx.msk [tilespmem:v38+s15+$0x0], $0xffff;
	[tilespmem:s31+$0xFFFFF950] =	vst v41  }
0x31b: {  	v48 =	vor.u32 v4, v20;
	v51 =	vld.idx.msk [tilespmem:v43+s15+$0x0], $0xffff;
	[tilespmem:s31+$0xFFFFF840] =	vst v37  }
0x31c: {  	v52 =	vor.u32 v6, v24;
	v49 =	vld.idx.msk [tilespmem:v42+s15+$0x0], $0xffff;
	[tilespmem:s31+$0xFFFFFA40] =	vst v27  }
0x31d: {  	v36 =	vor.u32 v4, v14;
	v55 =	vld.idx.msk [tilespmem:v46+s15+$0x0], $0xffff;
	[tilespmem:s31+$0xFFFFFF40] =	vst v28  }
0x31e: {  	v29 =	vld.idx.msk [tilespmem:v54+s15+$0x0], $0xffff;
	v42 =	vor.u32 v4, v16;
	[tilespmem:s31+$0xFFFFF8D0] =	vst v39  }
0x31f: {  	v25 =	vld.idx.msk [tilespmem:v63+s15+$0x0], $0xffff;
	v46 =	vor.u32 v4, v19;
	[tilespmem:s31+$0xFFFFFAD0] =	vst v45  }
0x320: {  	v54 =	vor.u32 v4, v23;
	v33 =	vld.idx.msk [tilespmem:v48+s15+$0x0], $0xffff;
	[tilespmem:s31+$0xFFFFFC50] =	vst v51  }
0x321: {  	v56 =	vor.u32 v5, v9;
	v34 =	vld.idx.msk [tilespmem:v52+s15+$0x0], $0xffff;
	[tilespmem:s31+$0xFFFFFB40] =	vst v49  }
0x322: {  	v52 =	vor.u32 v3, v21;
	[tilespmem:s31+$0xFFFFFCC0] =	vst v55;
	v26 =	vld.idx.msk [tilespmem:v36+s15+$0x0], $0xffff  }
0x323: {  	v40 =	vor.u32 v4, v13;
	[tilespmem:s31+$0xFFFFFEC0] =	vst v29;
	v49 =	vld.idx.msk [tilespmem:v42+s15+$0x0], $0xffff  }
0x324: {  	v44 =	vor.u32 v4, v18;
	[tilespmem:s31+$0xFFFFF9D0] =	vst v25;
	v31 =	vld.idx.msk [tilespmem:v46+s15+$0x0], $0xffff  }
0x325: {  	v58 =	vor.u32 v5, v11;
	v29 =	vld.idx.msk [tilespmem:v54+s15+$0x0], $0xffff;
	[tilespmem:s31+$0xFFFFFDD0] =	vst v33  }
0x326: {  	v24 =	vor.u32 v7, v24;
	v28 =	vld.idx.msk [tilespmem:v56+s15+$0x0], $0xffff;
	[tilespmem:s31+$0xFFFFFFF0] =	vst v34  }
0x327: {  	v55 =	vor.u32 v4, v8;
	v61 =	vld.idx.msk [tilespmem:v52+s15+$0x0], $0xffff;
	[tilespmem:s31+$0xFFFFFA50] =	vst v26  }
0x328: {  	v36 =	vor.u32 v5, v17;
	v47 =	vld.idx.msk [tilespmem:v40+s15+$0x0], $0xffff;
	[tilespmem:s31+$0xFFFFFBD0] =	vst v49  }
0x329: {  	v52 =	vor.u32 v4, v22;
	v53 =	vld.idx.msk [tilespmem:v44+s15+$0x0], $0xffff;
	[tilespmem:s31+$0xFFFFFD50] =	vst v31  }
0x32a: {  	v59 =	vor.u32 v5, v14;
	v27 =	vld.idx.msk [tilespmem:v58+s15+$0x0], $0xffff;
	[tilespmem:s31+$0xFFFFFF50] =	vst v29  }
0x32b: {  	v63 =	vor.u32 v5, v16;
	v24 =	vld.idx.msk [tilespmem:v24+s15+$0x0], $0xffff;
	[tilespmem:s31+$0xFFFFF8E0] =	vst v28  }
0x32c: {  	v38 =	vor.u32 v5, v19;
	v60 =	vld.idx.msk [tilespmem:v55+s15+$0x0], $0xffff;
	[tilespmem:s31+$0xFFFFFE40] =	vst v61  }
0x32d: {  	v40 =	vor.u32 v5, v20;
	v43 =	vld.idx.msk [tilespmem:v36+s15+$0x0], $0xffff;
	[tilespmem:s31+$0xFFFFFB50] =	vst v47  }
0x32e: {  	v50 =	vor.u32 v4, v21;
	v30 =	vld.idx.msk [tilespmem:v52+s15+$0x0], $0xffff;
	[tilespmem:s31+$0xFFFFFCD0] =	vst v53  }
0x32f: {  	v57 =	vor.u32 v5, v10;
	v15 =	vld.idx.msk [tilespmem:v59+s15+$0x0], $0xffff;
	[tilespmem:s31+$0xFFFFF9E0] =	vst v27  }
0x330: {  	v62 =	vor.u32 v5, v13;
	v41 =	vld.idx.msk [tilespmem:v63+s15+$0x0], $0xffff;
	[tilespmem:s31+$0x0] =	vst v24  }
0x331: {  	v37 =	vor.u32 v5, v18;
	v29 =	vld.idx.msk [tilespmem:v38+s15+$0x0], $0xffff;
	[tilespmem:s31+$0xFFFFF850] =	vst v60  }
0x332: {  	v61 =	vor.u32 v5, v12;
	v31 =	vld.idx.msk [tilespmem:v40+s15+$0x0], $0xffff;
	[tilespmem:s31+$0xFFFFFC60] =	vst v43  }
0x333: {  	v46 =	vor.u32 v5, v23;
	v32 =	vld.idx.msk [tilespmem:v50+s15+$0x0], $0xffff;
	[tilespmem:s31+$0xFFFFFED0] =	vst v30  }
0x334: {  	v47 =	vor.u32 v5, v8;
	v24 =	vld.idx.msk [tilespmem:v57+s15+$0x0], $0xffff;
	[tilespmem:s31+$0xFFFFFA60] =	vst v15  }
0x335: {  	v55 =	vor.u32 v6, v17;
	v39 =	vld.idx.msk [tilespmem:v62+s15+$0x0], $0xffff;
	[tilespmem:s31+$0xFFFFFBE0] =	vst v41  }
0x336: {  	v44 =	vor.u32 v5, v22;
	v45 =	vld.idx.msk [tilespmem:v37+s15+$0x0], $0xffff;
	[tilespmem:s31+$0xFFFFFD60] =	vst v29  }
0x337: {  	v50 =	vor.u32 v6, v11;
	v26 =	vld.idx.msk [tilespmem:v61+s15+$0x0], $0xffff;
	[tilespmem:s31+$0xFFFFFDE0] =	vst v31  }
0x338: {  	v51 =	vor.u32 v6, v14;
	v30 =	vld.idx.msk [tilespmem:v46+s15+$0x0], $0xffff;
	[tilespmem:s31+$0xFFFFFE50] =	vst v32  }
0x339: {  	v54 =	vor.u32 v6, v16;
	v15 =	vld.idx.msk [tilespmem:v47+s15+$0x0], $0xffff;
	[tilespmem:s31+$0xFFFFF960] =	vst v24  }
0x33a: {  	v59 =	vor.u32 v6, v20;
	v62 =	vld.idx.msk [tilespmem:v55+s15+$0x0], $0xffff;
	[tilespmem:s31+$0xFFFFFB60] =	vst v39  }
0x33b: {  	v42 =	vor.u32 v5, v21;
	v32 =	vld.idx.msk [tilespmem:v44+s15+$0x0], $0xffff;
	[tilespmem:s31+$0xFFFFFCE0] =	vst v45  }
0x33c: {  	v49 =	vor.u32 v6, v10;
	v28 =	vld.idx.msk [tilespmem:v50+s15+$0x0], $0xffff;
	[tilespmem:s31+$0xFFFFFAE0] =	vst v26  }
0x33d: {  	v53 =	vor.u32 v6, v13;
	v24 =	vld.idx.msk [tilespmem:v51+s15+$0x0], $0xffff;
	[tilespmem:s31+$0xFFFFFF60] =	vst v30  }
0x33e: {  	v56 =	vor.u32 v6, v18;
	v60 =	vld.idx.msk [tilespmem:v54+s15+$0x0], $0xffff;
	[tilespmem:s31+$0xFFFFF860] =	vst v15  }
0x33f: {  	v48 =	vor.u32 v6, v9;
	v40 =	vld.idx.msk [tilespmem:v59+s15+$0x0], $0xffff;
	[tilespmem:s31+$0xFFFFFC70] =	vst v62  }
0x340: {  	v57 =	vor.u32 v6, v19;
	v33 =	vld.idx.msk [tilespmem:v42+s15+$0x0], $0xffff;
	[tilespmem:s31+$0xFFFFFEE0] =	vst v32  }
0x341: {  	v52 =	vor.u32 v6, v12;
	v25 =	vld.idx.msk [tilespmem:v49+s15+$0x0], $0xffff;
	[tilespmem:s31+$0xFFFFF9F0] =	vst v28  }
0x342: {  	v37 =	vor.u32 v6, v23;
	v58 =	vld.idx.msk [tilespmem:v53+s15+$0x0], $0xffff;
	[tilespmem:s31+$0xFFFFFA70] =	vst v24  }
0x343: {  	v38 =	vor.u32 v6, v8;
	v36 =	vld.idx.msk [tilespmem:v56+s15+$0x0], $0xffff;
	[tilespmem:s31+$0xFFFFFBF0] =	vst v60  }
0x344: {  	v63 =	vor.u32 v6, v22;
	v26 =	vld.idx.msk [tilespmem:v48+s15+$0x0], $0xffff;
	[tilespmem:s31+$0xFFFFFDF0] =	vst v40  }
0x345: {  	v43 =	vor.u32 v7, v11;
	v30 =	vld.idx.msk [tilespmem:v57+s15+$0x0], $0xffff;
	[tilespmem:s31+$0xFFFFFE60] =	vst v33  }
0x346: {  	v45 =	vor.u32 v7, v14;
	v27 =	vld.idx.msk [tilespmem:v52+s15+$0x0], $0xffff;
	[tilespmem:s31+$0xFFFFF970] =	vst v25  }
0x347: {  	v16 =	vor.u32 v7, v16;
	v46 =	vld.idx.msk [tilespmem:v37+s15+$0x0], $0xffff;
	[tilespmem:s31+$0xFFFFFB70] =	vst v58  }
0x348: {  	v49 =	vor.u32 v7, v17;
	v24 =	vld.idx.msk [tilespmem:v38+s15+$0x0], $0xffff;
	[tilespmem:s31+$0xFFFFFCF0] =	vst v36  }
0x349: {  	v61 =	vor.u32 v6, v21;
	v44 =	vld.idx.msk [tilespmem:v63+s15+$0x0], $0xffff;
	[tilespmem:s31+$0xFFFFF8F0] =	vst v26  }
0x34a: {  	v41 =	vor.u32 v7, v10;
	v11 =	vld.idx.msk [tilespmem:v43+s15+$0x0], $0xffff;
	[tilespmem:s31+$0xFFFFFD70] =	vst v30  }
0x34b: {  	v50 =	vor.u32 v7, v18;
	v14 =	vld.idx.msk [tilespmem:v45+s15+$0x0], $0xffff;
	[tilespmem:s31+$0xFFFFFAF0] =	vst v27  }
0x34c: {  	v48 =	vor.u32 v7, v13;
	v53 =	vld.idx.msk [tilespmem:v16+s15+$0x0], $0xffff;
	[tilespmem:s31+$0xFFFFFF70] =	vst v46  }
0x34d: {  	v39 =	vor.u32 v7, v9;
	v55 =	vld.idx.msk [tilespmem:v49+s15+$0x0], $0xffff;
	[tilespmem:s31+$0xFFFFF870] =	vst v24  }
0x34e: {  	v51 =	vor.u32 v7, v19;
	v42 =	vld.idx.msk [tilespmem:v61+s15+$0x0], $0xffff;
	[tilespmem:s31+$0xFFFFFEF0] =	vst v44  }
0x34f: {  	v52 =	vor.u32 v7, v20;
	v10 =	vld.idx.msk [tilespmem:v41+s15+$0x0], $0xffff;
	[tilespmem:s31+$0xFFFFFA00] =	vst v11  }
0x350: {  	v47 =	vor.u32 v7, v12;
	v57 =	vld.idx.msk [tilespmem:v50+s15+$0x0], $0xffff;
	[tilespmem:s31+$0xFFFFFA80] =	vst v14  }
0x351: {  	v58 =	vor.u32 v7, v23;
	v13 =	vld.idx.msk [tilespmem:v48+s15+$0x0], $0xffff;
	[tilespmem:s31+$0xFFFFFC00] =	vst v53  }
0x352: {  	v8 =	vor.u32 v7, v8;
	v9 =	vld.idx.msk [tilespmem:v39+s15+$0x0], $0xffff;
	[tilespmem:s31+$0xFFFFFC80] =	vst v55  }
0x353: {  	v56 =	vor.u32 v7, v22;
	v59 =	vld.idx.msk [tilespmem:v51+s15+$0x0], $0xffff;
	[tilespmem:s31+$0xFFFFFE70] =	vst v42  }
0x354: {  	v54 =	vor.u32 v7, v21;
	v60 =	vld.idx.msk [tilespmem:v52+s15+$0x0], $0xffff;
	[tilespmem:s31+$0xFFFFF980] =	vst v10  }
0x355: {  	v12 =	vld.idx.msk [tilespmem:v47+s15+$0x0], $0xffff;
	[tilespmem:s31+$0xFFFFFD00] =	vst v57  }
0x356: {  	v63 =	vld.idx.msk [tilespmem:v58+s15+$0x0], $0xffff;
	[tilespmem:s31+$0xFFFFFB80] =	vst v13  }
0x357: {  	v8 =	vld.idx.msk [tilespmem:v8+s15+$0x0], $0xffff;
	[tilespmem:s31+$0xFFFFF900] =	vst v9  }
0x358: {  	v62 =	vld.idx.msk [tilespmem:v56+s15+$0x0], $0xffff;
	[tilespmem:s31+$0xFFFFFD80] =	vst v59  }
0x359: {  	v61 =	vld.idx.msk [tilespmem:v54+s15+$0x0], $0xffff;
	[tilespmem:s31+$0xFFFFFE00] =	vst v60  }
0x35a: {  	[tilespmem:s31+$0xFFFFFB00] =	vst v12  }
0x35b: {  	[tilespmem:s31+$0xFFFFFF80] =	vst v63  }
0x35c: {  	[tilespmem:s31+$0xFFFFF880] =	vst v8  }
0x35d: {  	[tilespmem:s31+$0xFFFFFF00] =	vst v62  }
0x35e: {  	s21 =	sadd.s32 $0x1, s21;
	[tilespmem:s31+$0xFFFFFE80] =	vst v61  }
0x35f: {  	[hbm4b:s10+s16] =	stream.strided.scatter [tilespmem:s18], [sflag:$0x7], $0x2000, s17, s16, $0x38;
	[tilespmem:$0xC100] =	vst v63  }
0x360: {  	p0 =	sne.s32 s21, s11;
	_ =	swait.ge [sflag:s19], $0x2000  }
.Ltmp6:
0x361: {  	[sflag:s19] =	ssyncset.done $0x0;
	(pc) =	sbr.rel @p0 .LBB2_1-.Ltmp6, $4  }
0x362: {  	[sflag:s19] =	ssyncadd.s32 $0xFFFFE000  }
0x363: {  	_ =	swait.ge [sflag:s20], $0x2000  }
0x364: {  	[sflag:s20] =	ssyncset.done $0x0  }
0x365: {  	[sflag:s20] =	ssyncadd.s32 $0xFFFFE000  }
0x366: {  	_ =	sfence.sel $0x180000  }
0x367: {  	[bflag:$0x0] =	sbarrier.arrive $0xFFFF  }
0x368: {  	_ =	strace $0x90000047  }
0x369: {  	[bflag:$0x2] =	sbarrier.arrive $0xFFFF  }
0x36a: {  	p0 =	sne.s32 s0, $0x0;
	s0 =	rddreg [dreg:$0x3]  }
0x36b: {  	s0 =	sadd.s32 @!p0 $0x100000, s0  }
0x36c: {  	[sflag:s0] =	ssyncadd.tile.s32 @!p0 $0x1;
	_ =	shalt  }
.Lfunc_end2:
_tile_overlayer_lowered:
.L_overlay_start_2:
0x36d: {  	(tag) =	ssettag $0x2  }
0x36e: {  	s0 =	rddreg [dreg:$0x0];
	s2 =	stileid.u32  }
0x36f: {  	s1 =	rddreg [dreg:$0x1];
	p0 =	sne.s32 s2, $0x0  }
0x370: {  	s3 =	rddreg [dreg:$0x2];
	[bflag:$0x3] =	sbarrier.arrive $0xFFFF;
	s2 =	simm.s32 @!p0 $0x1C07  }
0x371: {  	[timem:s3], [sflag:s2] =	dma.local @!p0 [hbm:s0], s1  }
0x372: {  	s0 =	simm.s32 @!p0 $0x7  }
0x373: {  	_ =	swait.ge @!p0 [sflag:s0], s1  }
0x374: {  	s1 =	ssub.s32 @!p0 $0x0, s1;
	[sflag:s0] =	ssyncset.done @!p0 $0x0  }
0x375: {  	[sflag:s0] =	ssyncadd.s32 @!p0 s1  }
0x376: {  	[bflag:$0x3] =	sbarrier.arrive $0xFFFF  }
0x377: {  	_ =	shalt  }

</sc_bundles>
